<compile_context>
chip_gen: v7x
topology: tpu7x:2x2x1
jax: 0.10.2.dev20260603
libtpu: 0.0.44.dev20260713+nightly
codegen_flags: <defaults>
</compile_context>

<pallas_src>
import functools

import jax
import jax.numpy as jnp
from jax import lax
from jax.experimental import pallas as pl
from jax.experimental.pallas import tpu as pltpu
from jax.experimental.pallas import tpu_sc as plsc

HIDDEN = 512
EMBED = 64
K = 8192
COMMIT = 0.25
NTOK = 65536
T = 512
KC = 2048
NB = NTOK // T

SC_NC = 2
SC_NS = 16
SC_NW = SC_NC * SC_NS
SC_BPW = NTOK // SC_NW
SC_CH = 128
SC_NCH = SC_BPW // SC_CH


def _tree_sum(x):
    def halve(t):
        n = t.shape[1]
        while n > 1:
            n //= 2
            t = t[:, :n] + t[:, n:2 * n]
        return t
    return halve(x[:, :256]) + halve(x[:, 256:])


def _ln(h, g, be):
    mu = _tree_sum(h) * (1.0 / 512.0)
    c = h - mu
    var = _tree_sum(c * c) * (1.0 / 512.0)
    return c * lax.rsqrt(var + 1e-5) * g + be


def _enc_vq_body(x_ref, w1, b1, g1, e1, w2, b2, g2, e2, w3, b3, g3, e3,
                 w4, b4, cbt, c2_ref, z_ref, idx_ref):
    h = jnp.dot(x_ref[...].astype(jnp.bfloat16), w1[...],
                preferred_element_type=jnp.float32) + b1[...]
    h = _ln(jnp.maximum(h, 0.0), g1[...], e1[...])
    h = jnp.dot(h.astype(jnp.bfloat16), w2[...],
                preferred_element_type=jnp.float32) + b2[...]
    h = _ln(jnp.maximum(h, 0.0), g2[...], e2[...])
    h = jnp.dot(h.astype(jnp.bfloat16), w3[...],
                preferred_element_type=jnp.float32) + b3[...]
    h = _ln(jnp.maximum(h, 0.0), g3[...], e3[...])
    z = jnp.dot(h.astype(jnp.bfloat16), w4[...],
                preferred_element_type=jnp.float32) + b4[...]
    z_ref[...] = z

    s1 = jnp.sum(z * z, axis=1, keepdims=True)
    zb = z.astype(jnp.bfloat16)
    cbv = cbt[...]
    iota = lax.broadcasted_iota(jnp.int32, (T, KC), 1)
    best = jnp.full((T, 1), jnp.inf, jnp.float32)
    bidx = jnp.zeros((T, 1), jnp.int32)
    for c in range(K // KC):
        mm = jnp.dot(zb, cbv[:, c * KC:(c + 1) * KC],
                     preferred_element_type=jnp.float32)
        d = (s1 + c2_ref[...][:, c * KC:(c + 1) * KC]) - 2.0 * mm
        cm = jnp.min(d, axis=1, keepdims=True)
        ci = jnp.min(jnp.where(d == cm, iota, K), axis=1, keepdims=True) + c * KC
        upd = cm < best
        best = jnp.where(upd, cm, best)
        bidx = jnp.where(upd, ci, bidx)
    idx_ref[...] = bidx


def _dec_body(z_ref, q_ref, x_ref, v1, c1, dg1, de1, v2, c2, dg2, de2,
              v3, c3, dg3, de3, v4, c4, qs_ref, rec_ref, sums_ref, acc):
    i = pl.program_id(0)
    z = z_ref[...]
    q = q_ref[...][:, :EMBED]
    qs = z + (q - z)
    qs_ref[...] = qs
    diff = q - z
    ls = jnp.sum(diff * diff)

    h = jnp.dot(qs.astype(jnp.bfloat16), v1[...],
                preferred_element_type=jnp.float32) + c1[...]
    h = _ln(jnp.maximum(h, 0.0), dg1[...], de1[...])
    h = jnp.dot(h.astype(jnp.bfloat16), v2[...],
                preferred_element_type=jnp.float32) + c2[...]
    h = _ln(jnp.maximum(h, 0.0), dg2[...], de2[...])
    h = jnp.dot(h.astype(jnp.bfloat16), v3[...],
                preferred_element_type=jnp.float32) + c3[...]
    h = _ln(jnp.maximum(h, 0.0), dg3[...], de3[...])
    rec = jnp.dot(h.astype(jnp.bfloat16), v4[...],
                  preferred_element_type=jnp.float32) + c4[...]
    rec_ref[...] = rec
    rd = rec - x_ref[...]
    rs = jnp.sum(rd * rd)

    @pl.when(i == 0)
    def _():
        acc[0] = 0.0
        acc[1] = 0.0

    acc[0] = acc[0] + ls
    acc[1] = acc[1] + rs

    @pl.when(i == pl.num_programs(0) - 1)
    def _():
        r = lax.broadcasted_iota(jnp.int32, (8, 128), 0)
        c = lax.broadcasted_iota(jnp.int32, (8, 128), 1)
        out = jnp.where((r == 0) & (c == 0), acc[0], 0.0)
        out = jnp.where((r == 0) & (c == 1), acc[1], out)
        sums_ref[...] = out


def _full(shape):
    return pl.BlockSpec(shape, lambda i: tuple(0 for _ in shape))


def _sc_gather(codebook_pad, idx):
    mesh = plsc.VectorSubcoreMesh(core_axis_name="c", subcore_axis_name="s")

    @functools.partial(
        pl.kernel, mesh=mesh,
        out_type=jax.ShapeDtypeStruct((NTOK, 128), jnp.float32),
        scratch_types=[
            pltpu.VMEM((SC_BPW,), jnp.int32),
            pltpu.VMEM((SC_CH, 128), jnp.float32),
            pltpu.VMEM((SC_CH, 128), jnp.float32),
            pltpu.SemaphoreType.DMA,
            pltpu.SemaphoreType.DMA,
        ],
    )
    def k(table_hbm, idx_hbm, out_hbm, idx_v, buf0, buf1, sem0, sem1):
        wid = lax.axis_index("s") * SC_NC + lax.axis_index("c")
        base = wid * SC_BPW
        pltpu.sync_copy(idx_hbm.at[pl.ds(base, SC_BPW)], idx_v)
        bufs = (buf0, buf1)
        sems = (sem0, sem1)
        cps = [None, None]
        cps[0] = pltpu.async_copy(
            table_hbm.at[idx_v.at[pl.ds(0, SC_CH)]], bufs[0], sems[0])
        for j in range(SC_NCH):
            nxt = j + 1
            if nxt < SC_NCH:
                cps[nxt % 2] = pltpu.async_copy(
                    table_hbm.at[idx_v.at[pl.ds(nxt * SC_CH, SC_CH)]],
                    bufs[nxt % 2], sems[nxt % 2])
            cps[j % 2].wait()
            pltpu.sync_copy(bufs[j % 2],
                            out_hbm.at[pl.ds(base + j * SC_CH, SC_CH)])

    return k(codebook_pad, idx)


def kernel(x, enc_params, codebook, dec_params):
    x2 = x.reshape(NTOK, 3)
    (ew1, eb1, eg1, ee1), (ew2, eb2, eg2, ee2), (ew3, eb3, eg3, ee3), \
        (ew4, eb4) = enc_params
    (dw1, db1, dg1, de1), (dw2, db2, dg2, de2), (dw3, db3, dg3, de3), \
        (dw4, db4) = dec_params

    bf = jnp.bfloat16
    row = lambda v: v.reshape(1, -1)
    cbt = codebook.T.astype(bf)

    z, idx2 = pl.pallas_call(
        _enc_vq_body,
        grid=(NB,),
        in_specs=[
            pl.BlockSpec((T, 3), lambda i: (i, 0)),
            _full((3, HIDDEN)), _full((1, HIDDEN)), _full((1, HIDDEN)), _full((1, HIDDEN)),
            _full((HIDDEN, HIDDEN)), _full((1, HIDDEN)), _full((1, HIDDEN)), _full((1, HIDDEN)),
            _full((HIDDEN, HIDDEN)), _full((1, HIDDEN)), _full((1, HIDDEN)), _full((1, HIDDEN)),
            _full((HIDDEN, EMBED)), _full((1, EMBED)),
            _full((EMBED, K)),
            _full((1, K)),
        ],
        out_specs=[
            pl.BlockSpec((T, EMBED), lambda i: (i, 0)),
            pl.BlockSpec((T, 1), lambda i: (i, 0)),
        ],
        out_shape=[
            jax.ShapeDtypeStruct((NTOK, EMBED), jnp.float32),
            jax.ShapeDtypeStruct((NTOK, 1), jnp.int32),
        ],
        compiler_params=pltpu.CompilerParams(
            dimension_semantics=("arbitrary",)),
    )(x2, ew1.astype(bf), row(eb1), row(eg1), row(ee1),
      ew2.astype(bf), row(eb2), row(eg2), row(ee2),
      ew3.astype(bf), row(eb3), row(eg3), row(ee3),
      ew4.astype(bf), row(eb4), cbt,
      jnp.sum(codebook ** 2, axis=1).reshape(1, K))

    cb_pad = jnp.pad(codebook, ((0, 0), (0, 128 - EMBED)))
    quant = _sc_gather(cb_pad, idx2.reshape(NTOK))

    qs, rec, sums = pl.pallas_call(
        _dec_body,
        grid=(NB,),
        in_specs=[
            pl.BlockSpec((T, EMBED), lambda i: (i, 0)),
            pl.BlockSpec((T, 128), lambda i: (i, 0)),
            pl.BlockSpec((T, 3), lambda i: (i, 0)),
            _full((EMBED, HIDDEN)), _full((1, HIDDEN)), _full((1, HIDDEN)), _full((1, HIDDEN)),
            _full((HIDDEN, HIDDEN)), _full((1, HIDDEN)), _full((1, HIDDEN)), _full((1, HIDDEN)),
            _full((HIDDEN, HIDDEN)), _full((1, HIDDEN)), _full((1, HIDDEN)), _full((1, HIDDEN)),
            _full((HIDDEN, 3)), _full((1, 3)),
        ],
        out_specs=[
            pl.BlockSpec((T, EMBED), lambda i: (i, 0)),
            pl.BlockSpec((T, 3), lambda i: (i, 0)),
            pl.BlockSpec((8, 128), lambda i: (0, 0)),
        ],
        out_shape=[
            jax.ShapeDtypeStruct((NTOK, EMBED), jnp.float32),
            jax.ShapeDtypeStruct((NTOK, 3), jnp.float32),
            jax.ShapeDtypeStruct((8, 128), jnp.float32),
        ],
        scratch_shapes=[pltpu.SMEM((2,), jnp.float32)],
        compiler_params=pltpu.CompilerParams(
            dimension_semantics=("arbitrary",)),
    )(z, quant, x2,
      dw1.astype(bf), row(db1), row(dg1), row(de1),
      dw2.astype(bf), row(db2), row(dg2), row(de2),
      dw3.astype(bf), row(db3), row(dg3), row(de3),
      dw4.astype(bf), row(db4))

    e_latent = sums[0, 0] / jnp.float32(NTOK * EMBED)
    vq_loss = COMMIT * e_latent + e_latent
    recon_loss = sums[0, 1] / jnp.float32(NTOK * 3)
    loss = recon_loss + vq_loss
    return rec.reshape(x.shape), qs.reshape(1024, 64, EMBED), loss

# --- scband reference (transcript-rebuilt; emitter-appended) ---
"""Pipeline reference for scband-molecular-vqvae-16939351016122 (READ-ONLY COPY).

The authoritative reference and input builder live on the scoring server;
editing this copy changes nothing except your own understanding.
"""

import jax, jax.numpy as jnp
import numpy as np

HIDDEN = 512
EMBED = 64
K = 8192
NUM_LAYERS = 3
COMMIT = 0.25


def _linear_init(key, fan_in, fan_out):
    kw, kb = jax.random.split(key)
    bound = 1.0 / np.sqrt(fan_in)
    W = jax.random.uniform(kw, (fan_in, fan_out), minval=-bound, maxval=bound, dtype=jnp.float32)
    b = jax.random.uniform(kb, (fan_out,), minval=-bound, maxval=bound, dtype=jnp.float32)
    return W, b


def _make_mlp(key, in_dim, hidden, out_dim, num_layers):
    params = []
    k = key
    k, sub = jax.random.split(k)
    W, b = _linear_init(sub, in_dim, hidden)
    params.append((W, b, jnp.ones((hidden,), jnp.float32), jnp.zeros((hidden,), jnp.float32)))
    for _ in range(num_layers - 1):
        k, sub = jax.random.split(k)
        W, b = _linear_init(sub, hidden, hidden)
        params.append((W, b, jnp.ones((hidden,), jnp.float32), jnp.zeros((hidden,), jnp.float32)))
    k, sub = jax.random.split(k)
    W, b = _linear_init(sub, hidden, out_dim)
    params.append((W, b))
    return params


def setup_inputs(seed: int = 0) -> dict:
    key = jax.random.key(seed)
    kx, ke, kd, kc = jax.random.split(key, 4)
    x = jax.random.normal(kx, (1024, 64, 3), dtype=jnp.float32)
    enc_params = _make_mlp(ke, 3, HIDDEN, EMBED, NUM_LAYERS)
    dec_params = _make_mlp(kd, EMBED, HIDDEN, 3, NUM_LAYERS)
    codebook = jax.random.uniform(kc, (K, EMBED), minval=-1.0 / K, maxval=1.0 / K, dtype=jnp.float32)
    return {"x": x, "enc_params": enc_params, "codebook": codebook, "dec_params": dec_params}


def _layernorm(x, g, b, eps=1e-5):
    mu = jnp.mean(x, axis=-1, keepdims=True)
    var = jnp.mean((x - mu) ** 2, axis=-1, keepdims=True)
    return (x - mu) / jnp.sqrt(var + eps) * g + b


def _mlp(x, params):
    for p in params[:-1]:
        W, b, g, beta = p
        x = x @ W + b
        x = jax.nn.relu(x)
        x = _layernorm(x, g, beta)
    W, b = params[-1]
    return x @ W + b


def _forward(x, enc_params, codebook, dec_params):
    z = _mlp(x, enc_params)
    flat = z.reshape(-1, EMBED)
    distances = (jnp.sum(flat ** 2, axis=1, keepdims=True)
                 + jnp.sum(codebook ** 2, axis=1)
                 - 2.0 * flat @ codebook.T)
    idx = jnp.argmin(distances, axis=1)
    quant = jnp.take(codebook, idx, axis=0).reshape(z.shape)
    e_latent_loss = jnp.mean((jax.lax.stop_gradient(quant) - z) ** 2)
    q_latent_loss = jnp.mean((quant - jax.lax.stop_gradient(z)) ** 2)
    vq_loss = COMMIT * e_latent_loss + q_latent_loss
    quant_st = z + jax.lax.stop_gradient(quant - z)
    recon = _mlp(quant_st, dec_params)
    recon_loss = jnp.mean((recon - x) ** 2)
    loss = recon_loss + vq_loss
    return recon, quant_st, loss


def reference(x, enc_params, codebook, dec_params):
    return _forward(x, enc_params, codebook, dec_params)

if __name__ == "__main__":
    import jax
    _d = setup_inputs()
    print(jax.jit(kernel)(*tuple(_d.values())))

</pallas_src>

<mosaic_0001>
#map = affine_map<(d0, d1) -> (0, 0)>
#map1 = affine_map<(d0, d1) -> (0)>
module attributes {stable_mosaic.version = 14 : i64} {
  func.func @k(%arg0: i32, %arg1: i32, %arg2: memref<8192x128xf32, #tpu.memory_space<hbm>>, %arg3: memref<65536xi32, #tpu.memory_space<hbm>>, %arg4: memref<65536x128xf32, #tpu.memory_space<hbm>>, %arg5: memref<2048xi32, #tpu.memory_space<vmem>>, %arg6: memref<128x128xf32, #tpu.memory_space<vmem>>, %arg7: memref<128x128xf32, #tpu.memory_space<vmem>>, %arg8: memref<!tpu.dma_semaphore, #tpu.memory_space<semaphore_mem>>, %arg9: memref<!tpu.dma_semaphore, #tpu.memory_space<semaphore_mem>>) attributes {dimension_semantics = [#tpu.dimension_semantics<core_parallel>, #tpu.dimension_semantics<subcore_parallel>], iteration_bounds = array<i64: 2, 16>, scalar_prefetch = 0 : i64, scratch_operands = 5 : i64, tpu.core_type = #tpu.core_type<sc_vector_subcore>, window_params = [{transform_indices = #map}, {transform_indices = #map1}, {transform_indices = #map}]} {
    %mul3A = arith.constant 2 : i32
    %mul3A_0 = arith.muli %arg1, %mul3A : i32
    %add3A = arith.addi %mul3A_0, %arg0 : i32
    %mul3A_1 = arith.constant 2048 : i32
    %mul3A_2 = arith.muli %add3A, %mul3A_1 : i32
    "tpu.region"() ({
      %run_scoped3A = tpu.sem_alloc : memref<!tpu.dma_semaphore, #tpu.memory_space<semaphore_mem>>
      %dma_start3A_193 = tpu.memref_slice %arg3[%mul3A_2] : memref<65536xi32, #tpu.memory_space<hbm>> -> memref<2048xi32, #tpu.memory_space<hbm>>
      %dma_start3A_194 = tpu.memref_slice %arg3[%mul3A_2] : memref<65536xi32, #tpu.memory_space<hbm>> -> memref<2048xi32, #tpu.memory_space<hbm>>
      tpu.enqueue_dma source(%dma_start3A_194 : memref<2048xi32, #tpu.memory_space<hbm>>) target(%arg5 : memref<2048xi32, #tpu.memory_space<vmem>>) target_semaphore(%run_scoped3A : memref<!tpu.dma_semaphore, #tpu.memory_space<semaphore_mem>>)
      %dma_wait3A_195 = tpu.memref_slice %arg3[%mul3A_2] : memref<65536xi32, #tpu.memory_space<hbm>> -> memref<2048xi32, #tpu.memory_space<hbm>>
      %dma_wait3A_196 = tpu.memref_slice %arg3[%mul3A_2] : memref<65536xi32, #tpu.memory_space<hbm>> -> memref<2048xi32, #tpu.memory_space<hbm>>
      tpu.wait_dma2 semaphore(%run_scoped3A : memref<!tpu.dma_semaphore, #tpu.memory_space<semaphore_mem>>) src(%dma_wait3A_196 : memref<2048xi32, #tpu.memory_space<hbm>>) dst(%arg5 : memref<2048xi32, #tpu.memory_space<vmem>>)
      tpu.yield
    }) : () -> ()
    %dma_start3A = arith.constant 0 : i32
    %dma_start3A_3 = tpu.memref_slice %arg5[%dma_start3A] : memref<2048xi32, #tpu.memory_space<vmem>> -> memref<128xi32, #tpu.memory_space<vmem>>
    %dma_start3A_4 = arith.constant 0 : i32
    %dma_start3A_5 = arith.constant 0 : i32
    %dma_start3A_6 = tpu.memref_slice %arg2[%dma_start3A_4, %dma_start3A_5] : memref<8192x128xf32, #tpu.memory_space<hbm>> -> memref<8192x128xf32, #tpu.memory_space<hbm>>
    tpu.enqueue_indirect_dma source(%dma_start3A_6 : memref<8192x128xf32, #tpu.memory_space<hbm>>) target(%arg6 : memref<128x128xf32, #tpu.memory_space<vmem>>) offsets(%dma_start3A_3 : memref<128xi32, #tpu.memory_space<vmem>>) semaphore(%arg8 : memref<!tpu.dma_semaphore, #tpu.memory_space<semaphore_mem>>)
    %dma_start3A_7 = arith.constant 128 : i32
    %dma_start3A_8 = tpu.memref_slice %arg5[%dma_start3A_7] : memref<2048xi32, #tpu.memory_space<vmem>> -> memref<128xi32, #tpu.memory_space<vmem>>
    %dma_start3A_9 = arith.constant 0 : i32
    %dma_start3A_10 = arith.constant 0 : i32
    %dma_start3A_11 = tpu.memref_slice %arg2[%dma_start3A_9, %dma_start3A_10] : memref<8192x128xf32, #tpu.memory_space<hbm>> -> memref<8192x128xf32, #tpu.memory_space<hbm>>
    tpu.enqueue_indirect_dma source(%dma_start3A_11 : memref<8192x128xf32, #tpu.memory_space<hbm>>) target(%arg7 : memref<128x128xf32, #tpu.memory_space<vmem>>) offsets(%dma_start3A_8 : memref<128xi32, #tpu.memory_space<vmem>>) semaphore(%arg9 : memref<!tpu.dma_semaphore, #tpu.memory_space<semaphore_mem>>)
    %dma_wait3A = arith.constant 0 : i32
    %dma_wait3A_12 = tpu.memref_slice %arg5[%dma_wait3A] : memref<2048xi32, #tpu.memory_space<vmem>> -> memref<128xi32, #tpu.memory_space<vmem>>
    %dma_wait3A_13 = arith.constant 0 : i32
    %dma_wait3A_14 = arith.constant 0 : i32
    %dma_wait3A_15 = tpu.memref_slice %arg2[%dma_wait3A_13, %dma_wait3A_14] : memref<8192x128xf32, #tpu.memory_space<hbm>> -> memref<8192x128xf32, #tpu.memory_space<hbm>>
    tpu.wait_indirect_dma semaphore(%arg8 : memref<!tpu.dma_semaphore, #tpu.memory_space<semaphore_mem>>) src(%dma_wait3A_15 : memref<8192x128xf32, #tpu.memory_space<hbm>>) dst(%arg6 : memref<128x128xf32, #tpu.memory_space<vmem>>)
    %add3A_16 = arith.constant 0 : i32
    %add3A_17 = arith.addi %mul3A_2, %add3A_16 : i32
    "tpu.region"() ({
      %run_scoped3A = tpu.sem_alloc : memref<!tpu.dma_semaphore, #tpu.memory_space<semaphore_mem>>
      %dma_start3A_193 = arith.constant 0 : i32
      %dma_start3A_194 = tpu.memref_slice %arg4[%add3A_17, %dma_start3A_193] : memref<65536x128xf32, #tpu.memory_space<hbm>> -> memref<128x128xf32, #tpu.memory_space<hbm>>
      %dma_start3A_195 = arith.constant 0 : i32
      %dma_start3A_196 = tpu.memref_slice %arg4[%add3A_17, %dma_start3A_195] : memref<65536x128xf32, #tpu.memory_space<hbm>> -> memref<128x128xf32, #tpu.memory_space<hbm>>
      tpu.enqueue_dma source(%arg6 : memref<128x128xf32, #tpu.memory_space<vmem>>) target(%dma_start3A_196 : memref<128x128xf32, #tpu.memory_space<hbm>>) target_semaphore(%run_scoped3A : memref<!tpu.dma_semaphore, #tpu.memory_space<semaphore_mem>>)
      %dma_wait3A_197 = arith.constant 0 : i32
      %dma_wait3A_198 = tpu.memref_slice %arg4[%add3A_17, %dma_wait3A_197] : memref<65536x128xf32, #tpu.memory_space<hbm>> -> memref<128x128xf32, #tpu.memory_space<hbm>>
      %dma_wait3A_199 = arith.constant 0 : i32
      %dma_wait3A_200 = tpu.memref_slice %arg4[%add3A_17, %dma_wait3A_199] : memref<65536x128xf32, #tpu.memory_space<hbm>> -> memref<128x128xf32, #tpu.memory_space<hbm>>
      tpu.wait_dma2 semaphore(%run_scoped3A : memref<!tpu.dma_semaphore, #tpu.memory_space<semaphore_mem>>) src(%arg6 : memref<128x128xf32, #tpu.memory_space<vmem>>) dst(%dma_wait3A_200 : memref<128x128xf32, #tpu.memory_space<hbm>>)
      tpu.yield
    }) : () -> ()
    %dma_start3A_18 = arith.constant 256 : i32
    %dma_start3A_19 = tpu.memref_slice %arg5[%dma_start3A_18] : memref<2048xi32, #tpu.memory_space<vmem>> -> memref<128xi32, #tpu.memory_space<vmem>>
    %dma_start3A_20 = arith.constant 0 : i32
    %dma_start3A_21 = arith.constant 0 : i32
    %dma_start3A_22 = tpu.memref_slice %arg2[%dma_start3A_20, %dma_start3A_21] : memref<8192x128xf32, #tpu.memory_space<hbm>> -> memref<8192x128xf32, #tpu.memory_space<hbm>>
    tpu.enqueue_indirect_dma source(%dma_start3A_22 : memref<8192x128xf32, #tpu.memory_space<hbm>>) target(%arg6 : memref<128x128xf32, #tpu.memory_space<vmem>>) offsets(%dma_start3A_19 : memref<128xi32, #tpu.memory_space<vmem>>) semaphore(%arg8 : memref<!tpu.dma_semaphore, #tpu.memory_space<semaphore_mem>>)
    %dma_wait3A_23 = arith.constant 128 : i32
    %dma_wait3A_24 = tpu.memref_slice %arg5[%dma_wait3A_23] : memref<2048xi32, #tpu.memory_space<vmem>> -> memref<128xi32, #tpu.memory_space<vmem>>
    %dma_wait3A_25 = arith.constant 0 : i32
    %dma_wait3A_26 = arith.constant 0 : i32
    %dma_wait3A_27 = tpu.memref_slice %arg2[%dma_wait3A_25, %dma_wait3A_26] : memref<8192x128xf32, #tpu.memory_space<hbm>> -> memref<8192x128xf32, #tpu.memory_space<hbm>>
    tpu.wait_indirect_dma semaphore(%arg9 : memref<!tpu.dma_semaphore, #tpu.memory_space<semaphore_mem>>) src(%dma_wait3A_27 : memref<8192x128xf32, #tpu.memory_space<hbm>>) dst(%arg7 : memref<128x128xf32, #tpu.memory_space<vmem>>)
    %add3A_28 = arith.constant 128 : i32
    %add3A_29 = arith.addi %mul3A_2, %add3A_28 : i32
    "tpu.region"() ({
      %run_scoped3A = tpu.sem_alloc : memref<!tpu.dma_semaphore, #tpu.memory_space<semaphore_mem>>
      %dma_start3A_193 = arith.constant 0 : i32
      %dma_start3A_194 = tpu.memref_slice %arg4[%add3A_29, %dma_start3A_193] : memref<65536x128xf32, #tpu.memory_space<hbm>> -> memref<128x128xf32, #tpu.memory_space<hbm>>
      %dma_start3A_195 = arith.constant 0 : i32
      %dma_start3A_196 = tpu.memref_slice %arg4[%add3A_29, %dma_start3A_195] : memref<65536x128xf32, #tpu.memory_space<hbm>> -> memref<128x128xf32, #tpu.memory_space<hbm>>
      tpu.enqueue_dma source(%arg7 : memref<128x128xf32, #tpu.memory_space<vmem>>) target(%dma_start3A_196 : memref<128x128xf32, #tpu.memory_space<hbm>>) target_semaphore(%run_scoped3A : memref<!tpu.dma_semaphore, #tpu.memory_space<semaphore_mem>>)
      %dma_wait3A_197 = arith.constant 0 : i32
      %dma_wait3A_198 = tpu.memref_slice %arg4[%add3A_29, %dma_wait3A_197] : memref<65536x128xf32, #tpu.memory_space<hbm>> -> memref<128x128xf32, #tpu.memory_space<hbm>>
      %dma_wait3A_199 = arith.constant 0 : i32
      %dma_wait3A_200 = tpu.memref_slice %arg4[%add3A_29, %dma_wait3A_199] : memref<65536x128xf32, #tpu.memory_space<hbm>> -> memref<128x128xf32, #tpu.memory_space<hbm>>
      tpu.wait_dma2 semaphore(%run_scoped3A : memref<!tpu.dma_semaphore, #tpu.memory_space<semaphore_mem>>) src(%arg7 : memref<128x128xf32, #tpu.memory_space<vmem>>) dst(%dma_wait3A_200 : memref<128x128xf32, #tpu.memory_space<hbm>>)
      tpu.yield
    }) : () -> ()
    %dma_start3A_30 = arith.constant 384 : i32
    %dma_start3A_31 = tpu.memref_slice %arg5[%dma_start3A_30] : memref<2048xi32, #tpu.memory_space<vmem>> -> memref<128xi32, #tpu.memory_space<vmem>>
    %dma_start3A_32 = arith.constant 0 : i32
    %dma_start3A_33 = arith.constant 0 : i32
    %dma_start3A_34 = tpu.memref_slice %arg2[%dma_start3A_32, %dma_start3A_33] : memref<8192x128xf32, #tpu.memory_space<hbm>> -> memref<8192x128xf32, #tpu.memory_space<hbm>>
    tpu.enqueue_indirect_dma source(%dma_start3A_34 : memref<8192x128xf32, #tpu.memory_space<hbm>>) target(%arg7 : memref<128x128xf32, #tpu.memory_space<vmem>>) offsets(%dma_start3A_31 : memref<128xi32, #tpu.memory_space<vmem>>) semaphore(%arg9 : memref<!tpu.dma_semaphore, #tpu.memory_space<semaphore_mem>>)
    %dma_wait3A_35 = arith.constant 256 : i32
    %dma_wait3A_36 = tpu.memref_slice %arg5[%dma_wait3A_35] : memref<2048xi32, #tpu.memory_space<vmem>> -> memref<128xi32, #tpu.memory_space<vmem>>
    %dma_wait3A_37 = arith.constant 0 : i32
    %dma_wait3A_38 = arith.constant 0 : i32
    %dma_wait3A_39 = tpu.memref_slice %arg2[%dma_wait3A_37, %dma_wait3A_38] : memref<8192x128xf32, #tpu.memory_space<hbm>> -> memref<8192x128xf32, #tpu.memory_space<hbm>>
    tpu.wait_indirect_dma semaphore(%arg8 : memref<!tpu.dma_semaphore, #tpu.memory_space<semaphore_mem>>) src(%dma_wait3A_39 : memref<8192x128xf32, #tpu.memory_space<hbm>>) dst(%arg6 : memref<128x128xf32, #tpu.memory_space<vmem>>)
    %add3A_40 = arith.constant 256 : i32
    %add3A_41 = arith.addi %mul3A_2, %add3A_40 : i32
    "tpu.region"() ({
      %run_scoped3A = tpu.sem_alloc : memref<!tpu.dma_semaphore, #tpu.memory_space<semaphore_mem>>
      %dma_start3A_193 = arith.constant 0 : i32
      %dma_start3A_194 = tpu.memref_slice %arg4[%add3A_41, %dma_start3A_193] : memref<65536x128xf32, #tpu.memory_space<hbm>> -> memref<128x128xf32, #tpu.memory_space<hbm>>
      %dma_start3A_195 = arith.constant 0 : i32
      %dma_start3A_196 = tpu.memref_slice %arg4[%add3A_41, %dma_start3A_195] : memref<65536x128xf32, #tpu.memory_space<hbm>> -> memref<128x128xf32, #tpu.memory_space<hbm>>
      tpu.enqueue_dma source(%arg6 : memref<128x128xf32, #tpu.memory_space<vmem>>) target(%dma_start3A_196 : memref<128x128xf32, #tpu.memory_space<hbm>>) target_semaphore(%run_scoped3A : memref<!tpu.dma_semaphore, #tpu.memory_space<semaphore_mem>>)
      %dma_wait3A_197 = arith.constant 0 : i32
      %dma_wait3A_198 = tpu.memref_slice %arg4[%add3A_41, %dma_wait3A_197] : memref<65536x128xf32, #tpu.memory_space<hbm>> -> memref<128x128xf32, #tpu.memory_space<hbm>>
      %dma_wait3A_199 = arith.constant 0 : i32
      %dma_wait3A_200 = tpu.memref_slice %arg4[%add3A_41, %dma_wait3A_199] : memref<65536x128xf32, #tpu.memory_space<hbm>> -> memref<128x128xf32, #tpu.memory_space<hbm>>
      tpu.wait_dma2 semaphore(%run_scoped3A : memref<!tpu.dma_semaphore, #tpu.memory_space<semaphore_mem>>) src(%arg6 : memref<128x128xf32, #tpu.memory_space<vmem>>) dst(%dma_wait3A_200 : memref<128x128xf32, #tpu.memory_space<hbm>>)
      tpu.yield
    }) : () -> ()
    %dma_start3A_42 = arith.constant 512 : i32
    %dma_start3A_43 = tpu.memref_slice %arg5[%dma_start3A_42] : memref<2048xi32, #tpu.memory_space<vmem>> -> memref<128xi32, #tpu.memory_space<vmem>>
    %dma_start3A_44 = arith.constant 0 : i32
    %dma_start3A_45 = arith.constant 0 : i32
    %dma_start3A_46 = tpu.memref_slice %arg2[%dma_start3A_44, %dma_start3A_45] : memref<8192x128xf32, #tpu.memory_space<hbm>> -> memref<8192x128xf32, #tpu.memory_space<hbm>>
    tpu.enqueue_indirect_dma source(%dma_start3A_46 : memref<8192x128xf32, #tpu.memory_space<hbm>>) target(%arg6 : memref<128x128xf32, #tpu.memory_space<vmem>>) offsets(%dma_start3A_43 : memref<128xi32, #tpu.memory_space<vmem>>) semaphore(%arg8 : memref<!tpu.dma_semaphore, #tpu.memory_space<semaphore_mem>>)
    %dma_wait3A_47 = arith.constant 384 : i32
    %dma_wait3A_48 = tpu.memref_slice %arg5[%dma_wait3A_47] : memref<2048xi32, #tpu.memory_space<vmem>> -> memref<128xi32, #tpu.memory_space<vmem>>
    %dma_wait3A_49 = arith.constant 0 : i32
    %dma_wait3A_50 = arith.constant 0 : i32
    %dma_wait3A_51 = tpu.memref_slice %arg2[%dma_wait3A_49, %dma_wait3A_50] : memref<8192x128xf32, #tpu.memory_space<hbm>> -> memref<8192x128xf32, #tpu.memory_space<hbm>>
    tpu.wait_indirect_dma semaphore(%arg9 : memref<!tpu.dma_semaphore, #tpu.memory_space<semaphore_mem>>) src(%dma_wait3A_51 : memref<8192x128xf32, #tpu.memory_space<hbm>>) dst(%arg7 : memref<128x128xf32, #tpu.memory_space<vmem>>)
    %add3A_52 = arith.constant 384 : i32
    %add3A_53 = arith.addi %mul3A_2, %add3A_52 : i32
    "tpu.region"() ({
      %run_scoped3A = tpu.sem_alloc : memref<!tpu.dma_semaphore, #tpu.memory_space<semaphore_mem>>
      %dma_start3A_193 = arith.constant 0 : i32
      %dma_start3A_194 = tpu.memref_slice %arg4[%add3A_53, %dma_start3A_193] : memref<65536x128xf32, #tpu.memory_space<hbm>> -> memref<128x128xf32, #tpu.memory_space<hbm>>
      %dma_start3A_195 = arith.constant 0 : i32
      %dma_start3A_196 = tpu.memref_slice %arg4[%add3A_53, %dma_start3A_195] : memref<65536x128xf32, #tpu.memory_space<hbm>> -> memref<128x128xf32, #tpu.memory_space<hbm>>
      tpu.enqueue_dma source(%arg7 : memref<128x128xf32, #tpu.memory_space<vmem>>) target(%dma_start3A_196 : memref<128x128xf32, #tpu.memory_space<hbm>>) target_semaphore(%run_scoped3A : memref<!tpu.dma_semaphore, #tpu.memory_space<semaphore_mem>>)
      %dma_wait3A_197 = arith.constant 0 : i32
      %dma_wait3A_198 = tpu.memref_slice %arg4[%add3A_53, %dma_wait3A_197] : memref<65536x128xf32, #tpu.memory_space<hbm>> -> memref<128x128xf32, #tpu.memory_space<hbm>>
      %dma_wait3A_199 = arith.constant 0 : i32
      %dma_wait3A_200 = tpu.memref_slice %arg4[%add3A_53, %dma_wait3A_199] : memref<65536x128xf32, #tpu.memory_space<hbm>> -> memref<128x128xf32, #tpu.memory_space<hbm>>
      tpu.wait_dma2 semaphore(%run_scoped3A : memref<!tpu.dma_semaphore, #tpu.memory_space<semaphore_mem>>) src(%arg7 : memref<128x128xf32, #tpu.memory_space<vmem>>) dst(%dma_wait3A_200 : memref<128x128xf32, #tpu.memory_space<hbm>>)
      tpu.yield
    }) : () -> ()
    %dma_start3A_54 = arith.constant 640 : i32
    %dma_start3A_55 = tpu.memref_slice %arg5[%dma_start3A_54] : memref<2048xi32, #tpu.memory_space<vmem>> -> memref<128xi32, #tpu.memory_space<vmem>>
    %dma_start3A_56 = arith.constant 0 : i32
    %dma_start3A_57 = arith.constant 0 : i32
    %dma_start3A_58 = tpu.memref_slice %arg2[%dma_start3A_56, %dma_start3A_57] : memref<8192x128xf32, #tpu.memory_space<hbm>> -> memref<8192x128xf32, #tpu.memory_space<hbm>>
    tpu.enqueue_indirect_dma source(%dma_start3A_58 : memref<8192x128xf32, #tpu.memory_space<hbm>>) target(%arg7 : memref<128x128xf32, #tpu.memory_space<vmem>>) offsets(%dma_start3A_55 : memref<128xi32, #tpu.memory_space<vmem>>) semaphore(%arg9 : memref<!tpu.dma_semaphore, #tpu.memory_space<semaphore_mem>>)
    %dma_wait3A_59 = arith.constant 512 : i32
    %dma_wait3A_60 = tpu.memref_slice %arg5[%dma_wait3A_59] : memref<2048xi32, #tpu.memory_space<vmem>> -> memref<128xi32, #tpu.memory_space<vmem>>
    %dma_wait3A_61 = arith.constant 0 : i32
    %dma_wait3A_62 = arith.constant 0 : i32
    %dma_wait3A_63 = tpu.memref_slice %arg2[%dma_wait3A_61, %dma_wait3A_62] : memref<8192x128xf32, #tpu.memory_space<hbm>> -> memref<8192x128xf32, #tpu.memory_space<hbm>>
    tpu.wait_indirect_dma semaphore(%arg8 : memref<!tpu.dma_semaphore, #tpu.memory_space<semaphore_mem>>) src(%dma_wait3A_63 : memref<8192x128xf32, #tpu.memory_space<hbm>>) dst(%arg6 : memref<128x128xf32, #tpu.memory_space<vmem>>)
    %add3A_64 = arith.constant 512 : i32
    %add3A_65 = arith.addi %mul3A_2, %add3A_64 : i32
    "tpu.region"() ({
      %run_scoped3A = tpu.sem_alloc : memref<!tpu.dma_semaphore, #tpu.memory_space<semaphore_mem>>
      %dma_start3A_193 = arith.constant 0 : i32
      %dma_start3A_194 = tpu.memref_slice %arg4[%add3A_65, %dma_start3A_193] : memref<65536x128xf32, #tpu.memory_space<hbm>> -> memref<128x128xf32, #tpu.memory_space<hbm>>
      %dma_start3A_195 = arith.constant 0 : i32
      %dma_start3A_196 = tpu.memref_slice %arg4[%add3A_65, %dma_start3A_195] : memref<65536x128xf32, #tpu.memory_space<hbm>> -> memref<128x128xf32, #tpu.memory_space<hbm>>
      tpu.enqueue_dma source(%arg6 : memref<128x128xf32, #tpu.memory_space<vmem>>) target(%dma_start3A_196 : memref<128x128xf32, #tpu.memory_space<hbm>>) target_semaphore(%run_scoped3A : memref<!tpu.dma_semaphore, #tpu.memory_space<semaphore_mem>>)
      %dma_wait3A_197 = arith.constant 0 : i32
      %dma_wait3A_198 = tpu.memref_slice %arg4[%add3A_65, %dma_wait3A_197] : memref<65536x128xf32, #tpu.memory_space<hbm>> -> memref<128x128xf32, #tpu.memory_space<hbm>>
      %dma_wait3A_199 = arith.constant 0 : i32
      %dma_wait3A_200 = tpu.memref_slice %arg4[%add3A_65, %dma_wait3A_199] : memref<65536x128xf32, #tpu.memory_space<hbm>> -> memref<128x128xf32, #tpu.memory_space<hbm>>
      tpu.wait_dma2 semaphore(%run_scoped3A : memref<!tpu.dma_semaphore, #tpu.memory_space<semaphore_mem>>) src(%arg6 : memref<128x128xf32, #tpu.memory_space<vmem>>) dst(%dma_wait3A_200 : memref<128x128xf32, #tpu.memory_space<hbm>>)
      tpu.yield
    }) : () -> ()
    %dma_start3A_66 = arith.constant 768 : i32
    %dma_start3A_67 = tpu.memref_slice %arg5[%dma_start3A_66] : memref<2048xi32, #tpu.memory_space<vmem>> -> memref<128xi32, #tpu.memory_space<vmem>>
    %dma_start3A_68 = arith.constant 0 : i32
    %dma_start3A_69 = arith.constant 0 : i32
    %dma_start3A_70 = tpu.memref_slice %arg2[%dma_start3A_68, %dma_start3A_69] : memref<8192x128xf32, #tpu.memory_space<hbm>> -> memref<8192x128xf32, #tpu.memory_space<hbm>>
    tpu.enqueue_indirect_dma source(%dma_start3A_70 : memref<8192x128xf32, #tpu.memory_space<hbm>>) target(%arg6 : memref<128x128xf32, #tpu.memory_space<vmem>>) offsets(%dma_start3A_67 : memref<128xi32, #tpu.memory_space<vmem>>) semaphore(%arg8 : memref<!tpu.dma_semaphore, #tpu.memory_space<semaphore_mem>>)
    %dma_wait3A_71 = arith.constant 640 : i32
    %dma_wait3A_72 = tpu.memref_slice %arg5[%dma_wait3A_71] : memref<2048xi32, #tpu.memory_space<vmem>> -> memref<128xi32, #tpu.memory_space<vmem>>
    %dma_wait3A_73 = arith.constant 0 : i32
    %dma_wait3A_74 = arith.constant 0 : i32
    %dma_wait3A_75 = tpu.memref_slice %arg2[%dma_wait3A_73, %dma_wait3A_74] : memref<8192x128xf32, #tpu.memory_space<hbm>> -> memref<8192x128xf32, #tpu.memory_space<hbm>>
    tpu.wait_indirect_dma semaphore(%arg9 : memref<!tpu.dma_semaphore, #tpu.memory_space<semaphore_mem>>) src(%dma_wait3A_75 : memref<8192x128xf32, #tpu.memory_space<hbm>>) dst(%arg7 : memref<128x128xf32, #tpu.memory_space<vmem>>)
    %add3A_76 = arith.constant 640 : i32
    %add3A_77 = arith.addi %mul3A_2, %add3A_76 : i32
    "tpu.region"() ({
      %run_scoped3A = tpu.sem_alloc : memref<!tpu.dma_semaphore, #tpu.memory_space<semaphore_mem>>
      %dma_start3A_193 = arith.constant 0 : i32
      %dma_start3A_194 = tpu.memref_slice %arg4[%add3A_77, %dma_start3A_193] : memref<65536x128xf32, #tpu.memory_space<hbm>> -> memref<128x128xf32, #tpu.memory_space<hbm>>
      %dma_start3A_195 = arith.constant 0 : i32
      %dma_start3A_196 = tpu.memref_slice %arg4[%add3A_77, %dma_start3A_195] : memref<65536x128xf32, #tpu.memory_space<hbm>> -> memref<128x128xf32, #tpu.memory_space<hbm>>
      tpu.enqueue_dma source(%arg7 : memref<128x128xf32, #tpu.memory_space<vmem>>) target(%dma_start3A_196 : memref<128x128xf32, #tpu.memory_space<hbm>>) target_semaphore(%run_scoped3A : memref<!tpu.dma_semaphore, #tpu.memory_space<semaphore_mem>>)
      %dma_wait3A_197 = arith.constant 0 : i32
      %dma_wait3A_198 = tpu.memref_slice %arg4[%add3A_77, %dma_wait3A_197] : memref<65536x128xf32, #tpu.memory_space<hbm>> -> memref<128x128xf32, #tpu.memory_space<hbm>>
      %dma_wait3A_199 = arith.constant 0 : i32
      %dma_wait3A_200 = tpu.memref_slice %arg4[%add3A_77, %dma_wait3A_199] : memref<65536x128xf32, #tpu.memory_space<hbm>> -> memref<128x128xf32, #tpu.memory_space<hbm>>
      tpu.wait_dma2 semaphore(%run_scoped3A : memref<!tpu.dma_semaphore, #tpu.memory_space<semaphore_mem>>) src(%arg7 : memref<128x128xf32, #tpu.memory_space<vmem>>) dst(%dma_wait3A_200 : memref<128x128xf32, #tpu.memory_space<hbm>>)
      tpu.yield
    }) : () -> ()
    %dma_start3A_78 = arith.constant 896 : i32
    %dma_start3A_79 = tpu.memref_slice %arg5[%dma_start3A_78] : memref<2048xi32, #tpu.memory_space<vmem>> -> memref<128xi32, #tpu.memory_space<vmem>>
    %dma_start3A_80 = arith.constant 0 : i32
    %dma_start3A_81 = arith.constant 0 : i32
    %dma_start3A_82 = tpu.memref_slice %arg2[%dma_start3A_80, %dma_start3A_81] : memref<8192x128xf32, #tpu.memory_space<hbm>> -> memref<8192x128xf32, #tpu.memory_space<hbm>>
    tpu.enqueue_indirect_dma source(%dma_start3A_82 : memref<8192x128xf32, #tpu.memory_space<hbm>>) target(%arg7 : memref<128x128xf32, #tpu.memory_space<vmem>>) offsets(%dma_start3A_79 : memref<128xi32, #tpu.memory_space<vmem>>) semaphore(%arg9 : memref<!tpu.dma_semaphore, #tpu.memory_space<semaphore_mem>>)
    %dma_wait3A_83 = arith.constant 768 : i32
    %dma_wait3A_84 = tpu.memref_slice %arg5[%dma_wait3A_83] : memref<2048xi32, #tpu.memory_space<vmem>> -> memref<128xi32, #tpu.memory_space<vmem>>
    %dma_wait3A_85 = arith.constant 0 : i32
    %dma_wait3A_86 = arith.constant 0 : i32
    %dma_wait3A_87 = tpu.memref_slice %arg2[%dma_wait3A_85, %dma_wait3A_86] : memref<8192x128xf32, #tpu.memory_space<hbm>> -> memref<8192x128xf32, #tpu.memory_space<hbm>>
    tpu.wait_indirect_dma semaphore(%arg8 : memref<!tpu.dma_semaphore, #tpu.memory_space<semaphore_mem>>) src(%dma_wait3A_87 : memref<8192x128xf32, #tpu.memory_space<hbm>>) dst(%arg6 : memref<128x128xf32, #tpu.memory_space<vmem>>)
    %add3A_88 = arith.constant 768 : i32
    %add3A_89 = arith.addi %mul3A_2, %add3A_88 : i32
    "tpu.region"() ({
      %run_scoped3A = tpu.sem_alloc : memref<!tpu.dma_semaphore, #tpu.memory_space<semaphore_mem>>
      %dma_start3A_193 = arith.constant 0 : i32
      %dma_start3A_194 = tpu.memref_slice %arg4[%add3A_89, %dma_start3A_193] : memref<65536x128xf32, #tpu.memory_space<hbm>> -> memref<128x128xf32, #tpu.memory_space<hbm>>
      %dma_start3A_195 = arith.constant 0 : i32
      %dma_start3A_196 = tpu.memref_slice %arg4[%add3A_89, %dma_start3A_195] : memref<65536x128xf32, #tpu.memory_space<hbm>> -> memref<128x128xf32, #tpu.memory_space<hbm>>
      tpu.enqueue_dma source(%arg6 : memref<128x128xf32, #tpu.memory_space<vmem>>) target(%dma_start3A_196 : memref<128x128xf32, #tpu.memory_space<hbm>>) target_semaphore(%run_scoped3A : memref<!tpu.dma_semaphore, #tpu.memory_space<semaphore_mem>>)
      %dma_wait3A_197 = arith.constant 0 : i32
      %dma_wait3A_198 = tpu.memref_slice %arg4[%add3A_89, %dma_wait3A_197] : memref<65536x128xf32, #tpu.memory_space<hbm>> -> memref<128x128xf32, #tpu.memory_space<hbm>>
      %dma_wait3A_199 = arith.constant 0 : i32
      %dma_wait3A_200 = tpu.memref_slice %arg4[%add3A_89, %dma_wait3A_199] : memref<65536x128xf32, #tpu.memory_space<hbm>> -> memref<128x128xf32, #tpu.memory_space<hbm>>
      tpu.wait_dma2 semaphore(%run_scoped3A : memref<!tpu.dma_semaphore, #tpu.memory_space<semaphore_mem>>) src(%arg6 : memref<128x128xf32, #tpu.memory_space<vmem>>) dst(%dma_wait3A_200 : memref<128x128xf32, #tpu.memory_space<hbm>>)
      tpu.yield
    }) : () -> ()
    %dma_start3A_90 = arith.constant 1024 : i32
    %dma_start3A_91 = tpu.memref_slice %arg5[%dma_start3A_90] : memref<2048xi32, #tpu.memory_space<vmem>> -> memref<128xi32, #tpu.memory_space<vmem>>
    %dma_start3A_92 = arith.constant 0 : i32
    %dma_start3A_93 = arith.constant 0 : i32
    %dma_start3A_94 = tpu.memref_slice %arg2[%dma_start3A_92, %dma_start3A_93] : memref<8192x128xf32, #tpu.memory_space<hbm>> -> memref<8192x128xf32, #tpu.memory_space<hbm>>
    tpu.enqueue_indirect_dma source(%dma_start3A_94 : memref<8192x128xf32, #tpu.memory_space<hbm>>) target(%arg6 : memref<128x128xf32, #tpu.memory_space<vmem>>) offsets(%dma_start3A_91 : memref<128xi32, #tpu.memory_space<vmem>>) semaphore(%arg8 : memref<!tpu.dma_semaphore, #tpu.memory_space<semaphore_mem>>)
    %dma_wait3A_95 = arith.constant 896 : i32
    %dma_wait3A_96 = tpu.memref_slice %arg5[%dma_wait3A_95] : memref<2048xi32, #tpu.memory_space<vmem>> -> memref<128xi32, #tpu.memory_space<vmem>>
    %dma_wait3A_97 = arith.constant 0 : i32
    %dma_wait3A_98 = arith.constant 0 : i32
    %dma_wait3A_99 = tpu.memref_slice %arg2[%dma_wait3A_97, %dma_wait3A_98] : memref<8192x128xf32, #tpu.memory_space<hbm>> -> memref<8192x128xf32, #tpu.memory_space<hbm>>
    tpu.wait_indirect_dma semaphore(%arg9 : memref<!tpu.dma_semaphore, #tpu.memory_space<semaphore_mem>>) src(%dma_wait3A_99 : memref<8192x128xf32, #tpu.memory_space<hbm>>) dst(%arg7 : memref<128x128xf32, #tpu.memory_space<vmem>>)
    %add3A_100 = arith.constant 896 : i32
    %add3A_101 = arith.addi %mul3A_2, %add3A_100 : i32
    "tpu.region"() ({
      %run_scoped3A = tpu.sem_alloc : memref<!tpu.dma_semaphore, #tpu.memory_space<semaphore_mem>>
      %dma_start3A_193 = arith.constant 0 : i32
      %dma_start3A_194 = tpu.memref_slice %arg4[%add3A_101, %dma_start3A_193] : memref<65536x128xf32, #tpu.memory_space<hbm>> -> memref<128x128xf32, #tpu.memory_space<hbm>>
      %dma_start3A_195 = arith.constant 0 : i32
      %dma_start3A_196 = tpu.memref_slice %arg4[%add3A_101, %dma_start3A_195] : memref<65536x128xf32, #tpu.memory_space<hbm>> -> memref<128x128xf32, #tpu.memory_space<hbm>>
      tpu.enqueue_dma source(%arg7 : memref<128x128xf32, #tpu.memory_space<vmem>>) target(%dma_start3A_196 : memref<128x128xf32, #tpu.memory_space<hbm>>) target_semaphore(%run_scoped3A : memref<!tpu.dma_semaphore, #tpu.memory_space<semaphore_mem>>)
      %dma_wait3A_197 = arith.constant 0 : i32
      %dma_wait3A_198 = tpu.memref_slice %arg4[%add3A_101, %dma_wait3A_197] : memref<65536x128xf32, #tpu.memory_space<hbm>> -> memref<128x128xf32, #tpu.memory_space<hbm>>
      %dma_wait3A_199 = arith.constant 0 : i32
      %dma_wait3A_200 = tpu.memref_slice %arg4[%add3A_101, %dma_wait3A_199] : memref<65536x128xf32, #tpu.memory_space<hbm>> -> memref<128x128xf32, #tpu.memory_space<hbm>>
      tpu.wait_dma2 semaphore(%run_scoped3A : memref<!tpu.dma_semaphore, #tpu.memory_space<semaphore_mem>>) src(%arg7 : memref<128x128xf32, #tpu.memory_space<vmem>>) dst(%dma_wait3A_200 : memref<128x128xf32, #tpu.memory_space<hbm>>)
      tpu.yield
    }) : () -> ()
    %dma_start3A_102 = arith.constant 1152 : i32
    %dma_start3A_103 = tpu.memref_slice %arg5[%dma_start3A_102] : memref<2048xi32, #tpu.memory_space<vmem>> -> memref<128xi32, #tpu.memory_space<vmem>>
    %dma_start3A_104 = arith.constant 0 : i32
    %dma_start3A_105 = arith.constant 0 : i32
    %dma_start3A_106 = tpu.memref_slice %arg2[%dma_start3A_104, %dma_start3A_105] : memref<8192x128xf32, #tpu.memory_space<hbm>> -> memref<8192x128xf32, #tpu.memory_space<hbm>>
    tpu.enqueue_indirect_dma source(%dma_start3A_106 : memref<8192x128xf32, #tpu.memory_space<hbm>>) target(%arg7 : memref<128x128xf32, #tpu.memory_space<vmem>>) offsets(%dma_start3A_103 : memref<128xi32, #tpu.memory_space<vmem>>) semaphore(%arg9 : memref<!tpu.dma_semaphore, #tpu.memory_space<semaphore_mem>>)
    %dma_wait3A_107 = arith.constant 1024 : i32
    %dma_wait3A_108 = tpu.memref_slice %arg5[%dma_wait3A_107] : memref<2048xi32, #tpu.memory_space<vmem>> -> memref<128xi32, #tpu.memory_space<vmem>>
    %dma_wait3A_109 = arith.constant 0 : i32
    %dma_wait3A_110 = arith.constant 0 : i32
    %dma_wait3A_111 = tpu.memref_slice %arg2[%dma_wait3A_109, %dma_wait3A_110] : memref<8192x128xf32, #tpu.memory_space<hbm>> -> memref<8192x128xf32, #tpu.memory_space<hbm>>
    tpu.wait_indirect_dma semaphore(%arg8 : memref<!tpu.dma_semaphore, #tpu.memory_space<semaphore_mem>>) src(%dma_wait3A_111 : memref<8192x128xf32, #tpu.memory_space<hbm>>) dst(%arg6 : memref<128x128xf32, #tpu.memory_space<vmem>>)
    %add3A_112 = arith.constant 1024 : i32
    %add3A_113 = arith.addi %mul3A_2, %add3A_112 : i32
    "tpu.region"() ({
      %run_scoped3A = tpu.sem_alloc : memref<!tpu.dma_semaphore, #tpu.memory_space<semaphore_mem>>
      %dma_start3A_193 = arith.constant 0 : i32
      %dma_start3A_194 = tpu.memref_slice %arg4[%add3A_113, %dma_start3A_193] : memref<65536x128xf32, #tpu.memory_space<hbm>> -> memref<128x128xf32, #tpu.memory_space<hbm>>
      %dma_start3A_195 = arith.constant 0 : i32
      %dma_start3A_196 = tpu.memref_slice %arg4[%add3A_113, %dma_start3A_195] : memref<65536x128xf32, #tpu.memory_space<hbm>> -> memref<128x128xf32, #tpu.memory_space<hbm>>
      tpu.enqueue_dma source(%arg6 : memref<128x128xf32, #tpu.memory_space<vmem>>) target(%dma_start3A_196 : memref<128x128xf32, #tpu.memory_space<hbm>>) target_semaphore(%run_scoped3A : memref<!tpu.dma_semaphore, #tpu.memory_space<semaphore_mem>>)
      %dma_wait3A_197 = arith.constant 0 : i32
      %dma_wait3A_198 = tpu.memref_slice %arg4[%add3A_113, %dma_wait3A_197] : memref<65536x128xf32, #tpu.memory_space<hbm>> -> memref<128x128xf32, #tpu.memory_space<hbm>>
      %dma_wait3A_199 = arith.constant 0 : i32
      %dma_wait3A_200 = tpu.memref_slice %arg4[%add3A_113, %dma_wait3A_199] : memref<65536x128xf32, #tpu.memory_space<hbm>> -> memref<128x128xf32, #tpu.memory_space<hbm>>
      tpu.wait_dma2 semaphore(%run_scoped3A : memref<!tpu.dma_semaphore, #tpu.memory_space<semaphore_mem>>) src(%arg6 : memref<128x128xf32, #tpu.memory_space<vmem>>) dst(%dma_wait3A_200 : memref<128x128xf32, #tpu.memory_space<hbm>>)
      tpu.yield
    }) : () -> ()
    %dma_start3A_114 = arith.constant 1280 : i32
    %dma_start3A_115 = tpu.memref_slice %arg5[%dma_start3A_114] : memref<2048xi32, #tpu.memory_space<vmem>> -> memref<128xi32, #tpu.memory_space<vmem>>
    %dma_start3A_116 = arith.constant 0 : i32
    %dma_start3A_117 = arith.constant 0 : i32
    %dma_start3A_118 = tpu.memref_slice %arg2[%dma_start3A_116, %dma_start3A_117] : memref<8192x128xf32, #tpu.memory_space<hbm>> -> memref<8192x128xf32, #tpu.memory_space<hbm>>
    tpu.enqueue_indirect_dma source(%dma_start3A_118 : memref<8192x128xf32, #tpu.memory_space<hbm>>) target(%arg6 : memref<128x128xf32, #tpu.memory_space<vmem>>) offsets(%dma_start3A_115 : memref<128xi32, #tpu.memory_space<vmem>>) semaphore(%arg8 : memref<!tpu.dma_semaphore, #tpu.memory_space<semaphore_mem>>)
    %dma_wait3A_119 = arith.constant 1152 : i32
    %dma_wait3A_120 = tpu.memref_slice %arg5[%dma_wait3A_119] : memref<2048xi32, #tpu.memory_space<vmem>> -> memref<128xi32, #tpu.memory_space<vmem>>
    %dma_wait3A_121 = arith.constant 0 : i32
    %dma_wait3A_122 = arith.constant 0 : i32
    %dma_wait3A_123 = tpu.memref_slice %arg2[%dma_wait3A_121, %dma_wait3A_122] : memref<8192x128xf32, #tpu.memory_space<hbm>> -> memref<8192x128xf32, #tpu.memory_space<hbm>>
    tpu.wait_indirect_dma semaphore(%arg9 : memref<!tpu.dma_semaphore, #tpu.memory_space<semaphore_mem>>) src(%dma_wait3A_123 : memref<8192x128xf32, #tpu.memory_space<hbm>>) dst(%arg7 : memref<128x128xf32, #tpu.memory_space<vmem>>)
    %add3A_124 = arith.constant 1152 : i32
    %add3A_125 = arith.addi %mul3A_2, %add3A_124 : i32
    "tpu.region"() ({
      %run_scoped3A = tpu.sem_alloc : memref<!tpu.dma_semaphore, #tpu.memory_space<semaphore_mem>>
      %dma_start3A_193 = arith.constant 0 : i32
      %dma_start3A_194 = tpu.memref_slice %arg4[%add3A_125, %dma_start3A_193] : memref<65536x128xf32, #tpu.memory_space<hbm>> -> memref<128x128xf32, #tpu.memory_space<hbm>>
      %dma_start3A_195 = arith.constant 0 : i32
      %dma_start3A_196 = tpu.memref_slice %arg4[%add3A_125, %dma_start3A_195] : memref<65536x128xf32, #tpu.memory_space<hbm>> -> memref<128x128xf32, #tpu.memory_space<hbm>>
      tpu.enqueue_dma source(%arg7 : memref<128x128xf32, #tpu.memory_space<vmem>>) target(%dma_start3A_196 : memref<128x128xf32, #tpu.memory_space<hbm>>) target_semaphore(%run_scoped3A : memref<!tpu.dma_semaphore, #tpu.memory_space<semaphore_mem>>)
      %dma_wait3A_197 = arith.constant 0 : i32
      %dma_wait3A_198 = tpu.memref_slice %arg4[%add3A_125, %dma_wait3A_197] : memref<65536x128xf32, #tpu.memory_space<hbm>> -> memref<128x128xf32, #tpu.memory_space<hbm>>
      %dma_wait3A_199 = arith.constant 0 : i32
      %dma_wait3A_200 = tpu.memref_slice %arg4[%add3A_125, %dma_wait3A_199] : memref<65536x128xf32, #tpu.memory_space<hbm>> -> memref<128x128xf32, #tpu.memory_space<hbm>>
      tpu.wait_dma2 semaphore(%run_scoped3A : memref<!tpu.dma_semaphore, #tpu.memory_space<semaphore_mem>>) src(%arg7 : memref<128x128xf32, #tpu.memory_space<vmem>>) dst(%dma_wait3A_200 : memref<128x128xf32, #tpu.memory_space<hbm>>)
      tpu.yield
    }) : () -> ()
    %dma_start3A_126 = arith.constant 1408 : i32
    %dma_start3A_127 = tpu.memref_slice %arg5[%dma_start3A_126] : memref<2048xi32, #tpu.memory_space<vmem>> -> memref<128xi32, #tpu.memory_space<vmem>>
    %dma_start3A_128 = arith.constant 0 : i32
    %dma_start3A_129 = arith.constant 0 : i32
    %dma_start3A_130 = tpu.memref_slice %arg2[%dma_start3A_128, %dma_start3A_129] : memref<8192x128xf32, #tpu.memory_space<hbm>> -> memref<8192x128xf32, #tpu.memory_space<hbm>>
    tpu.enqueue_indirect_dma source(%dma_start3A_130 : memref<8192x128xf32, #tpu.memory_space<hbm>>) target(%arg7 : memref<128x128xf32, #tpu.memory_space<vmem>>) offsets(%dma_start3A_127 : memref<128xi32, #tpu.memory_space<vmem>>) semaphore(%arg9 : memref<!tpu.dma_semaphore, #tpu.memory_space<semaphore_mem>>)
    %dma_wait3A_131 = arith.constant 1280 : i32
    %dma_wait3A_132 = tpu.memref_slice %arg5[%dma_wait3A_131] : memref<2048xi32, #tpu.memory_space<vmem>> -> memref<128xi32, #tpu.memory_space<vmem>>
    %dma_wait3A_133 = arith.constant 0 : i32
    %dma_wait3A_134 = arith.constant 0 : i32
    %dma_wait3A_135 = tpu.memref_slice %arg2[%dma_wait3A_133, %dma_wait3A_134] : memref<8192x128xf32, #tpu.memory_space<hbm>> -> memref<8192x128xf32, #tpu.memory_space<hbm>>
    tpu.wait_indirect_dma semaphore(%arg8 : memref<!tpu.dma_semaphore, #tpu.memory_space<semaphore_mem>>) src(%dma_wait3A_135 : memref<8192x128xf32, #tpu.memory_space<hbm>>) dst(%arg6 : memref<128x128xf32, #tpu.memory_space<vmem>>)
    %add3A_136 = arith.constant 1280 : i32
    %add3A_137 = arith.addi %mul3A_2, %add3A_136 : i32
    "tpu.region"() ({
      %run_scoped3A = tpu.sem_alloc : memref<!tpu.dma_semaphore, #tpu.memory_space<semaphore_mem>>
      %dma_start3A_193 = arith.constant 0 : i32
      %dma_start3A_194 = tpu.memref_slice %arg4[%add3A_137, %dma_start3A_193] : memref<65536x128xf32, #tpu.memory_space<hbm>> -> memref<128x128xf32, #tpu.memory_space<hbm>>
      %dma_start3A_195 = arith.constant 0 : i32
      %dma_start3A_196 = tpu.memref_slice %arg4[%add3A_137, %dma_start3A_195] : memref<65536x128xf32, #tpu.memory_space<hbm>> -> memref<128x128xf32, #tpu.memory_space<hbm>>
      tpu.enqueue_dma source(%arg6 : memref<128x128xf32, #tpu.memory_space<vmem>>) target(%dma_start3A_196 : memref<128x128xf32, #tpu.memory_space<hbm>>) target_semaphore(%run_scoped3A : memref<!tpu.dma_semaphore, #tpu.memory_space<semaphore_mem>>)
      %dma_wait3A_197 = arith.constant 0 : i32
      %dma_wait3A_198 = tpu.memref_slice %arg4[%add3A_137, %dma_wait3A_197] : memref<65536x128xf32, #tpu.memory_space<hbm>> -> memref<128x128xf32, #tpu.memory_space<hbm>>
      %dma_wait3A_199 = arith.constant 0 : i32
      %dma_wait3A_200 = tpu.memref_slice %arg4[%add3A_137, %dma_wait3A_199] : memref<65536x128xf32, #tpu.memory_space<hbm>> -> memref<128x128xf32, #tpu.memory_space<hbm>>
      tpu.wait_dma2 semaphore(%run_scoped3A : memref<!tpu.dma_semaphore, #tpu.memory_space<semaphore_mem>>) src(%arg6 : memref<128x128xf32, #tpu.memory_space<vmem>>) dst(%dma_wait3A_200 : memref<128x128xf32, #tpu.memory_space<hbm>>)
      tpu.yield
    }) : () -> ()
    %dma_start3A_138 = arith.constant 1536 : i32
    %dma_start3A_139 = tpu.memref_slice %arg5[%dma_start3A_138] : memref<2048xi32, #tpu.memory_space<vmem>> -> memref<128xi32, #tpu.memory_space<vmem>>
    %dma_start3A_140 = arith.constant 0 : i32
    %dma_start3A_141 = arith.constant 0 : i32
    %dma_start3A_142 = tpu.memref_slice %arg2[%dma_start3A_140, %dma_start3A_141] : memref<8192x128xf32, #tpu.memory_space<hbm>> -> memref<8192x128xf32, #tpu.memory_space<hbm>>
    tpu.enqueue_indirect_dma source(%dma_start3A_142 : memref<8192x128xf32, #tpu.memory_space<hbm>>) target(%arg6 : memref<128x128xf32, #tpu.memory_space<vmem>>) offsets(%dma_start3A_139 : memref<128xi32, #tpu.memory_space<vmem>>) semaphore(%arg8 : memref<!tpu.dma_semaphore, #tpu.memory_space<semaphore_mem>>)
    %dma_wait3A_143 = arith.constant 1408 : i32
    %dma_wait3A_144 = tpu.memref_slice %arg5[%dma_wait3A_143] : memref<2048xi32, #tpu.memory_space<vmem>> -> memref<128xi32, #tpu.memory_space<vmem>>
    %dma_wait3A_145 = arith.constant 0 : i32
    %dma_wait3A_146 = arith.constant 0 : i32
    %dma_wait3A_147 = tpu.memref_slice %arg2[%dma_wait3A_145, %dma_wait3A_146] : memref<8192x128xf32, #tpu.memory_space<hbm>> -> memref<8192x128xf32, #tpu.memory_space<hbm>>
    tpu.wait_indirect_dma semaphore(%arg9 : memref<!tpu.dma_semaphore, #tpu.memory_space<semaphore_mem>>) src(%dma_wait3A_147 : memref<8192x128xf32, #tpu.memory_space<hbm>>) dst(%arg7 : memref<128x128xf32, #tpu.memory_space<vmem>>)
    %add3A_148 = arith.constant 1408 : i32
    %add3A_149 = arith.addi %mul3A_2, %add3A_148 : i32
    "tpu.region"() ({
      %run_scoped3A = tpu.sem_alloc : memref<!tpu.dma_semaphore, #tpu.memory_space<semaphore_mem>>
      %dma_start3A_193 = arith.constant 0 : i32
      %dma_start3A_194 = tpu.memref_slice %arg4[%add3A_149, %dma_start3A_193] : memref<65536x128xf32, #tpu.memory_space<hbm>> -> memref<128x128xf32, #tpu.memory_space<hbm>>
      %dma_start3A_195 = arith.constant 0 : i32
      %dma_start3A_196 = tpu.memref_slice %arg4[%add3A_149, %dma_start3A_195] : memref<65536x128xf32, #tpu.memory_space<hbm>> -> memref<128x128xf32, #tpu.memory_space<hbm>>
      tpu.enqueue_dma source(%arg7 : memref<128x128xf32, #tpu.memory_space<vmem>>) target(%dma_start3A_196 : memref<128x128xf32, #tpu.memory_space<hbm>>) target_semaphore(%run_scoped3A : memref<!tpu.dma_semaphore, #tpu.memory_space<semaphore_mem>>)
      %dma_wait3A_197 = arith.constant 0 : i32
      %dma_wait3A_198 = tpu.memref_slice %arg4[%add3A_149, %dma_wait3A_197] : memref<65536x128xf32, #tpu.memory_space<hbm>> -> memref<128x128xf32, #tpu.memory_space<hbm>>
      %dma_wait3A_199 = arith.constant 0 : i32
      %dma_wait3A_200 = tpu.memref_slice %arg4[%add3A_149, %dma_wait3A_199] : memref<65536x128xf32, #tpu.memory_space<hbm>> -> memref<128x128xf32, #tpu.memory_space<hbm>>
      tpu.wait_dma2 semaphore(%run_scoped3A : memref<!tpu.dma_semaphore, #tpu.memory_space<semaphore_mem>>) src(%arg7 : memref<128x128xf32, #tpu.memory_space<vmem>>) dst(%dma_wait3A_200 : memref<128x128xf32, #tpu.memory_space<hbm>>)
      tpu.yield
    }) : () -> ()
    %dma_start3A_150 = arith.constant 1664 : i32
    %dma_start3A_151 = tpu.memref_slice %arg5[%dma_start3A_150] : memref<2048xi32, #tpu.memory_space<vmem>> -> memref<128xi32, #tpu.memory_space<vmem>>
    %dma_start3A_152 = arith.constant 0 : i32
    %dma_start3A_153 = arith.constant 0 : i32
    %dma_start3A_154 = tpu.memref_slice %arg2[%dma_start3A_152, %dma_start3A_153] : memref<8192x128xf32, #tpu.memory_space<hbm>> -> memref<8192x128xf32, #tpu.memory_space<hbm>>
    tpu.enqueue_indirect_dma source(%dma_start3A_154 : memref<8192x128xf32, #tpu.memory_space<hbm>>) target(%arg7 : memref<128x128xf32, #tpu.memory_space<vmem>>) offsets(%dma_start3A_151 : memref<128xi32, #tpu.memory_space<vmem>>) semaphore(%arg9 : memref<!tpu.dma_semaphore, #tpu.memory_space<semaphore_mem>>)
    %dma_wait3A_155 = arith.constant 1536 : i32
    %dma_wait3A_156 = tpu.memref_slice %arg5[%dma_wait3A_155] : memref<2048xi32, #tpu.memory_space<vmem>> -> memref<128xi32, #tpu.memory_space<vmem>>
    %dma_wait3A_157 = arith.constant 0 : i32
    %dma_wait3A_158 = arith.constant 0 : i32
    %dma_wait3A_159 = tpu.memref_slice %arg2[%dma_wait3A_157, %dma_wait3A_158] : memref<8192x128xf32, #tpu.memory_space<hbm>> -> memref<8192x128xf32, #tpu.memory_space<hbm>>
    tpu.wait_indirect_dma semaphore(%arg8 : memref<!tpu.dma_semaphore, #tpu.memory_space<semaphore_mem>>) src(%dma_wait3A_159 : memref<8192x128xf32, #tpu.memory_space<hbm>>) dst(%arg6 : memref<128x128xf32, #tpu.memory_space<vmem>>)
    %add3A_160 = arith.constant 1536 : i32
    %add3A_161 = arith.addi %mul3A_2, %add3A_160 : i32
    "tpu.region"() ({
      %run_scoped3A = tpu.sem_alloc : memref<!tpu.dma_semaphore, #tpu.memory_space<semaphore_mem>>
      %dma_start3A_193 = arith.constant 0 : i32
      %dma_start3A_194 = tpu.memref_slice %arg4[%add3A_161, %dma_start3A_193] : memref<65536x128xf32, #tpu.memory_space<hbm>> -> memref<128x128xf32, #tpu.memory_space<hbm>>
      %dma_start3A_195 = arith.constant 0 : i32
      %dma_start3A_196 = tpu.memref_slice %arg4[%add3A_161, %dma_start3A_195] : memref<65536x128xf32, #tpu.memory_space<hbm>> -> memref<128x128xf32, #tpu.memory_space<hbm>>
      tpu.enqueue_dma source(%arg6 : memref<128x128xf32, #tpu.memory_space<vmem>>) target(%dma_start3A_196 : memref<128x128xf32, #tpu.memory_space<hbm>>) target_semaphore(%run_scoped3A : memref<!tpu.dma_semaphore, #tpu.memory_space<semaphore_mem>>)
      %dma_wait3A_197 = arith.constant 0 : i32
      %dma_wait3A_198 = tpu.memref_slice %arg4[%add3A_161, %dma_wait3A_197] : memref<65536x128xf32, #tpu.memory_space<hbm>> -> memref<128x128xf32, #tpu.memory_space<hbm>>
      %dma_wait3A_199 = arith.constant 0 : i32
      %dma_wait3A_200 = tpu.memref_slice %arg4[%add3A_161, %dma_wait3A_199] : memref<65536x128xf32, #tpu.memory_space<hbm>> -> memref<128x128xf32, #tpu.memory_space<hbm>>
      tpu.wait_dma2 semaphore(%run_scoped3A : memref<!tpu.dma_semaphore, #tpu.memory_space<semaphore_mem>>) src(%arg6 : memref<128x128xf32, #tpu.memory_space<vmem>>) dst(%dma_wait3A_200 : memref<128x128xf32, #tpu.memory_space<hbm>>)
      tpu.yield
    }) : () -> ()
    %dma_start3A_162 = arith.constant 1792 : i32
    %dma_start3A_163 = tpu.memref_slice %arg5[%dma_start3A_162] : memref<2048xi32, #tpu.memory_space<vmem>> -> memref<128xi32, #tpu.memory_space<vmem>>
    %dma_start3A_164 = arith.constant 0 : i32
    %dma_start3A_165 = arith.constant 0 : i32
    %dma_start3A_166 = tpu.memref_slice %arg2[%dma_start3A_164, %dma_start3A_165] : memref<8192x128xf32, #tpu.memory_space<hbm>> -> memref<8192x128xf32, #tpu.memory_space<hbm>>
    tpu.enqueue_indirect_dma source(%dma_start3A_166 : memref<8192x128xf32, #tpu.memory_space<hbm>>) target(%arg6 : memref<128x128xf32, #tpu.memory_space<vmem>>) offsets(%dma_start3A_163 : memref<128xi32, #tpu.memory_space<vmem>>) semaphore(%arg8 : memref<!tpu.dma_semaphore, #tpu.memory_space<semaphore_mem>>)
    %dma_wait3A_167 = arith.constant 1664 : i32
    %dma_wait3A_168 = tpu.memref_slice %arg5[%dma_wait3A_167] : memref<2048xi32, #tpu.memory_space<vmem>> -> memref<128xi32, #tpu.memory_space<vmem>>
    %dma_wait3A_169 = arith.constant 0 : i32
    %dma_wait3A_170 = arith.constant 0 : i32
    %dma_wait3A_171 = tpu.memref_slice %arg2[%dma_wait3A_169, %dma_wait3A_170] : memref<8192x128xf32, #tpu.memory_space<hbm>> -> memref<8192x128xf32, #tpu.memory_space<hbm>>
    tpu.wait_indirect_dma semaphore(%arg9 : memref<!tpu.dma_semaphore, #tpu.memory_space<semaphore_mem>>) src(%dma_wait3A_171 : memref<8192x128xf32, #tpu.memory_space<hbm>>) dst(%arg7 : memref<128x128xf32, #tpu.memory_space<vmem>>)
    %add3A_172 = arith.constant 1664 : i32
    %add3A_173 = arith.addi %mul3A_2, %add3A_172 : i32
    "tpu.region"() ({
      %run_scoped3A = tpu.sem_alloc : memref<!tpu.dma_semaphore, #tpu.memory_space<semaphore_mem>>
      %dma_start3A_193 = arith.constant 0 : i32
      %dma_start3A_194 = tpu.memref_slice %arg4[%add3A_173, %dma_start3A_193] : memref<65536x128xf32, #tpu.memory_space<hbm>> -> memref<128x128xf32, #tpu.memory_space<hbm>>
      %dma_start3A_195 = arith.constant 0 : i32
      %dma_start3A_196 = tpu.memref_slice %arg4[%add3A_173, %dma_start3A_195] : memref<65536x128xf32, #tpu.memory_space<hbm>> -> memref<128x128xf32, #tpu.memory_space<hbm>>
      tpu.enqueue_dma source(%arg7 : memref<128x128xf32, #tpu.memory_space<vmem>>) target(%dma_start3A_196 : memref<128x128xf32, #tpu.memory_space<hbm>>) target_semaphore(%run_scoped3A : memref<!tpu.dma_semaphore, #tpu.memory_space<semaphore_mem>>)
      %dma_wait3A_197 = arith.constant 0 : i32
      %dma_wait3A_198 = tpu.memref_slice %arg4[%add3A_173, %dma_wait3A_197] : memref<65536x128xf32, #tpu.memory_space<hbm>> -> memref<128x128xf32, #tpu.memory_space<hbm>>
      %dma_wait3A_199 = arith.constant 0 : i32
      %dma_wait3A_200 = tpu.memref_slice %arg4[%add3A_173, %dma_wait3A_199] : memref<65536x128xf32, #tpu.memory_space<hbm>> -> memref<128x128xf32, #tpu.memory_space<hbm>>
      tpu.wait_dma2 semaphore(%run_scoped3A : memref<!tpu.dma_semaphore, #tpu.memory_space<semaphore_mem>>) src(%arg7 : memref<128x128xf32, #tpu.memory_space<vmem>>) dst(%dma_wait3A_200 : memref<128x128xf32, #tpu.memory_space<hbm>>)
      tpu.yield
    }) : () -> ()
    %dma_start3A_174 = arith.constant 1920 : i32
    %dma_start3A_175 = tpu.memref_slice %arg5[%dma_start3A_174] : memref<2048xi32, #tpu.memory_space<vmem>> -> memref<128xi32, #tpu.memory_space<vmem>>
    %dma_start3A_176 = arith.constant 0 : i32
    %dma_start3A_177 = arith.constant 0 : i32
    %dma_start3A_178 = tpu.memref_slice %arg2[%dma_start3A_176, %dma_start3A_177] : memref<8192x128xf32, #tpu.memory_space<hbm>> -> memref<8192x128xf32, #tpu.memory_space<hbm>>
    tpu.enqueue_indirect_dma source(%dma_start3A_178 : memref<8192x128xf32, #tpu.memory_space<hbm>>) target(%arg7 : memref<128x128xf32, #tpu.memory_space<vmem>>) offsets(%dma_start3A_175 : memref<128xi32, #tpu.memory_space<vmem>>) semaphore(%arg9 : memref<!tpu.dma_semaphore, #tpu.memory_space<semaphore_mem>>)
    %dma_wait3A_179 = arith.constant 1792 : i32
    %dma_wait3A_180 = tpu.memref_slice %arg5[%dma_wait3A_179] : memref<2048xi32, #tpu.memory_space<vmem>> -> memref<128xi32, #tpu.memory_space<vmem>>
    %dma_wait3A_181 = arith.constant 0 : i32
    %dma_wait3A_182 = arith.constant 0 : i32
    %dma_wait3A_183 = tpu.memref_slice %arg2[%dma_wait3A_181, %dma_wait3A_182] : memref<8192x128xf32, #tpu.memory_space<hbm>> -> memref<8192x128xf32, #tpu.memory_space<hbm>>
    tpu.wait_indirect_dma semaphore(%arg8 : memref<!tpu.dma_semaphore, #tpu.memory_space<semaphore_mem>>) src(%dma_wait3A_183 : memref<8192x128xf32, #tpu.memory_space<hbm>>) dst(%arg6 : memref<128x128xf32, #tpu.memory_space<vmem>>)
    %add3A_184 = arith.constant 1792 : i32
    %add3A_185 = arith.addi %mul3A_2, %add3A_184 : i32
    "tpu.region"() ({
      %run_scoped3A = tpu.sem_alloc : memref<!tpu.dma_semaphore, #tpu.memory_space<semaphore_mem>>
      %dma_start3A_193 = arith.constant 0 : i32
      %dma_start3A_194 = tpu.memref_slice %arg4[%add3A_185, %dma_start3A_193] : memref<65536x128xf32, #tpu.memory_space<hbm>> -> memref<128x128xf32, #tpu.memory_space<hbm>>
      %dma_start3A_195 = arith.constant 0 : i32
      %dma_start3A_196 = tpu.memref_slice %arg4[%add3A_185, %dma_start3A_195] : memref<65536x128xf32, #tpu.memory_space<hbm>> -> memref<128x128xf32, #tpu.memory_space<hbm>>
      tpu.enqueue_dma source(%arg6 : memref<128x128xf32, #tpu.memory_space<vmem>>) target(%dma_start3A_196 : memref<128x128xf32, #tpu.memory_space<hbm>>) target_semaphore(%run_scoped3A : memref<!tpu.dma_semaphore, #tpu.memory_space<semaphore_mem>>)
      %dma_wait3A_197 = arith.constant 0 : i32
      %dma_wait3A_198 = tpu.memref_slice %arg4[%add3A_185, %dma_wait3A_197] : memref<65536x128xf32, #tpu.memory_space<hbm>> -> memref<128x128xf32, #tpu.memory_space<hbm>>
      %dma_wait3A_199 = arith.constant 0 : i32
      %dma_wait3A_200 = tpu.memref_slice %arg4[%add3A_185, %dma_wait3A_199] : memref<65536x128xf32, #tpu.memory_space<hbm>> -> memref<128x128xf32, #tpu.memory_space<hbm>>
      tpu.wait_dma2 semaphore(%run_scoped3A : memref<!tpu.dma_semaphore, #tpu.memory_space<semaphore_mem>>) src(%arg6 : memref<128x128xf32, #tpu.memory_space<vmem>>) dst(%dma_wait3A_200 : memref<128x128xf32, #tpu.memory_space<hbm>>)
      tpu.yield
    }) : () -> ()
    %dma_wait3A_186 = arith.constant 1920 : i32
    %dma_wait3A_187 = tpu.memref_slice %arg5[%dma_wait3A_186] : memref<2048xi32, #tpu.memory_space<vmem>> -> memref<128xi32, #tpu.memory_space<vmem>>
    %dma_wait3A_188 = arith.constant 0 : i32
    %dma_wait3A_189 = arith.constant 0 : i32
    %dma_wait3A_190 = tpu.memref_slice %arg2[%dma_wait3A_188, %dma_wait3A_189] : memref<8192x128xf32, #tpu.memory_space<hbm>> -> memref<8192x128xf32, #tpu.memory_space<hbm>>
    tpu.wait_indirect_dma semaphore(%arg9 : memref<!tpu.dma_semaphore, #tpu.memory_space<semaphore_mem>>) src(%dma_wait3A_190 : memref<8192x128xf32, #tpu.memory_space<hbm>>) dst(%arg7 : memref<128x128xf32, #tpu.memory_space<vmem>>)
    %add3A_191 = arith.constant 1920 : i32
    %add3A_192 = arith.addi %mul3A_2, %add3A_191 : i32
    "tpu.region"() ({
      %run_scoped3A = tpu.sem_alloc : memref<!tpu.dma_semaphore, #tpu.memory_space<semaphore_mem>>
      %dma_start3A_193 = arith.constant 0 : i32
      %dma_start3A_194 = tpu.memref_slice %arg4[%add3A_192, %dma_start3A_193] : memref<65536x128xf32, #tpu.memory_space<hbm>> -> memref<128x128xf32, #tpu.memory_space<hbm>>
      %dma_start3A_195 = arith.constant 0 : i32
      %dma_start3A_196 = tpu.memref_slice %arg4[%add3A_192, %dma_start3A_195] : memref<65536x128xf32, #tpu.memory_space<hbm>> -> memref<128x128xf32, #tpu.memory_space<hbm>>
      tpu.enqueue_dma source(%arg7 : memref<128x128xf32, #tpu.memory_space<vmem>>) target(%dma_start3A_196 : memref<128x128xf32, #tpu.memory_space<hbm>>) target_semaphore(%run_scoped3A : memref<!tpu.dma_semaphore, #tpu.memory_space<semaphore_mem>>)
      %dma_wait3A_197 = arith.constant 0 : i32
      %dma_wait3A_198 = tpu.memref_slice %arg4[%add3A_192, %dma_wait3A_197] : memref<65536x128xf32, #tpu.memory_space<hbm>> -> memref<128x128xf32, #tpu.memory_space<hbm>>
      %dma_wait3A_199 = arith.constant 0 : i32
      %dma_wait3A_200 = tpu.memref_slice %arg4[%add3A_192, %dma_wait3A_199] : memref<65536x128xf32, #tpu.memory_space<hbm>> -> memref<128x128xf32, #tpu.memory_space<hbm>>
      tpu.wait_dma2 semaphore(%run_scoped3A : memref<!tpu.dma_semaphore, #tpu.memory_space<semaphore_mem>>) src(%arg7 : memref<128x128xf32, #tpu.memory_space<vmem>>) dst(%dma_wait3A_200 : memref<128x128xf32, #tpu.memory_space<hbm>>)
      tpu.yield
    }) : () -> ()
    return
  }
}

module attributes {stable_mosaic.version = 14 : i64} {
  func.func @_enc_vq_body(%arg0: i32, %arg1: memref<512x3xf32, #tpu.memory_space<vmem>>, %arg2: memref<3x512xbf16, #tpu.memory_space<vmem>>, %arg3: memref<1x512xf32, #tpu.memory_space<vmem>>, %arg4: memref<1x512xf32, #tpu.memory_space<vmem>>, %arg5: memref<1x512xf32, #tpu.memory_space<vmem>>, %arg6: memref<512x512xbf16, #tpu.memory_space<vmem>>, %arg7: memref<1x512xf32, #tpu.memory_space<vmem>>, %arg8: memref<1x512xf32, #tpu.memory_space<vmem>>, %arg9: memref<1x512xf32, #tpu.memory_space<vmem>>, %arg10: memref<512x512xbf16, #tpu.memory_space<vmem>>, %arg11: memref<1x512xf32, #tpu.memory_space<vmem>>, %arg12: memref<1x512xf32, #tpu.memory_space<vmem>>, %arg13: memref<1x512xf32, #tpu.memory_space<vmem>>, %arg14: memref<512x64xbf16, #tpu.memory_space<vmem>>, %arg15: memref<1x64xf32, #tpu.memory_space<vmem>>, %arg16: memref<64x8192xbf16, #tpu.memory_space<vmem>>, %arg17: memref<1x8192xf32, #tpu.memory_space<vmem>>, %arg18: memref<512x64xf32, #tpu.memory_space<vmem>>, %arg19: memref<512x1xi32, #tpu.memory_space<vmem>>) attributes {dimension_semantics = [#tpu.dimension_semantics<arbitrary>], iteration_bounds = array<i64: 128>, scalar_prefetch = 0 : i64, scratch_operands = 0 : i64, tpu.core_type = #tpu.core_type<tc>, window_params = [{transform_indices = @transform_0, window_bounds = array<i64: 512, 3>}, {pipeline_mode = #tpu.pipeline_mode<synchronous>, transform_indices = @transform_1, window_bounds = array<i64: 3, 512>}, {pipeline_mode = #tpu.pipeline_mode<synchronous>, transform_indices = @transform_2, window_bounds = array<i64: 1, 512>}, {pipeline_mode = #tpu.pipeline_mode<synchronous>, transform_indices = @transform_3, window_bounds = array<i64: 1, 512>}, {pipeline_mode = #tpu.pipeline_mode<synchronous>, transform_indices = @transform_4, window_bounds = array<i64: 1, 512>}, {pipeline_mode = #tpu.pipeline_mode<synchronous>, transform_indices = @transform_5, window_bounds = array<i64: 512, 512>}, {pipeline_mode = #tpu.pipeline_mode<synchronous>, transform_indices = @transform_6, window_bounds = array<i64: 1, 512>}, {pipeline_mode = #tpu.pipeline_mode<synchronous>, transform_indices = @transform_7, window_bounds = array<i64: 1, 512>}, {pipeline_mode = #tpu.pipeline_mode<synchronous>, transform_indices = @transform_8, window_bounds = array<i64: 1, 512>}, {pipeline_mode = #tpu.pipeline_mode<synchronous>, transform_indices = @transform_9, window_bounds = array<i64: 512, 512>}, {pipeline_mode = #tpu.pipeline_mode<synchronous>, transform_indices = @transform_10, window_bounds = array<i64: 1, 512>}, {pipeline_mode = #tpu.pipeline_mode<synchronous>, transform_indices = @transform_11, window_bounds = array<i64: 1, 512>}, {pipeline_mode = #tpu.pipeline_mode<synchronous>, transform_indices = @transform_12, window_bounds = array<i64: 1, 512>}, {pipeline_mode = #tpu.pipeline_mode<synchronous>, transform_indices = @transform_13, window_bounds = array<i64: 512, 64>}, {pipeline_mode = #tpu.pipeline_mode<synchronous>, transform_indices = @transform_14, window_bounds = array<i64: 1, 64>}, {pipeline_mode = #tpu.pipeline_mode<synchronous>, transform_indices = @transform_15, window_bounds = array<i64: 64, 8192>}, {pipeline_mode = #tpu.pipeline_mode<synchronous>, transform_indices = @transform_16, window_bounds = array<i64: 1, 8192>}, {transform_indices = @transform_17, window_bounds = array<i64: 512, 64>}, {transform_indices = @transform_18, window_bounds = array<i64: 512, 1>}]} {
    %get3A = arith.constant 0 : index
    %get3A_0 = arith.constant 0 : index
    %get3A_1 = vector.load %arg1[%get3A, %get3A_0] : memref<512x3xf32, #tpu.memory_space<vmem>>, vector<512x3xf32>
    %convert_element_type3A = arith.truncf %get3A_1 : vector<512x3xf32> to vector<512x3xbf16>
    %get3A_2 = arith.constant 0 : index
    %get3A_3 = arith.constant 0 : index
    %get3A_4 = vector.load %arg2[%get3A_2, %get3A_3] : memref<3x512xbf16, #tpu.memory_space<vmem>>, vector<3x512xbf16>
    %dot_general3A = arith.constant dense<0.000000e+00> : vector<512x512xf32>
    %dot_general3A_5 = tpu.matmul %convert_element_type3A, %get3A_4, %dot_general3A {dimension_numbers = #tpu.dot_dimension_numbers<[1], [0], [0], [1], [0, 0, 1, 1], [], []>, transpose_lhs_hint = false} : vector<512x3xbf16>, vector<3x512xbf16>, vector<512x512xf32> -> vector<512x512xf32>
    %get3A_6 = arith.constant 0 : index
    %get3A_7 = arith.constant 0 : index
    %get3A_8 = vector.load %arg3[%get3A_6, %get3A_7] : memref<1x512xf32, #tpu.memory_space<vmem>>, vector<1x512xf32>
    %add3A = vector.broadcast %get3A_8 : vector<1x512xf32> to vector<512x512xf32>
    %add3A_9 = arith.addf %dot_general3A_5, %add3A : vector<512x512xf32>
    %max3A = arith.constant 0.000000e+00 : f32
    %max3A_10 = vector.broadcast %max3A : f32 to vector<512x512xf32>
    %max3A_11 = arith.maximumf %add3A_9, %max3A_10 : vector<512x512xf32>
    %get3A_12 = arith.constant 0 : index
    %get3A_13 = arith.constant 0 : index
    %get3A_14 = vector.load %arg4[%get3A_12, %get3A_13] : memref<1x512xf32, #tpu.memory_space<vmem>>, vector<1x512xf32>
    %get3A_15 = arith.constant 0 : index
    %get3A_16 = arith.constant 0 : index
    %get3A_17 = vector.load %arg5[%get3A_15, %get3A_16] : memref<1x512xf32, #tpu.memory_space<vmem>>, vector<1x512xf32>
    %slice3A = vector.extract_strided_slice %max3A_11 {offsets = [0, 0], sizes = [512, 256], strides = [1, 1]} : vector<512x512xf32> to vector<512x256xf32>
    %slice3A_18 = vector.extract_strided_slice %slice3A {offsets = [0, 0], sizes = [512, 128], strides = [1, 1]} : vector<512x256xf32> to vector<512x128xf32>
    %slice3A_19 = vector.extract_strided_slice %slice3A {offsets = [0, 128], sizes = [512, 128], strides = [1, 1]} : vector<512x256xf32> to vector<512x128xf32>
    %add3A_20 = arith.addf %slice3A_18, %slice3A_19 : vector<512x128xf32>
    %slice3A_21 = vector.extract_strided_slice %add3A_20 {offsets = [0, 0], sizes = [512, 64], strides = [1, 1]} : vector<512x128xf32> to vector<512x64xf32>
    %slice3A_22 = vector.extract_strided_slice %add3A_20 {offsets = [0, 64], sizes = [512, 64], strides = [1, 1]} : vector<512x128xf32> to vector<512x64xf32>
    %add3A_23 = arith.addf %slice3A_21, %slice3A_22 : vector<512x64xf32>
    %slice3A_24 = vector.extract_strided_slice %add3A_23 {offsets = [0, 0], sizes = [512, 32], strides = [1, 1]} : vector<512x64xf32> to vector<512x32xf32>
    %slice3A_25 = vector.extract_strided_slice %add3A_23 {offsets = [0, 32], sizes = [512, 32], strides = [1, 1]} : vector<512x64xf32> to vector<512x32xf32>
    %add3A_26 = arith.addf %slice3A_24, %slice3A_25 : vector<512x32xf32>
    %slice3A_27 = vector.extract_strided_slice %add3A_26 {offsets = [0, 0], sizes = [512, 16], strides = [1, 1]} : vector<512x32xf32> to vector<512x16xf32>
    %slice3A_28 = vector.extract_strided_slice %add3A_26 {offsets = [0, 16], sizes = [512, 16], strides = [1, 1]} : vector<512x32xf32> to vector<512x16xf32>
    %add3A_29 = arith.addf %slice3A_27, %slice3A_28 : vector<512x16xf32>
    %slice3A_30 = vector.extract_strided_slice %add3A_29 {offsets = [0, 0], sizes = [512, 8], strides = [1, 1]} : vector<512x16xf32> to vector<512x8xf32>
    %slice3A_31 = vector.extract_strided_slice %add3A_29 {offsets = [0, 8], sizes = [512, 8], strides = [1, 1]} : vector<512x16xf32> to vector<512x8xf32>
    %add3A_32 = arith.addf %slice3A_30, %slice3A_31 : vector<512x8xf32>
    %slice3A_33 = vector.extract_strided_slice %add3A_32 {offsets = [0, 0], sizes = [512, 4], strides = [1, 1]} : vector<512x8xf32> to vector<512x4xf32>
    %slice3A_34 = vector.extract_strided_slice %add3A_32 {offsets = [0, 4], sizes = [512, 4], strides = [1, 1]} : vector<512x8xf32> to vector<512x4xf32>
    %add3A_35 = arith.addf %slice3A_33, %slice3A_34 : vector<512x4xf32>
    %slice3A_36 = vector.extract_strided_slice %add3A_35 {offsets = [0, 0], sizes = [512, 2], strides = [1, 1]} : vector<512x4xf32> to vector<512x2xf32>
    %slice3A_37 = vector.extract_strided_slice %add3A_35 {offsets = [0, 2], sizes = [512, 2], strides = [1, 1]} : vector<512x4xf32> to vector<512x2xf32>
    %add3A_38 = arith.addf %slice3A_36, %slice3A_37 : vector<512x2xf32>
    %slice3A_39 = vector.extract_strided_slice %add3A_38 {offsets = [0, 0], sizes = [512, 1], strides = [1, 1]} : vector<512x2xf32> to vector<512x1xf32>
    %slice3A_40 = vector.extract_strided_slice %add3A_38 {offsets = [0, 1], sizes = [512, 1], strides = [1, 1]} : vector<512x2xf32> to vector<512x1xf32>
    %add3A_41 = arith.addf %slice3A_39, %slice3A_40 : vector<512x1xf32>
    %slice3A_42 = vector.extract_strided_slice %max3A_11 {offsets = [0, 256], sizes = [512, 256], strides = [1, 1]} : vector<512x512xf32> to vector<512x256xf32>
    %slice3A_43 = vector.extract_strided_slice %slice3A_42 {offsets = [0, 0], sizes = [512, 128], strides = [1, 1]} : vector<512x256xf32> to vector<512x128xf32>
    %slice3A_44 = vector.extract_strided_slice %slice3A_42 {offsets = [0, 128], sizes = [512, 128], strides = [1, 1]} : vector<512x256xf32> to vector<512x128xf32>
    %add3A_45 = arith.addf %slice3A_43, %slice3A_44 : vector<512x128xf32>
    %slice3A_46 = vector.extract_strided_slice %add3A_45 {offsets = [0, 0], sizes = [512, 64], strides = [1, 1]} : vector<512x128xf32> to vector<512x64xf32>
    %slice3A_47 = vector.extract_strided_slice %add3A_45 {offsets = [0, 64], sizes = [512, 64], strides = [1, 1]} : vector<512x128xf32> to vector<512x64xf32>
    %add3A_48 = arith.addf %slice3A_46, %slice3A_47 : vector<512x64xf32>
    %slice3A_49 = vector.extract_strided_slice %add3A_48 {offsets = [0, 0], sizes = [512, 32], strides = [1, 1]} : vector<512x64xf32> to vector<512x32xf32>
    %slice3A_50 = vector.extract_strided_slice %add3A_48 {offsets = [0, 32], sizes = [512, 32], strides = [1, 1]} : vector<512x64xf32> to vector<512x32xf32>
    %add3A_51 = arith.addf %slice3A_49, %slice3A_50 : vector<512x32xf32>
    %slice3A_52 = vector.extract_strided_slice %add3A_51 {offsets = [0, 0], sizes = [512, 16], strides = [1, 1]} : vector<512x32xf32> to vector<512x16xf32>
    %slice3A_53 = vector.extract_strided_slice %add3A_51 {offsets = [0, 16], sizes = [512, 16], strides = [1, 1]} : vector<512x32xf32> to vector<512x16xf32>
    %add3A_54 = arith.addf %slice3A_52, %slice3A_53 : vector<512x16xf32>
    %slice3A_55 = vector.extract_strided_slice %add3A_54 {offsets = [0, 0], sizes = [512, 8], strides = [1, 1]} : vector<512x16xf32> to vector<512x8xf32>
    %slice3A_56 = vector.extract_strided_slice %add3A_54 {offsets = [0, 8], sizes = [512, 8], strides = [1, 1]} : vector<512x16xf32> to vector<512x8xf32>
    %add3A_57 = arith.addf %slice3A_55, %slice3A_56 : vector<512x8xf32>
    %slice3A_58 = vector.extract_strided_slice %add3A_57 {offsets = [0, 0], sizes = [512, 4], strides = [1, 1]} : vector<512x8xf32> to vector<512x4xf32>
    %slice3A_59 = vector.extract_strided_slice %add3A_57 {offsets = [0, 4], sizes = [512, 4], strides = [1, 1]} : vector<512x8xf32> to vector<512x4xf32>
    %add3A_60 = arith.addf %slice3A_58, %slice3A_59 : vector<512x4xf32>
    %slice3A_61 = vector.extract_strided_slice %add3A_60 {offsets = [0, 0], sizes = [512, 2], strides = [1, 1]} : vector<512x4xf32> to vector<512x2xf32>
    %slice3A_62 = vector.extract_strided_slice %add3A_60 {offsets = [0, 2], sizes = [512, 2], strides = [1, 1]} : vector<512x4xf32> to vector<512x2xf32>
    %add3A_63 = arith.addf %slice3A_61, %slice3A_62 : vector<512x2xf32>
    %slice3A_64 = vector.extract_strided_slice %add3A_63 {offsets = [0, 0], sizes = [512, 1], strides = [1, 1]} : vector<512x2xf32> to vector<512x1xf32>
    %slice3A_65 = vector.extract_strided_slice %add3A_63 {offsets = [0, 1], sizes = [512, 1], strides = [1, 1]} : vector<512x2xf32> to vector<512x1xf32>
    %add3A_66 = arith.addf %slice3A_64, %slice3A_65 : vector<512x1xf32>
    %add3A_67 = arith.addf %add3A_41, %add3A_66 : vector<512x1xf32>
    %mul3A = arith.constant 0.001953125 : f32
    %mul3A_68 = vector.broadcast %mul3A : f32 to vector<512x1xf32>
    %mul3A_69 = arith.mulf %add3A_67, %mul3A_68 : vector<512x1xf32>
    %sub3A = vector.broadcast %mul3A_69 : vector<512x1xf32> to vector<512x512xf32>
    %sub3A_70 = arith.subf %max3A_11, %sub3A : vector<512x512xf32>
    %mul3A_71 = arith.mulf %sub3A_70, %sub3A_70 : vector<512x512xf32>
    %slice3A_72 = vector.extract_strided_slice %mul3A_71 {offsets = [0, 0], sizes = [512, 256], strides = [1, 1]} : vector<512x512xf32> to vector<512x256xf32>
    %slice3A_73 = vector.extract_strided_slice %slice3A_72 {offsets = [0, 0], sizes = [512, 128], strides = [1, 1]} : vector<512x256xf32> to vector<512x128xf32>
    %slice3A_74 = vector.extract_strided_slice %slice3A_72 {offsets = [0, 128], sizes = [512, 128], strides = [1, 1]} : vector<512x256xf32> to vector<512x128xf32>
    %add3A_75 = arith.addf %slice3A_73, %slice3A_74 : vector<512x128xf32>
    %slice3A_76 = vector.extract_strided_slice %add3A_75 {offsets = [0, 0], sizes = [512, 64], strides = [1, 1]} : vector<512x128xf32> to vector<512x64xf32>
    %slice3A_77 = vector.extract_strided_slice %add3A_75 {offsets = [0, 64], sizes = [512, 64], strides = [1, 1]} : vector<512x128xf32> to vector<512x64xf32>
    %add3A_78 = arith.addf %slice3A_76, %slice3A_77 : vector<512x64xf32>
    %slice3A_79 = vector.extract_strided_slice %add3A_78 {offsets = [0, 0], sizes = [512, 32], strides = [1, 1]} : vector<512x64xf32> to vector<512x32xf32>
    %slice3A_80 = vector.extract_strided_slice %add3A_78 {offsets = [0, 32], sizes = [512, 32], strides = [1, 1]} : vector<512x64xf32> to vector<512x32xf32>
    %add3A_81 = arith.addf %slice3A_79, %slice3A_80 : vector<512x32xf32>
    %slice3A_82 = vector.extract_strided_slice %add3A_81 {offsets = [0, 0], sizes = [512, 16], strides = [1, 1]} : vector<512x32xf32> to vector<512x16xf32>
    %slice3A_83 = vector.extract_strided_slice %add3A_81 {offsets = [0, 16], sizes = [512, 16], strides = [1, 1]} : vector<512x32xf32> to vector<512x16xf32>
    %add3A_84 = arith.addf %slice3A_82, %slice3A_83 : vector<512x16xf32>
    %slice3A_85 = vector.extract_strided_slice %add3A_84 {offsets = [0, 0], sizes = [512, 8], strides = [1, 1]} : vector<512x16xf32> to vector<512x8xf32>
    %slice3A_86 = vector.extract_strided_slice %add3A_84 {offsets = [0, 8], sizes = [512, 8], strides = [1, 1]} : vector<512x16xf32> to vector<512x8xf32>
    %add3A_87 = arith.addf %slice3A_85, %slice3A_86 : vector<512x8xf32>
    %slice3A_88 = vector.extract_strided_slice %add3A_87 {offsets = [0, 0], sizes = [512, 4], strides = [1, 1]} : vector<512x8xf32> to vector<512x4xf32>
    %slice3A_89 = vector.extract_strided_slice %add3A_87 {offsets = [0, 4], sizes = [512, 4], strides = [1, 1]} : vector<512x8xf32> to vector<512x4xf32>
    %add3A_90 = arith.addf %slice3A_88, %slice3A_89 : vector<512x4xf32>
    %slice3A_91 = vector.extract_strided_slice %add3A_90 {offsets = [0, 0], sizes = [512, 2], strides = [1, 1]} : vector<512x4xf32> to vector<512x2xf32>
    %slice3A_92 = vector.extract_strided_slice %add3A_90 {offsets = [0, 2], sizes = [512, 2], strides = [1, 1]} : vector<512x4xf32> to vector<512x2xf32>
    %add3A_93 = arith.addf %slice3A_91, %slice3A_92 : vector<512x2xf32>
    %slice3A_94 = vector.extract_strided_slice %add3A_93 {offsets = [0, 0], sizes = [512, 1], strides = [1, 1]} : vector<512x2xf32> to vector<512x1xf32>
    %slice3A_95 = vector.extract_strided_slice %add3A_93 {offsets = [0, 1], sizes = [512, 1], strides = [1, 1]} : vector<512x2xf32> to vector<512x1xf32>
    %add3A_96 = arith.addf %slice3A_94, %slice3A_95 : vector<512x1xf32>
    %slice3A_97 = vector.extract_strided_slice %mul3A_71 {offsets = [0, 256], sizes = [512, 256], strides = [1, 1]} : vector<512x512xf32> to vector<512x256xf32>
    %slice3A_98 = vector.extract_strided_slice %slice3A_97 {offsets = [0, 0], sizes = [512, 128], strides = [1, 1]} : vector<512x256xf32> to vector<512x128xf32>
    %slice3A_99 = vector.extract_strided_slice %slice3A_97 {offsets = [0, 128], sizes = [512, 128], strides = [1, 1]} : vector<512x256xf32> to vector<512x128xf32>
    %add3A_100 = arith.addf %slice3A_98, %slice3A_99 : vector<512x128xf32>
    %slice3A_101 = vector.extract_strided_slice %add3A_100 {offsets = [0, 0], sizes = [512, 64], strides = [1, 1]} : vector<512x128xf32> to vector<512x64xf32>
    %slice3A_102 = vector.extract_strided_slice %add3A_100 {offsets = [0, 64], sizes = [512, 64], strides = [1, 1]} : vector<512x128xf32> to vector<512x64xf32>
    %add3A_103 = arith.addf %slice3A_101, %slice3A_102 : vector<512x64xf32>
    %slice3A_104 = vector.extract_strided_slice %add3A_103 {offsets = [0, 0], sizes = [512, 32], strides = [1, 1]} : vector<512x64xf32> to vector<512x32xf32>
    %slice3A_105 = vector.extract_strided_slice %add3A_103 {offsets = [0, 32], sizes = [512, 32], strides = [1, 1]} : vector<512x64xf32> to vector<512x32xf32>
    %add3A_106 = arith.addf %slice3A_104, %slice3A_105 : vector<512x32xf32>
    %slice3A_107 = vector.extract_strided_slice %add3A_106 {offsets = [0, 0], sizes = [512, 16], strides = [1, 1]} : vector<512x32xf32> to vector<512x16xf32>
    %slice3A_108 = vector.extract_strided_slice %add3A_106 {offsets = [0, 16], sizes = [512, 16], strides = [1, 1]} : vector<512x32xf32> to vector<512x16xf32>
    %add3A_109 = arith.addf %slice3A_107, %slice3A_108 : vector<512x16xf32>
    %slice3A_110 = vector.extract_strided_slice %add3A_109 {offsets = [0, 0], sizes = [512, 8], strides = [1, 1]} : vector<512x16xf32> to vector<512x8xf32>
    %slice3A_111 = vector.extract_strided_slice %add3A_109 {offsets = [0, 8], sizes = [512, 8], strides = [1, 1]} : vector<512x16xf32> to vector<512x8xf32>
    %add3A_112 = arith.addf %slice3A_110, %slice3A_111 : vector<512x8xf32>
    %slice3A_113 = vector.extract_strided_slice %add3A_112 {offsets = [0, 0], sizes = [512, 4], strides = [1, 1]} : vector<512x8xf32> to vector<512x4xf32>
    %slice3A_114 = vector.extract_strided_slice %add3A_112 {offsets = [0, 4], sizes = [512, 4], strides = [1, 1]} : vector<512x8xf32> to vector<512x4xf32>
    %add3A_115 = arith.addf %slice3A_113, %slice3A_114 : vector<512x4xf32>
    %slice3A_116 = vector.extract_strided_slice %add3A_115 {offsets = [0, 0], sizes = [512, 2], strides = [1, 1]} : vector<512x4xf32> to vector<512x2xf32>
    %slice3A_117 = vector.extract_strided_slice %add3A_115 {offsets = [0, 2], sizes = [512, 2], strides = [1, 1]} : vector<512x4xf32> to vector<512x2xf32>
    %add3A_118 = arith.addf %slice3A_116, %slice3A_117 : vector<512x2xf32>
    %slice3A_119 = vector.extract_strided_slice %add3A_118 {offsets = [0, 0], sizes = [512, 1], strides = [1, 1]} : vector<512x2xf32> to vector<512x1xf32>
    %slice3A_120 = vector.extract_strided_slice %add3A_118 {offsets = [0, 1], sizes = [512, 1], strides = [1, 1]} : vector<512x2xf32> to vector<512x1xf32>
    %add3A_121 = arith.addf %slice3A_119, %slice3A_120 : vector<512x1xf32>
    %add3A_122 = arith.addf %add3A_96, %add3A_121 : vector<512x1xf32>
    %mul3A_123 = arith.constant 0.001953125 : f32
    %mul3A_124 = vector.broadcast %mul3A_123 : f32 to vector<512x1xf32>
    %mul3A_125 = arith.mulf %add3A_122, %mul3A_124 : vector<512x1xf32>
    %add3A_126 = arith.constant 9.99999974E-6 : f32
    %add3A_127 = vector.broadcast %add3A_126 : f32 to vector<512x1xf32>
    %add3A_128 = arith.addf %mul3A_125, %add3A_127 : vector<512x1xf32>
    %rsqrt3A = math.rsqrt %add3A_128 : vector<512x1xf32>
    %mul3A_129 = vector.broadcast %rsqrt3A : vector<512x1xf32> to vector<512x512xf32>
    %mul3A_130 = arith.mulf %sub3A_70, %mul3A_129 : vector<512x512xf32>
    %mul3A_131 = vector.broadcast %get3A_14 : vector<1x512xf32> to vector<512x512xf32>
    %mul3A_132 = arith.mulf %mul3A_130, %mul3A_131 : vector<512x512xf32>
    %add3A_133 = vector.broadcast %get3A_17 : vector<1x512xf32> to vector<512x512xf32>
    %add3A_134 = arith.addf %mul3A_132, %add3A_133 : vector<512x512xf32>
    %convert_element_type3A_135 = arith.truncf %add3A_134 : vector<512x512xf32> to vector<512x512xbf16>
    %get3A_136 = arith.constant 0 : index
    %get3A_137 = arith.constant 0 : index
    %get3A_138 = vector.load %arg6[%get3A_136, %get3A_137] : memref<512x512xbf16, #tpu.memory_space<vmem>>, vector<512x512xbf16>
    %dot_general3A_139 = arith.constant dense<0.000000e+00> : vector<512x512xf32>
    %dot_general3A_140 = tpu.matmul %convert_element_type3A_135, %get3A_138, %dot_general3A_139 {dimension_numbers = #tpu.dot_dimension_numbers<[1], [0], [0], [1], [0, 0, 1, 1], [], []>, transpose_lhs_hint = false} : vector<512x512xbf16>, vector<512x512xbf16>, vector<512x512xf32> -> vector<512x512xf32>
    %get3A_141 = arith.constant 0 : index
    %get3A_142 = arith.constant 0 : index
    %get3A_143 = vector.load %arg7[%get3A_141, %get3A_142] : memref<1x512xf32, #tpu.memory_space<vmem>>, vector<1x512xf32>
    %add3A_144 = vector.broadcast %get3A_143 : vector<1x512xf32> to vector<512x512xf32>
    %add3A_145 = arith.addf %dot_general3A_140, %add3A_144 : vector<512x512xf32>
    %max3A_146 = arith.constant 0.000000e+00 : f32
    %max3A_147 = vector.broadcast %max3A_146 : f32 to vector<512x512xf32>
    %max3A_148 = arith.maximumf %add3A_145, %max3A_147 : vector<512x512xf32>
    %get3A_149 = arith.constant 0 : index
    %get3A_150 = arith.constant 0 : index
    %get3A_151 = vector.load %arg8[%get3A_149, %get3A_150] : memref<1x512xf32, #tpu.memory_space<vmem>>, vector<1x512xf32>
    %get3A_152 = arith.constant 0 : index
    %get3A_153 = arith.constant 0 : index
    %get3A_154 = vector.load %arg9[%get3A_152, %get3A_153] : memref<1x512xf32, #tpu.memory_space<vmem>>, vector<1x512xf32>
    %slice3A_155 = vector.extract_strided_slice %max3A_148 {offsets = [0, 0], sizes = [512, 256], strides = [1, 1]} : vector<512x512xf32> to vector<512x256xf32>
    %slice3A_156 = vector.extract_strided_slice %slice3A_155 {offsets = [0, 0], sizes = [512, 128], strides = [1, 1]} : vector<512x256xf32> to vector<512x128xf32>
    %slice3A_157 = vector.extract_strided_slice %slice3A_155 {offsets = [0, 128], sizes = [512, 128], strides = [1, 1]} : vector<512x256xf32> to vector<512x128xf32>
    %add3A_158 = arith.addf %slice3A_156, %slice3A_157 : vector<512x128xf32>
    %slice3A_159 = vector.extract_strided_slice %add3A_158 {offsets = [0, 0], sizes = [512, 64], strides = [1, 1]} : vector<512x128xf32> to vector<512x64xf32>
    %slice3A_160 = vector.extract_strided_slice %add3A_158 {offsets = [0, 64], sizes = [512, 64], strides = [1, 1]} : vector<512x128xf32> to vector<512x64xf32>
    %add3A_161 = arith.addf %slice3A_159, %slice3A_160 : vector<512x64xf32>
    %slice3A_162 = vector.extract_strided_slice %add3A_161 {offsets = [0, 0], sizes = [512, 32], strides = [1, 1]} : vector<512x64xf32> to vector<512x32xf32>
    %slice3A_163 = vector.extract_strided_slice %add3A_161 {offsets = [0, 32], sizes = [512, 32], strides = [1, 1]} : vector<512x64xf32> to vector<512x32xf32>
    %add3A_164 = arith.addf %slice3A_162, %slice3A_163 : vector<512x32xf32>
    %slice3A_165 = vector.extract_strided_slice %add3A_164 {offsets = [0, 0], sizes = [512, 16], strides = [1, 1]} : vector<512x32xf32> to vector<512x16xf32>
    %slice3A_166 = vector.extract_strided_slice %add3A_164 {offsets = [0, 16], sizes = [512, 16], strides = [1, 1]} : vector<512x32xf32> to vector<512x16xf32>
    %add3A_167 = arith.addf %slice3A_165, %slice3A_166 : vector<512x16xf32>
    %slice3A_168 = vector.extract_strided_slice %add3A_167 {offsets = [0, 0], sizes = [512, 8], strides = [1, 1]} : vector<512x16xf32> to vector<512x8xf32>
    %slice3A_169 = vector.extract_strided_slice %add3A_167 {offsets = [0, 8], sizes = [512, 8], strides = [1, 1]} : vector<512x16xf32> to vector<512x8xf32>
    %add3A_170 = arith.addf %slice3A_168, %slice3A_169 : vector<512x8xf32>
    %slice3A_171 = vector.extract_strided_slice %add3A_170 {offsets = [0, 0], sizes = [512, 4], strides = [1, 1]} : vector<512x8xf32> to vector<512x4xf32>
    %slice3A_172 = vector.extract_strided_slice %add3A_170 {offsets = [0, 4], sizes = [512, 4], strides = [1, 1]} : vector<512x8xf32> to vector<512x4xf32>
    %add3A_173 = arith.addf %slice3A_171, %slice3A_172 : vector<512x4xf32>
    %slice3A_174 = vector.extract_strided_slice %add3A_173 {offsets = [0, 0], sizes = [512, 2], strides = [1, 1]} : vector<512x4xf32> to vector<512x2xf32>
    %slice3A_175 = vector.extract_strided_slice %add3A_173 {offsets = [0, 2], sizes = [512, 2], strides = [1, 1]} : vector<512x4xf32> to vector<512x2xf32>
    %add3A_176 = arith.addf %slice3A_174, %slice3A_175 : vector<512x2xf32>
    %slice3A_177 = vector.extract_strided_slice %add3A_176 {offsets = [0, 0], sizes = [512, 1], strides = [1, 1]} : vector<512x2xf32> to vector<512x1xf32>
    %slice3A_178 = vector.extract_strided_slice %add3A_176 {offsets = [0, 1], sizes = [512, 1], strides = [1, 1]} : vector<512x2xf32> to vector<512x1xf32>
    %add3A_179 = arith.addf %slice3A_177, %slice3A_178 : vector<512x1xf32>
    %slice3A_180 = vector.extract_strided_slice %max3A_148 {offsets = [0, 256], sizes = [512, 256], strides = [1, 1]} : vector<512x512xf32> to vector<512x256xf32>
    %slice3A_181 = vector.extract_strided_slice %slice3A_180 {offsets = [0, 0], sizes = [512, 128], strides = [1, 1]} : vector<512x256xf32> to vector<512x128xf32>
    %slice3A_182 = vector.extract_strided_slice %slice3A_180 {offsets = [0, 128], sizes = [512, 128], strides = [1, 1]} : vector<512x256xf32> to vector<512x128xf32>
    %add3A_183 = arith.addf %slice3A_181, %slice3A_182 : vector<512x128xf32>
    %slice3A_184 = vector.extract_strided_slice %add3A_183 {offsets = [0, 0], sizes = [512, 64], strides = [1, 1]} : vector<512x128xf32> to vector<512x64xf32>
    %slice3A_185 = vector.extract_strided_slice %add3A_183 {offsets = [0, 64], sizes = [512, 64], strides = [1, 1]} : vector<512x128xf32> to vector<512x64xf32>
    %add3A_186 = arith.addf %slice3A_184, %slice3A_185 : vector<512x64xf32>
    %slice3A_187 = vector.extract_strided_slice %add3A_186 {offsets = [0, 0], sizes = [512, 32], strides = [1, 1]} : vector<512x64xf32> to vector<512x32xf32>
    %slice3A_188 = vector.extract_strided_slice %add3A_186 {offsets = [0, 32], sizes = [512, 32], strides = [1, 1]} : vector<512x64xf32> to vector<512x32xf32>
    %add3A_189 = arith.addf %slice3A_187, %slice3A_188 : vector<512x32xf32>
    %slice3A_190 = vector.extract_strided_slice %add3A_189 {offsets = [0, 0], sizes = [512, 16], strides = [1, 1]} : vector<512x32xf32> to vector<512x16xf32>
    %slice3A_191 = vector.extract_strided_slice %add3A_189 {offsets = [0, 16], sizes = [512, 16], strides = [1, 1]} : vector<512x32xf32> to vector<512x16xf32>
    %add3A_192 = arith.addf %slice3A_190, %slice3A_191 : vector<512x16xf32>
    %slice3A_193 = vector.extract_strided_slice %add3A_192 {offsets = [0, 0], sizes = [512, 8], strides = [1, 1]} : vector<512x16xf32> to vector<512x8xf32>
    %slice3A_194 = vector.extract_strided_slice %add3A_192 {offsets = [0, 8], sizes = [512, 8], strides = [1, 1]} : vector<512x16xf32> to vector<512x8xf32>
    %add3A_195 = arith.addf %slice3A_193, %slice3A_194 : vector<512x8xf32>
    %slice3A_196 = vector.extract_strided_slice %add3A_195 {offsets = [0, 0], sizes = [512, 4], strides = [1, 1]} : vector<512x8xf32> to vector<512x4xf32>
    %slice3A_197 = vector.extract_strided_slice %add3A_195 {offsets = [0, 4], sizes = [512, 4], strides = [1, 1]} : vector<512x8xf32> to vector<512x4xf32>
    %add3A_198 = arith.addf %slice3A_196, %slice3A_197 : vector<512x4xf32>
    %slice3A_199 = vector.extract_strided_slice %add3A_198 {offsets = [0, 0], sizes = [512, 2], strides = [1, 1]} : vector<512x4xf32> to vector<512x2xf32>
    %slice3A_200 = vector.extract_strided_slice %add3A_198 {offsets = [0, 2], sizes = [512, 2], strides = [1, 1]} : vector<512x4xf32> to vector<512x2xf32>
    %add3A_201 = arith.addf %slice3A_199, %slice3A_200 : vector<512x2xf32>
    %slice3A_202 = vector.extract_strided_slice %add3A_201 {offsets = [0, 0], sizes = [512, 1], strides = [1, 1]} : vector<512x2xf32> to vector<512x1xf32>
    %slice3A_203 = vector.extract_strided_slice %add3A_201 {offsets = [0, 1], sizes = [512, 1], strides = [1, 1]} : vector<512x2xf32> to vector<512x1xf32>
    %add3A_204 = arith.addf %slice3A_202, %slice3A_203 : vector<512x1xf32>
    %add3A_205 = arith.addf %add3A_179, %add3A_204 : vector<512x1xf32>
    %mul3A_206 = arith.constant 0.001953125 : f32
    %mul3A_207 = vector.broadcast %mul3A_206 : f32 to vector<512x1xf32>
    %mul3A_208 = arith.mulf %add3A_205, %mul3A_207 : vector<512x1xf32>
    %sub3A_209 = vector.broadcast %mul3A_208 : vector<512x1xf32> to vector<512x512xf32>
    %sub3A_210 = arith.subf %max3A_148, %sub3A_209 : vector<512x512xf32>
    %mul3A_211 = arith.mulf %sub3A_210, %sub3A_210 : vector<512x512xf32>
    %slice3A_212 = vector.extract_strided_slice %mul3A_211 {offsets = [0, 0], sizes = [512, 256], strides = [1, 1]} : vector<512x512xf32> to vector<512x256xf32>
    %slice3A_213 = vector.extract_strided_slice %slice3A_212 {offsets = [0, 0], sizes = [512, 128], strides = [1, 1]} : vector<512x256xf32> to vector<512x128xf32>
    %slice3A_214 = vector.extract_strided_slice %slice3A_212 {offsets = [0, 128], sizes = [512, 128], strides = [1, 1]} : vector<512x256xf32> to vector<512x128xf32>
    %add3A_215 = arith.addf %slice3A_213, %slice3A_214 : vector<512x128xf32>
    %slice3A_216 = vector.extract_strided_slice %add3A_215 {offsets = [0, 0], sizes = [512, 64], strides = [1, 1]} : vector<512x128xf32> to vector<512x64xf32>
    %slice3A_217 = vector.extract_strided_slice %add3A_215 {offsets = [0, 64], sizes = [512, 64], strides = [1, 1]} : vector<512x128xf32> to vector<512x64xf32>
    %add3A_218 = arith.addf %slice3A_216, %slice3A_217 : vector<512x64xf32>
    %slice3A_219 = vector.extract_strided_slice %add3A_218 {offsets = [0, 0], sizes = [512, 32], strides = [1, 1]} : vector<512x64xf32> to vector<512x32xf32>
    %slice3A_220 = vector.extract_strided_slice %add3A_218 {offsets = [0, 32], sizes = [512, 32], strides = [1, 1]} : vector<512x64xf32> to vector<512x32xf32>
    %add3A_221 = arith.addf %slice3A_219, %slice3A_220 : vector<512x32xf32>
    %slice3A_222 = vector.extract_strided_slice %add3A_221 {offsets = [0, 0], sizes = [512, 16], strides = [1, 1]} : vector<512x32xf32> to vector<512x16xf32>
    %slice3A_223 = vector.extract_strided_slice %add3A_221 {offsets = [0, 16], sizes = [512, 16], strides = [1, 1]} : vector<512x32xf32> to vector<512x16xf32>
    %add3A_224 = arith.addf %slice3A_222, %slice3A_223 : vector<512x16xf32>
    %slice3A_225 = vector.extract_strided_slice %add3A_224 {offsets = [0, 0], sizes = [512, 8], strides = [1, 1]} : vector<512x16xf32> to vector<512x8xf32>
    %slice3A_226 = vector.extract_strided_slice %add3A_224 {offsets = [0, 8], sizes = [512, 8], strides = [1, 1]} : vector<512x16xf32> to vector<512x8xf32>
    %add3A_227 = arith.addf %slice3A_225, %slice3A_226 : vector<512x8xf32>
    %slice3A_228 = vector.extract_strided_slice %add3A_227 {offsets = [0, 0], sizes = [512, 4], strides = [1, 1]} : vector<512x8xf32> to vector<512x4xf32>
    %slice3A_229 = vector.extract_strided_slice %add3A_227 {offsets = [0, 4], sizes = [512, 4], strides = [1, 1]} : vector<512x8xf32> to vector<512x4xf32>
    %add3A_230 = arith.addf %slice3A_228, %slice3A_229 : vector<512x4xf32>
    %slice3A_231 = vector.extract_strided_slice %add3A_230 {offsets = [0, 0], sizes = [512, 2], strides = [1, 1]} : vector<512x4xf32> to vector<512x2xf32>
    %slice3A_232 = vector.extract_strided_slice %add3A_230 {offsets = [0, 2], sizes = [512, 2], strides = [1, 1]} : vector<512x4xf32> to vector<512x2xf32>
    %add3A_233 = arith.addf %slice3A_231, %slice3A_232 : vector<512x2xf32>
    %slice3A_234 = vector.extract_strided_slice %add3A_233 {offsets = [0, 0], sizes = [512, 1], strides = [1, 1]} : vector<512x2xf32> to vector<512x1xf32>
    %slice3A_235 = vector.extract_strided_slice %add3A_233 {offsets = [0, 1], sizes = [512, 1], strides = [1, 1]} : vector<512x2xf32> to vector<512x1xf32>
    %add3A_236 = arith.addf %slice3A_234, %slice3A_235 : vector<512x1xf32>
    %slice3A_237 = vector.extract_strided_slice %mul3A_211 {offsets = [0, 256], sizes = [512, 256], strides = [1, 1]} : vector<512x512xf32> to vector<512x256xf32>
    %slice3A_238 = vector.extract_strided_slice %slice3A_237 {offsets = [0, 0], sizes = [512, 128], strides = [1, 1]} : vector<512x256xf32> to vector<512x128xf32>
    %slice3A_239 = vector.extract_strided_slice %slice3A_237 {offsets = [0, 128], sizes = [512, 128], strides = [1, 1]} : vector<512x256xf32> to vector<512x128xf32>
    %add3A_240 = arith.addf %slice3A_238, %slice3A_239 : vector<512x128xf32>
    %slice3A_241 = vector.extract_strided_slice %add3A_240 {offsets = [0, 0], sizes = [512, 64], strides = [1, 1]} : vector<512x128xf32> to vector<512x64xf32>
    %slice3A_242 = vector.extract_strided_slice %add3A_240 {offsets = [0, 64], sizes = [512, 64], strides = [1, 1]} : vector<512x128xf32> to vector<512x64xf32>
    %add3A_243 = arith.addf %slice3A_241, %slice3A_242 : vector<512x64xf32>
    %slice3A_244 = vector.extract_strided_slice %add3A_243 {offsets = [0, 0], sizes = [512, 32], strides = [1, 1]} : vector<512x64xf32> to vector<512x32xf32>
    %slice3A_245 = vector.extract_strided_slice %add3A_243 {offsets = [0, 32], sizes = [512, 32], strides = [1, 1]} : vector<512x64xf32> to vector<512x32xf32>
    %add3A_246 = arith.addf %slice3A_244, %slice3A_245 : vector<512x32xf32>
    %slice3A_247 = vector.extract_strided_slice %add3A_246 {offsets = [0, 0], sizes = [512, 16], strides = [1, 1]} : vector<512x32xf32> to vector<512x16xf32>
    %slice3A_248 = vector.extract_strided_slice %add3A_246 {offsets = [0, 16], sizes = [512, 16], strides = [1, 1]} : vector<512x32xf32> to vector<512x16xf32>
    %add3A_249 = arith.addf %slice3A_247, %slice3A_248 : vector<512x16xf32>
    %slice3A_250 = vector.extract_strided_slice %add3A_249 {offsets = [0, 0], sizes = [512, 8], strides = [1, 1]} : vector<512x16xf32> to vector<512x8xf32>
    %slice3A_251 = vector.extract_strided_slice %add3A_249 {offsets = [0, 8], sizes = [512, 8], strides = [1, 1]} : vector<512x16xf32> to vector<512x8xf32>
    %add3A_252 = arith.addf %slice3A_250, %slice3A_251 : vector<512x8xf32>
    %slice3A_253 = vector.extract_strided_slice %add3A_252 {offsets = [0, 0], sizes = [512, 4], strides = [1, 1]} : vector<512x8xf32> to vector<512x4xf32>
    %slice3A_254 = vector.extract_strided_slice %add3A_252 {offsets = [0, 4], sizes = [512, 4], strides = [1, 1]} : vector<512x8xf32> to vector<512x4xf32>
    %add3A_255 = arith.addf %slice3A_253, %slice3A_254 : vector<512x4xf32>
    %slice3A_256 = vector.extract_strided_slice %add3A_255 {offsets = [0, 0], sizes = [512, 2], strides = [1, 1]} : vector<512x4xf32> to vector<512x2xf32>
    %slice3A_257 = vector.extract_strided_slice %add3A_255 {offsets = [0, 2], sizes = [512, 2], strides = [1, 1]} : vector<512x4xf32> to vector<512x2xf32>
    %add3A_258 = arith.addf %slice3A_256, %slice3A_257 : vector<512x2xf32>
    %slice3A_259 = vector.extract_strided_slice %add3A_258 {offsets = [0, 0], sizes = [512, 1], strides = [1, 1]} : vector<512x2xf32> to vector<512x1xf32>
    %slice3A_260 = vector.extract_strided_slice %add3A_258 {offsets = [0, 1], sizes = [512, 1], strides = [1, 1]} : vector<512x2xf32> to vector<512x1xf32>
    %add3A_261 = arith.addf %slice3A_259, %slice3A_260 : vector<512x1xf32>
    %add3A_262 = arith.addf %add3A_236, %add3A_261 : vector<512x1xf32>
    %mul3A_263 = arith.constant 0.001953125 : f32
    %mul3A_264 = vector.broadcast %mul3A_263 : f32 to vector<512x1xf32>
    %mul3A_265 = arith.mulf %add3A_262, %mul3A_264 : vector<512x1xf32>
    %add3A_266 = arith.constant 9.99999974E-6 : f32
    %add3A_267 = vector.broadcast %add3A_266 : f32 to vector<512x1xf32>
    %add3A_268 = arith.addf %mul3A_265, %add3A_267 : vector<512x1xf32>
    %rsqrt3A_269 = math.rsqrt %add3A_268 : vector<512x1xf32>
    %mul3A_270 = vector.broadcast %rsqrt3A_269 : vector<512x1xf32> to vector<512x512xf32>
    %mul3A_271 = arith.mulf %sub3A_210, %mul3A_270 : vector<512x512xf32>
    %mul3A_272 = vector.broadcast %get3A_151 : vector<1x512xf32> to vector<512x512xf32>
    %mul3A_273 = arith.mulf %mul3A_271, %mul3A_272 : vector<512x512xf32>
    %add3A_274 = vector.broadcast %get3A_154 : vector<1x512xf32> to vector<512x512xf32>
    %add3A_275 = arith.addf %mul3A_273, %add3A_274 : vector<512x512xf32>
    %convert_element_type3A_276 = arith.truncf %add3A_275 : vector<512x512xf32> to vector<512x512xbf16>
    %get3A_277 = arith.constant 0 : index
    %get3A_278 = arith.constant 0 : index
    %get3A_279 = vector.load %arg10[%get3A_277, %get3A_278] : memref<512x512xbf16, #tpu.memory_space<vmem>>, vector<512x512xbf16>
    %dot_general3A_280 = arith.constant dense<0.000000e+00> : vector<512x512xf32>
    %dot_general3A_281 = tpu.matmul %convert_element_type3A_276, %get3A_279, %dot_general3A_280 {dimension_numbers = #tpu.dot_dimension_numbers<[1], [0], [0], [1], [0, 0, 1, 1], [], []>, transpose_lhs_hint = false} : vector<512x512xbf16>, vector<512x512xbf16>, vector<512x512xf32> -> vector<512x512xf32>
    %get3A_282 = arith.constant 0 : index
    %get3A_283 = arith.constant 0 : index
    %get3A_284 = vector.load %arg11[%get3A_282, %get3A_283] : memref<1x512xf32, #tpu.memory_space<vmem>>, vector<1x512xf32>
    %add3A_285 = vector.broadcast %get3A_284 : vector<1x512xf32> to vector<512x512xf32>
    %add3A_286 = arith.addf %dot_general3A_281, %add3A_285 : vector<512x512xf32>
    %max3A_287 = arith.constant 0.000000e+00 : f32
    %max3A_288 = vector.broadcast %max3A_287 : f32 to vector<512x512xf32>
    %max3A_289 = arith.maximumf %add3A_286, %max3A_288 : vector<512x512xf32>
    %get3A_290 = arith.constant 0 : index
    %get3A_291 = arith.constant 0 : index
    %get3A_292 = vector.load %arg12[%get3A_290, %get3A_291] : memref<1x512xf32, #tpu.memory_space<vmem>>, vector<1x512xf32>
    %get3A_293 = arith.constant 0 : index
    %get3A_294 = arith.constant 0 : index
    %get3A_295 = vector.load %arg13[%get3A_293, %get3A_294] : memref<1x512xf32, #tpu.memory_space<vmem>>, vector<1x512xf32>
    %slice3A_296 = vector.extract_strided_slice %max3A_289 {offsets = [0, 0], sizes = [512, 256], strides = [1, 1]} : vector<512x512xf32> to vector<512x256xf32>
    %slice3A_297 = vector.extract_strided_slice %slice3A_296 {offsets = [0, 0], sizes = [512, 128], strides = [1, 1]} : vector<512x256xf32> to vector<512x128xf32>
    %slice3A_298 = vector.extract_strided_slice %slice3A_296 {offsets = [0, 128], sizes = [512, 128], strides = [1, 1]} : vector<512x256xf32> to vector<512x128xf32>
    %add3A_299 = arith.addf %slice3A_297, %slice3A_298 : vector<512x128xf32>
    %slice3A_300 = vector.extract_strided_slice %add3A_299 {offsets = [0, 0], sizes = [512, 64], strides = [1, 1]} : vector<512x128xf32> to vector<512x64xf32>
    %slice3A_301 = vector.extract_strided_slice %add3A_299 {offsets = [0, 64], sizes = [512, 64], strides = [1, 1]} : vector<512x128xf32> to vector<512x64xf32>
    %add3A_302 = arith.addf %slice3A_300, %slice3A_301 : vector<512x64xf32>
    %slice3A_303 = vector.extract_strided_slice %add3A_302 {offsets = [0, 0], sizes = [512, 32], strides = [1, 1]} : vector<512x64xf32> to vector<512x32xf32>
    %slice3A_304 = vector.extract_strided_slice %add3A_302 {offsets = [0, 32], sizes = [512, 32], strides = [1, 1]} : vector<512x64xf32> to vector<512x32xf32>
    %add3A_305 = arith.addf %slice3A_303, %slice3A_304 : vector<512x32xf32>
    %slice3A_306 = vector.extract_strided_slice %add3A_305 {offsets = [0, 0], sizes = [512, 16], strides = [1, 1]} : vector<512x32xf32> to vector<512x16xf32>
    %slice3A_307 = vector.extract_strided_slice %add3A_305 {offsets = [0, 16], sizes = [512, 16], strides = [1, 1]} : vector<512x32xf32> to vector<512x16xf32>
    %add3A_308 = arith.addf %slice3A_306, %slice3A_307 : vector<512x16xf32>
    %slice3A_309 = vector.extract_strided_slice %add3A_308 {offsets = [0, 0], sizes = [512, 8], strides = [1, 1]} : vector<512x16xf32> to vector<512x8xf32>
    %slice3A_310 = vector.extract_strided_slice %add3A_308 {offsets = [0, 8], sizes = [512, 8], strides = [1, 1]} : vector<512x16xf32> to vector<512x8xf32>
    %add3A_311 = arith.addf %slice3A_309, %slice3A_310 : vector<512x8xf32>
    %slice3A_312 = vector.extract_strided_slice %add3A_311 {offsets = [0, 0], sizes = [512, 4], strides = [1, 1]} : vector<512x8xf32> to vector<512x4xf32>
    %slice3A_313 = vector.extract_strided_slice %add3A_311 {offsets = [0, 4], sizes = [512, 4], strides = [1, 1]} : vector<512x8xf32> to vector<512x4xf32>
    %add3A_314 = arith.addf %slice3A_312, %slice3A_313 : vector<512x4xf32>
    %slice3A_315 = vector.extract_strided_slice %add3A_314 {offsets = [0, 0], sizes = [512, 2], strides = [1, 1]} : vector<512x4xf32> to vector<512x2xf32>
    %slice3A_316 = vector.extract_strided_slice %add3A_314 {offsets = [0, 2], sizes = [512, 2], strides = [1, 1]} : vector<512x4xf32> to vector<512x2xf32>
    %add3A_317 = arith.addf %slice3A_315, %slice3A_316 : vector<512x2xf32>
    %slice3A_318 = vector.extract_strided_slice %add3A_317 {offsets = [0, 0], sizes = [512, 1], strides = [1, 1]} : vector<512x2xf32> to vector<512x1xf32>
    %slice3A_319 = vector.extract_strided_slice %add3A_317 {offsets = [0, 1], sizes = [512, 1], strides = [1, 1]} : vector<512x2xf32> to vector<512x1xf32>
    %add3A_320 = arith.addf %slice3A_318, %slice3A_319 : vector<512x1xf32>
    %slice3A_321 = vector.extract_strided_slice %max3A_289 {offsets = [0, 256], sizes = [512, 256], strides = [1, 1]} : vector<512x512xf32> to vector<512x256xf32>
    %slice3A_322 = vector.extract_strided_slice %slice3A_321 {offsets = [0, 0], sizes = [512, 128], strides = [1, 1]} : vector<512x256xf32> to vector<512x128xf32>
    %slice3A_323 = vector.extract_strided_slice %slice3A_321 {offsets = [0, 128], sizes = [512, 128], strides = [1, 1]} : vector<512x256xf32> to vector<512x128xf32>
    %add3A_324 = arith.addf %slice3A_322, %slice3A_323 : vector<512x128xf32>
    %slice3A_325 = vector.extract_strided_slice %add3A_324 {offsets = [0, 0], sizes = [512, 64], strides = [1, 1]} : vector<512x128xf32> to vector<512x64xf32>
    %slice3A_326 = vector.extract_strided_slice %add3A_324 {offsets = [0, 64], sizes = [512, 64], strides = [1, 1]} : vector<512x128xf32> to vector<512x64xf32>
    %add3A_327 = arith.addf %slice3A_325, %slice3A_326 : vector<512x64xf32>
    %slice3A_328 = vector.extract_strided_slice %add3A_327 {offsets = [0, 0], sizes = [512, 32], strides = [1, 1]} : vector<512x64xf32> to vector<512x32xf32>
    %slice3A_329 = vector.extract_strided_slice %add3A_327 {offsets = [0, 32], sizes = [512, 32], strides = [1, 1]} : vector<512x64xf32> to vector<512x32xf32>
    %add3A_330 = arith.addf %slice3A_328, %slice3A_329 : vector<512x32xf32>
    %slice3A_331 = vector.extract_strided_slice %add3A_330 {offsets = [0, 0], sizes = [512, 16], strides = [1, 1]} : vector<512x32xf32> to vector<512x16xf32>
    %slice3A_332 = vector.extract_strided_slice %add3A_330 {offsets = [0, 16], sizes = [512, 16], strides = [1, 1]} : vector<512x32xf32> to vector<512x16xf32>
    %add3A_333 = arith.addf %slice3A_331, %slice3A_332 : vector<512x16xf32>
    %slice3A_334 = vector.extract_strided_slice %add3A_333 {offsets = [0, 0], sizes = [512, 8], strides = [1, 1]} : vector<512x16xf32> to vector<512x8xf32>
    %slice3A_335 = vector.extract_strided_slice %add3A_333 {offsets = [0, 8], sizes = [512, 8], strides = [1, 1]} : vector<512x16xf32> to vector<512x8xf32>
    %add3A_336 = arith.addf %slice3A_334, %slice3A_335 : vector<512x8xf32>
    %slice3A_337 = vector.extract_strided_slice %add3A_336 {offsets = [0, 0], sizes = [512, 4], strides = [1, 1]} : vector<512x8xf32> to vector<512x4xf32>
    %slice3A_338 = vector.extract_strided_slice %add3A_336 {offsets = [0, 4], sizes = [512, 4], strides = [1, 1]} : vector<512x8xf32> to vector<512x4xf32>
    %add3A_339 = arith.addf %slice3A_337, %slice3A_338 : vector<512x4xf32>
    %slice3A_340 = vector.extract_strided_slice %add3A_339 {offsets = [0, 0], sizes = [512, 2], strides = [1, 1]} : vector<512x4xf32> to vector<512x2xf32>
    %slice3A_341 = vector.extract_strided_slice %add3A_339 {offsets = [0, 2], sizes = [512, 2], strides = [1, 1]} : vector<512x4xf32> to vector<512x2xf32>
    %add3A_342 = arith.addf %slice3A_340, %slice3A_341 : vector<512x2xf32>
    %slice3A_343 = vector.extract_strided_slice %add3A_342 {offsets = [0, 0], sizes = [512, 1], strides = [1, 1]} : vector<512x2xf32> to vector<512x1xf32>
    %slice3A_344 = vector.extract_strided_slice %add3A_342 {offsets = [0, 1], sizes = [512, 1], strides = [1, 1]} : vector<512x2xf32> to vector<512x1xf32>
    %add3A_345 = arith.addf %slice3A_343, %slice3A_344 : vector<512x1xf32>
    %add3A_346 = arith.addf %add3A_320, %add3A_345 : vector<512x1xf32>
    %mul3A_347 = arith.constant 0.001953125 : f32
    %mul3A_348 = vector.broadcast %mul3A_347 : f32 to vector<512x1xf32>
    %mul3A_349 = arith.mulf %add3A_346, %mul3A_348 : vector<512x1xf32>
    %sub3A_350 = vector.broadcast %mul3A_349 : vector<512x1xf32> to vector<512x512xf32>
    %sub3A_351 = arith.subf %max3A_289, %sub3A_350 : vector<512x512xf32>
    %mul3A_352 = arith.mulf %sub3A_351, %sub3A_351 : vector<512x512xf32>
    %slice3A_353 = vector.extract_strided_slice %mul3A_352 {offsets = [0, 0], sizes = [512, 256], strides = [1, 1]} : vector<512x512xf32> to vector<512x256xf32>
    %slice3A_354 = vector.extract_strided_slice %slice3A_353 {offsets = [0, 0], sizes = [512, 128], strides = [1, 1]} : vector<512x256xf32> to vector<512x128xf32>
    %slice3A_355 = vector.extract_strided_slice %slice3A_353 {offsets = [0, 128], sizes = [512, 128], strides = [1, 1]} : vector<512x256xf32> to vector<512x128xf32>
    %add3A_356 = arith.addf %slice3A_354, %slice3A_355 : vector<512x128xf32>
    %slice3A_357 = vector.extract_strided_slice %add3A_356 {offsets = [0, 0], sizes = [512, 64], strides = [1, 1]} : vector<512x128xf32> to vector<512x64xf32>
    %slice3A_358 = vector.extract_strided_slice %add3A_356 {offsets = [0, 64], sizes = [512, 64], strides = [1, 1]} : vector<512x128xf32> to vector<512x64xf32>
    %add3A_359 = arith.addf %slice3A_357, %slice3A_358 : vector<512x64xf32>
    %slice3A_360 = vector.extract_strided_slice %add3A_359 {offsets = [0, 0], sizes = [512, 32], strides = [1, 1]} : vector<512x64xf32> to vector<512x32xf32>
    %slice3A_361 = vector.extract_strided_slice %add3A_359 {offsets = [0, 32], sizes = [512, 32], strides = [1, 1]} : vector<512x64xf32> to vector<512x32xf32>
    %add3A_362 = arith.addf %slice3A_360, %slice3A_361 : vector<512x32xf32>
    %slice3A_363 = vector.extract_strided_slice %add3A_362 {offsets = [0, 0], sizes = [512, 16], strides = [1, 1]} : vector<512x32xf32> to vector<512x16xf32>
    %slice3A_364 = vector.extract_strided_slice %add3A_362 {offsets = [0, 16], sizes = [512, 16], strides = [1, 1]} : vector<512x32xf32> to vector<512x16xf32>
    %add3A_365 = arith.addf %slice3A_363, %slice3A_364 : vector<512x16xf32>
    %slice3A_366 = vector.extract_strided_slice %add3A_365 {offsets = [0, 0], sizes = [512, 8], strides = [1, 1]} : vector<512x16xf32> to vector<512x8xf32>
    %slice3A_367 = vector.extract_strided_slice %add3A_365 {offsets = [0, 8], sizes = [512, 8], strides = [1, 1]} : vector<512x16xf32> to vector<512x8xf32>
    %add3A_368 = arith.addf %slice3A_366, %slice3A_367 : vector<512x8xf32>
    %slice3A_369 = vector.extract_strided_slice %add3A_368 {offsets = [0, 0], sizes = [512, 4], strides = [1, 1]} : vector<512x8xf32> to vector<512x4xf32>
    %slice3A_370 = vector.extract_strided_slice %add3A_368 {offsets = [0, 4], sizes = [512, 4], strides = [1, 1]} : vector<512x8xf32> to vector<512x4xf32>
    %add3A_371 = arith.addf %slice3A_369, %slice3A_370 : vector<512x4xf32>
    %slice3A_372 = vector.extract_strided_slice %add3A_371 {offsets = [0, 0], sizes = [512, 2], strides = [1, 1]} : vector<512x4xf32> to vector<512x2xf32>
    %slice3A_373 = vector.extract_strided_slice %add3A_371 {offsets = [0, 2], sizes = [512, 2], strides = [1, 1]} : vector<512x4xf32> to vector<512x2xf32>
    %add3A_374 = arith.addf %slice3A_372, %slice3A_373 : vector<512x2xf32>
    %slice3A_375 = vector.extract_strided_slice %add3A_374 {offsets = [0, 0], sizes = [512, 1], strides = [1, 1]} : vector<512x2xf32> to vector<512x1xf32>
    %slice3A_376 = vector.extract_strided_slice %add3A_374 {offsets = [0, 1], sizes = [512, 1], strides = [1, 1]} : vector<512x2xf32> to vector<512x1xf32>
    %add3A_377 = arith.addf %slice3A_375, %slice3A_376 : vector<512x1xf32>
    %slice3A_378 = vector.extract_strided_slice %mul3A_352 {offsets = [0, 256], sizes = [512, 256], strides = [1, 1]} : vector<512x512xf32> to vector<512x256xf32>
    %slice3A_379 = vector.extract_strided_slice %slice3A_378 {offsets = [0, 0], sizes = [512, 128], strides = [1, 1]} : vector<512x256xf32> to vector<512x128xf32>
    %slice3A_380 = vector.extract_strided_slice %slice3A_378 {offsets = [0, 128], sizes = [512, 128], strides = [1, 1]} : vector<512x256xf32> to vector<512x128xf32>
    %add3A_381 = arith.addf %slice3A_379, %slice3A_380 : vector<512x128xf32>
    %slice3A_382 = vector.extract_strided_slice %add3A_381 {offsets = [0, 0], sizes = [512, 64], strides = [1, 1]} : vector<512x128xf32> to vector<512x64xf32>
    %slice3A_383 = vector.extract_strided_slice %add3A_381 {offsets = [0, 64], sizes = [512, 64], strides = [1, 1]} : vector<512x128xf32> to vector<512x64xf32>
    %add3A_384 = arith.addf %slice3A_382, %slice3A_383 : vector<512x64xf32>
    %slice3A_385 = vector.extract_strided_slice %add3A_384 {offsets = [0, 0], sizes = [512, 32], strides = [1, 1]} : vector<512x64xf32> to vector<512x32xf32>
    %slice3A_386 = vector.extract_strided_slice %add3A_384 {offsets = [0, 32], sizes = [512, 32], strides = [1, 1]} : vector<512x64xf32> to vector<512x32xf32>
    %add3A_387 = arith.addf %slice3A_385, %slice3A_386 : vector<512x32xf32>
    %slice3A_388 = vector.extract_strided_slice %add3A_387 {offsets = [0, 0], sizes = [512, 16], strides = [1, 1]} : vector<512x32xf32> to vector<512x16xf32>
    %slice3A_389 = vector.extract_strided_slice %add3A_387 {offsets = [0, 16], sizes = [512, 16], strides = [1, 1]} : vector<512x32xf32> to vector<512x16xf32>
    %add3A_390 = arith.addf %slice3A_388, %slice3A_389 : vector<512x16xf32>
    %slice3A_391 = vector.extract_strided_slice %add3A_390 {offsets = [0, 0], sizes = [512, 8], strides = [1, 1]} : vector<512x16xf32> to vector<512x8xf32>
    %slice3A_392 = vector.extract_strided_slice %add3A_390 {offsets = [0, 8], sizes = [512, 8], strides = [1, 1]} : vector<512x16xf32> to vector<512x8xf32>
    %add3A_393 = arith.addf %slice3A_391, %slice3A_392 : vector<512x8xf32>
    %slice3A_394 = vector.extract_strided_slice %add3A_393 {offsets = [0, 0], sizes = [512, 4], strides = [1, 1]} : vector<512x8xf32> to vector<512x4xf32>
    %slice3A_395 = vector.extract_strided_slice %add3A_393 {offsets = [0, 4], sizes = [512, 4], strides = [1, 1]} : vector<512x8xf32> to vector<512x4xf32>
    %add3A_396 = arith.addf %slice3A_394, %slice3A_395 : vector<512x4xf32>
    %slice3A_397 = vector.extract_strided_slice %add3A_396 {offsets = [0, 0], sizes = [512, 2], strides = [1, 1]} : vector<512x4xf32> to vector<512x2xf32>
    %slice3A_398 = vector.extract_strided_slice %add3A_396 {offsets = [0, 2], sizes = [512, 2], strides = [1, 1]} : vector<512x4xf32> to vector<512x2xf32>
    %add3A_399 = arith.addf %slice3A_397, %slice3A_398 : vector<512x2xf32>
    %slice3A_400 = vector.extract_strided_slice %add3A_399 {offsets = [0, 0], sizes = [512, 1], strides = [1, 1]} : vector<512x2xf32> to vector<512x1xf32>
    %slice3A_401 = vector.extract_strided_slice %add3A_399 {offsets = [0, 1], sizes = [512, 1], strides = [1, 1]} : vector<512x2xf32> to vector<512x1xf32>
    %add3A_402 = arith.addf %slice3A_400, %slice3A_401 : vector<512x1xf32>
    %add3A_403 = arith.addf %add3A_377, %add3A_402 : vector<512x1xf32>
    %mul3A_404 = arith.constant 0.001953125 : f32
    %mul3A_405 = vector.broadcast %mul3A_404 : f32 to vector<512x1xf32>
    %mul3A_406 = arith.mulf %add3A_403, %mul3A_405 : vector<512x1xf32>
    %add3A_407 = arith.constant 9.99999974E-6 : f32
    %add3A_408 = vector.broadcast %add3A_407 : f32 to vector<512x1xf32>
    %add3A_409 = arith.addf %mul3A_406, %add3A_408 : vector<512x1xf32>
    %rsqrt3A_410 = math.rsqrt %add3A_409 : vector<512x1xf32>
    %mul3A_411 = vector.broadcast %rsqrt3A_410 : vector<512x1xf32> to vector<512x512xf32>
    %mul3A_412 = arith.mulf %sub3A_351, %mul3A_411 : vector<512x512xf32>
    %mul3A_413 = vector.broadcast %get3A_292 : vector<1x512xf32> to vector<512x512xf32>
    %mul3A_414 = arith.mulf %mul3A_412, %mul3A_413 : vector<512x512xf32>
    %add3A_415 = vector.broadcast %get3A_295 : vector<1x512xf32> to vector<512x512xf32>
    %add3A_416 = arith.addf %mul3A_414, %add3A_415 : vector<512x512xf32>
    %convert_element_type3A_417 = arith.truncf %add3A_416 : vector<512x512xf32> to vector<512x512xbf16>
    %get3A_418 = arith.constant 0 : index
    %get3A_419 = arith.constant 0 : index
    %get3A_420 = vector.load %arg14[%get3A_418, %get3A_419] : memref<512x64xbf16, #tpu.memory_space<vmem>>, vector<512x64xbf16>
    %dot_general3A_421 = arith.constant dense<0.000000e+00> : vector<512x64xf32>
    %dot_general3A_422 = tpu.matmul %convert_element_type3A_417, %get3A_420, %dot_general3A_421 {dimension_numbers = #tpu.dot_dimension_numbers<[1], [0], [0], [1], [0, 0, 1, 1], [], []>, transpose_lhs_hint = false} : vector<512x512xbf16>, vector<512x64xbf16>, vector<512x64xf32> -> vector<512x64xf32>
    %get3A_423 = arith.constant 0 : index
    %get3A_424 = arith.constant 0 : index
    %get3A_425 = vector.load %arg15[%get3A_423, %get3A_424] : memref<1x64xf32, #tpu.memory_space<vmem>>, vector<1x64xf32>
    %add3A_426 = vector.broadcast %get3A_425 : vector<1x64xf32> to vector<512x64xf32>
    %add3A_427 = arith.addf %dot_general3A_422, %add3A_426 : vector<512x64xf32>
    %swap3A = arith.constant 0 : index
    %swap3A_428 = arith.constant 0 : index
    %swap3A_429 = vector.load %arg18[%swap3A, %swap3A_428] : memref<512x64xf32, #tpu.memory_space<vmem>>, vector<512x64xf32>
    tpu.vector_store %arg18[%swap3A, %swap3A_428], %add3A_427 {strides = array<i32>} : memref<512x64xf32, #tpu.memory_space<vmem>>, vector<512x64xf32>,
    %mul3A_430 = arith.mulf %add3A_427, %add3A_427 : vector<512x64xf32>
    %reduce_sum3A = arith.constant dense<0.000000e+00> : vector<512xf32>
    %reduce_sum3A_431 = vector.multi_reduction <add>, %mul3A_430, %reduce_sum3A [1] : vector<512x64xf32> to vector<512xf32>
    %broadcast_in_dim3A = vector.shape_cast %reduce_sum3A_431 : vector<512xf32> to vector<512x1xf32>
    %convert_element_type3A_432 = arith.truncf %add3A_427 : vector<512x64xf32> to vector<512x64xbf16>
    %get3A_433 = arith.constant 0 : index
    %get3A_434 = arith.constant 0 : index
    %get3A_435 = vector.load %arg16[%get3A_433, %get3A_434] : memref<64x8192xbf16, #tpu.memory_space<vmem>>, vector<64x8192xbf16>
    %iota3A = tpu.iota {dimensions = array<i32: 1>} : vector<512x2048xi32>
    %broadcast_in_dim3A_436 = arith.constant 0x7F800000 : f32
    %broadcast_in_dim3A_437 = vector.broadcast %broadcast_in_dim3A_436 : f32 to vector<512x1xf32>
    %broadcast_in_dim3A_438 = arith.constant 0 : i32
    %broadcast_in_dim3A_439 = vector.broadcast %broadcast_in_dim3A_438 : i32 to vector<512x1xi32>
    %slice3A_440 = vector.extract_strided_slice %get3A_435 {offsets = [0, 0], sizes = [64, 2048], strides = [1, 1]} : vector<64x8192xbf16> to vector<64x2048xbf16>
    %dot_general3A_441 = arith.constant dense<0.000000e+00> : vector<512x2048xf32>
    %dot_general3A_442 = tpu.matmul %convert_element_type3A_432, %slice3A_440, %dot_general3A_441 {dimension_numbers = #tpu.dot_dimension_numbers<[1], [0], [0], [1], [0, 0, 1, 1], [], []>, transpose_lhs_hint = false} : vector<512x64xbf16>, vector<64x2048xbf16>, vector<512x2048xf32> -> vector<512x2048xf32>
    %get3A_443 = arith.constant 0 : index
    %get3A_444 = arith.constant 0 : index
    %get3A_445 = vector.load %arg17[%get3A_443, %get3A_444] : memref<1x8192xf32, #tpu.memory_space<vmem>>, vector<1x8192xf32>
    %slice3A_446 = vector.extract_strided_slice %get3A_445 {offsets = [0, 0], sizes = [1, 2048], strides = [1, 1]} : vector<1x8192xf32> to vector<1x2048xf32>
    %add3A_447 = vector.broadcast %broadcast_in_dim3A : vector<512x1xf32> to vector<512x2048xf32>
    %add3A_448 = vector.broadcast %slice3A_446 : vector<1x2048xf32> to vector<512x2048xf32>
    %add3A_449 = arith.addf %add3A_447, %add3A_448 : vector<512x2048xf32>
    %mul3A_450 = arith.constant 2.000000e+00 : f32
    %mul3A_451 = vector.broadcast %mul3A_450 : f32 to vector<512x2048xf32>
    %mul3A_452 = arith.mulf %mul3A_451, %dot_general3A_442 : vector<512x2048xf32>
    %sub3A_453 = arith.subf %add3A_449, %mul3A_452 : vector<512x2048xf32>
    %reduce_min3A = arith.constant dense<0x7F800000> : vector<512xf32>
    %reduce_min3A_454 = vector.multi_reduction <minimumf>, %sub3A_453, %reduce_min3A [1] : vector<512x2048xf32> to vector<512xf32>
    %broadcast_in_dim3A_455 = vector.shape_cast %reduce_min3A_454 : vector<512xf32> to vector<512x1xf32>
    %eq3A = vector.broadcast %broadcast_in_dim3A_455 : vector<512x1xf32> to vector<512x2048xf32>
    %eq3A_456 = arith.cmpf oeq, %sub3A_453, %eq3A : vector<512x2048xf32>
    %jit3A = arith.constant 8192 : i32
    %broadcast_in_dim3A_457 = vector.broadcast %jit3A : i32 to vector<512x2048xi32>
    %select_n3A = arith.select %eq3A_456, %iota3A, %broadcast_in_dim3A_457 : vector<512x2048xi1>, vector<512x2048xi32>
    %reduce_min3A_458 = arith.constant dense<2147483647> : vector<512xi32>
    %reduce_min3A_459 = vector.multi_reduction <minsi>, %select_n3A, %reduce_min3A_458 [1] : vector<512x2048xi32> to vector<512xi32>
    %broadcast_in_dim3A_460 = vector.shape_cast %reduce_min3A_459 : vector<512xi32> to vector<512x1xi32>
    %add3A_461 = arith.constant 0 : i32
    %add3A_462 = vector.broadcast %add3A_461 : i32 to vector<512x1xi32>
    %add3A_463 = arith.addi %broadcast_in_dim3A_460, %add3A_462 : vector<512x1xi32>
    %lt3A = arith.cmpf olt, %broadcast_in_dim3A_455, %broadcast_in_dim3A_437 : vector<512x1xf32>
    %select_n3A_464 = arith.select %lt3A, %broadcast_in_dim3A_455, %broadcast_in_dim3A_437 : vector<512x1xi1>, vector<512x1xf32>
    %select_n3A_465 = arith.select %lt3A, %add3A_463, %broadcast_in_dim3A_439 : vector<512x1xi1>, vector<512x1xi32>
    %slice3A_466 = vector.extract_strided_slice %get3A_435 {offsets = [0, 2048], sizes = [64, 2048], strides = [1, 1]} : vector<64x8192xbf16> to vector<64x2048xbf16>
    %dot_general3A_467 = arith.constant dense<0.000000e+00> : vector<512x2048xf32>
    %dot_general3A_468 = tpu.matmul %convert_element_type3A_432, %slice3A_466, %dot_general3A_467 {dimension_numbers = #tpu.dot_dimension_numbers<[1], [0], [0], [1], [0, 0, 1, 1], [], []>, transpose_lhs_hint = false} : vector<512x64xbf16>, vector<64x2048xbf16>, vector<512x2048xf32> -> vector<512x2048xf32>
    %get3A_469 = arith.constant 0 : index
    %get3A_470 = arith.constant 0 : index
    %get3A_471 = vector.load %arg17[%get3A_469, %get3A_470] : memref<1x8192xf32, #tpu.memory_space<vmem>>, vector<1x8192xf32>
    %slice3A_472 = vector.extract_strided_slice %get3A_471 {offsets = [0, 2048], sizes = [1, 2048], strides = [1, 1]} : vector<1x8192xf32> to vector<1x2048xf32>
    %add3A_473 = vector.broadcast %broadcast_in_dim3A : vector<512x1xf32> to vector<512x2048xf32>
    %add3A_474 = vector.broadcast %slice3A_472 : vector<1x2048xf32> to vector<512x2048xf32>
    %add3A_475 = arith.addf %add3A_473, %add3A_474 : vector<512x2048xf32>
    %mul3A_476 = arith.constant 2.000000e+00 : f32
    %mul3A_477 = vector.broadcast %mul3A_476 : f32 to vector<512x2048xf32>
    %mul3A_478 = arith.mulf %mul3A_477, %dot_general3A_468 : vector<512x2048xf32>
    %sub3A_479 = arith.subf %add3A_475, %mul3A_478 : vector<512x2048xf32>
    %reduce_min3A_480 = arith.constant dense<0x7F800000> : vector<512xf32>
    %reduce_min3A_481 = vector.multi_reduction <minimumf>, %sub3A_479, %reduce_min3A_480 [1] : vector<512x2048xf32> to vector<512xf32>
    %broadcast_in_dim3A_482 = vector.shape_cast %reduce_min3A_481 : vector<512xf32> to vector<512x1xf32>
    %eq3A_483 = vector.broadcast %broadcast_in_dim3A_482 : vector<512x1xf32> to vector<512x2048xf32>
    %eq3A_484 = arith.cmpf oeq, %sub3A_479, %eq3A_483 : vector<512x2048xf32>
    %jit3A_485 = arith.constant 8192 : i32
    %broadcast_in_dim3A_486 = vector.broadcast %jit3A_485 : i32 to vector<512x2048xi32>
    %select_n3A_487 = arith.select %eq3A_484, %iota3A, %broadcast_in_dim3A_486 : vector<512x2048xi1>, vector<512x2048xi32>
    %reduce_min3A_488 = arith.constant dense<2147483647> : vector<512xi32>
    %reduce_min3A_489 = vector.multi_reduction <minsi>, %select_n3A_487, %reduce_min3A_488 [1] : vector<512x2048xi32> to vector<512xi32>
    %broadcast_in_dim3A_490 = vector.shape_cast %reduce_min3A_489 : vector<512xi32> to vector<512x1xi32>
    %add3A_491 = arith.constant 2048 : i32
    %add3A_492 = vector.broadcast %add3A_491 : i32 to vector<512x1xi32>
    %add3A_493 = arith.addi %broadcast_in_dim3A_490, %add3A_492 : vector<512x1xi32>
    %lt3A_494 = arith.cmpf olt, %broadcast_in_dim3A_482, %select_n3A_464 : vector<512x1xf32>
    %select_n3A_495 = arith.select %lt3A_494, %broadcast_in_dim3A_482, %select_n3A_464 : vector<512x1xi1>, vector<512x1xf32>
    %select_n3A_496 = arith.select %lt3A_494, %add3A_493, %select_n3A_465 : vector<512x1xi1>, vector<512x1xi32>
    %slice3A_497 = vector.extract_strided_slice %get3A_435 {offsets = [0, 4096], sizes = [64, 2048], strides = [1, 1]} : vector<64x8192xbf16> to vector<64x2048xbf16>
    %dot_general3A_498 = arith.constant dense<0.000000e+00> : vector<512x2048xf32>
    %dot_general3A_499 = tpu.matmul %convert_element_type3A_432, %slice3A_497, %dot_general3A_498 {dimension_numbers = #tpu.dot_dimension_numbers<[1], [0], [0], [1], [0, 0, 1, 1], [], []>, transpose_lhs_hint = false} : vector<512x64xbf16>, vector<64x2048xbf16>, vector<512x2048xf32> -> vector<512x2048xf32>
    %get3A_500 = arith.constant 0 : index
    %get3A_501 = arith.constant 0 : index
    %get3A_502 = vector.load %arg17[%get3A_500, %get3A_501] : memref<1x8192xf32, #tpu.memory_space<vmem>>, vector<1x8192xf32>
    %slice3A_503 = vector.extract_strided_slice %get3A_502 {offsets = [0, 4096], sizes = [1, 2048], strides = [1, 1]} : vector<1x8192xf32> to vector<1x2048xf32>
    %add3A_504 = vector.broadcast %broadcast_in_dim3A : vector<512x1xf32> to vector<512x2048xf32>
    %add3A_505 = vector.broadcast %slice3A_503 : vector<1x2048xf32> to vector<512x2048xf32>
    %add3A_506 = arith.addf %add3A_504, %add3A_505 : vector<512x2048xf32>
    %mul3A_507 = arith.constant 2.000000e+00 : f32
    %mul3A_508 = vector.broadcast %mul3A_507 : f32 to vector<512x2048xf32>
    %mul3A_509 = arith.mulf %mul3A_508, %dot_general3A_499 : vector<512x2048xf32>
    %sub3A_510 = arith.subf %add3A_506, %mul3A_509 : vector<512x2048xf32>
    %reduce_min3A_511 = arith.constant dense<0x7F800000> : vector<512xf32>
    %reduce_min3A_512 = vector.multi_reduction <minimumf>, %sub3A_510, %reduce_min3A_511 [1] : vector<512x2048xf32> to vector<512xf32>
    %broadcast_in_dim3A_513 = vector.shape_cast %reduce_min3A_512 : vector<512xf32> to vector<512x1xf32>
    %eq3A_514 = vector.broadcast %broadcast_in_dim3A_513 : vector<512x1xf32> to vector<512x2048xf32>
    %eq3A_515 = arith.cmpf oeq, %sub3A_510, %eq3A_514 : vector<512x2048xf32>
    %jit3A_516 = arith.constant 8192 : i32
    %broadcast_in_dim3A_517 = vector.broadcast %jit3A_516 : i32 to vector<512x2048xi32>
    %select_n3A_518 = arith.select %eq3A_515, %iota3A, %broadcast_in_dim3A_517 : vector<512x2048xi1>, vector<512x2048xi32>
    %reduce_min3A_519 = arith.constant dense<2147483647> : vector<512xi32>
    %reduce_min3A_520 = vector.multi_reduction <minsi>, %select_n3A_518, %reduce_min3A_519 [1] : vector<512x2048xi32> to vector<512xi32>
    %broadcast_in_dim3A_521 = vector.shape_cast %reduce_min3A_520 : vector<512xi32> to vector<512x1xi32>
    %add3A_522 = arith.constant 4096 : i32
    %add3A_523 = vector.broadcast %add3A_522 : i32 to vector<512x1xi32>
    %add3A_524 = arith.addi %broadcast_in_dim3A_521, %add3A_523 : vector<512x1xi32>
    %lt3A_525 = arith.cmpf olt, %broadcast_in_dim3A_513, %select_n3A_495 : vector<512x1xf32>
    %select_n3A_526 = arith.select %lt3A_525, %broadcast_in_dim3A_513, %select_n3A_495 : vector<512x1xi1>, vector<512x1xf32>
    %select_n3A_527 = arith.select %lt3A_525, %add3A_524, %select_n3A_496 : vector<512x1xi1>, vector<512x1xi32>
    %slice3A_528 = vector.extract_strided_slice %get3A_435 {offsets = [0, 6144], sizes = [64, 2048], strides = [1, 1]} : vector<64x8192xbf16> to vector<64x2048xbf16>
    %dot_general3A_529 = arith.constant dense<0.000000e+00> : vector<512x2048xf32>
    %dot_general3A_530 = tpu.matmul %convert_element_type3A_432, %slice3A_528, %dot_general3A_529 {dimension_numbers = #tpu.dot_dimension_numbers<[1], [0], [0], [1], [0, 0, 1, 1], [], []>, transpose_lhs_hint = false} : vector<512x64xbf16>, vector<64x2048xbf16>, vector<512x2048xf32> -> vector<512x2048xf32>
    %get3A_531 = arith.constant 0 : index
    %get3A_532 = arith.constant 0 : index
    %get3A_533 = vector.load %arg17[%get3A_531, %get3A_532] : memref<1x8192xf32, #tpu.memory_space<vmem>>, vector<1x8192xf32>
    %slice3A_534 = vector.extract_strided_slice %get3A_533 {offsets = [0, 6144], sizes = [1, 2048], strides = [1, 1]} : vector<1x8192xf32> to vector<1x2048xf32>
    %add3A_535 = vector.broadcast %broadcast_in_dim3A : vector<512x1xf32> to vector<512x2048xf32>
    %add3A_536 = vector.broadcast %slice3A_534 : vector<1x2048xf32> to vector<512x2048xf32>
    %add3A_537 = arith.addf %add3A_535, %add3A_536 : vector<512x2048xf32>
    %mul3A_538 = arith.constant 2.000000e+00 : f32
    %mul3A_539 = vector.broadcast %mul3A_538 : f32 to vector<512x2048xf32>
    %mul3A_540 = arith.mulf %mul3A_539, %dot_general3A_530 : vector<512x2048xf32>
    %sub3A_541 = arith.subf %add3A_537, %mul3A_540 : vector<512x2048xf32>
    %reduce_min3A_542 = arith.constant dense<0x7F800000> : vector<512xf32>
    %reduce_min3A_543 = vector.multi_reduction <minimumf>, %sub3A_541, %reduce_min3A_542 [1] : vector<512x2048xf32> to vector<512xf32>
    %broadcast_in_dim3A_544 = vector.shape_cast %reduce_min3A_543 : vector<512xf32> to vector<512x1xf32>
    %eq3A_545 = vector.broadcast %broadcast_in_dim3A_544 : vector<512x1xf32> to vector<512x2048xf32>
    %eq3A_546 = arith.cmpf oeq, %sub3A_541, %eq3A_545 : vector<512x2048xf32>
    %jit3A_547 = arith.constant 8192 : i32
    %broadcast_in_dim3A_548 = vector.broadcast %jit3A_547 : i32 to vector<512x2048xi32>
    %select_n3A_549 = arith.select %eq3A_546, %iota3A, %broadcast_in_dim3A_548 : vector<512x2048xi1>, vector<512x2048xi32>
    %reduce_min3A_550 = arith.constant dense<2147483647> : vector<512xi32>
    %reduce_min3A_551 = vector.multi_reduction <minsi>, %select_n3A_549, %reduce_min3A_550 [1] : vector<512x2048xi32> to vector<512xi32>
    %broadcast_in_dim3A_552 = vector.shape_cast %reduce_min3A_551 : vector<512xi32> to vector<512x1xi32>
    %add3A_553 = arith.constant 6144 : i32
    %add3A_554 = vector.broadcast %add3A_553 : i32 to vector<512x1xi32>
    %add3A_555 = arith.addi %broadcast_in_dim3A_552, %add3A_554 : vector<512x1xi32>
    %lt3A_556 = arith.cmpf olt, %broadcast_in_dim3A_544, %select_n3A_526 : vector<512x1xf32>
    %select_n3A_557 = arith.select %lt3A_556, %add3A_555, %select_n3A_527 : vector<512x1xi1>, vector<512x1xi32>
    %swap3A_558 = arith.constant 0 : index
    %swap3A_559 = arith.constant 0 : index
    %swap3A_560 = vector.load %arg19[%swap3A_558, %swap3A_559] : memref<512x1xi32, #tpu.memory_space<vmem>>, vector<512x1xi32>
    tpu.vector_store %arg19[%swap3A_558, %swap3A_559], %select_n3A_557 {strides = array<i32>} : memref<512x1xi32, #tpu.memory_space<vmem>>, vector<512x1xi32>,
    return
  }
  func.func @transform_0(%arg0: i32) -> (i32, i32) {
    %c0_i32 = arith.constant 0 : i32
    %c0_i32_0 = arith.constant 0 : i32
    return %arg0, %c0_i32 : i32, i32
  }
  func.func @transform_1(%arg0: i32) -> (i32, i32) {
    %c0_i32 = arith.constant 0 : i32
    %c0_i32_0 = arith.constant 0 : i32
    %c0_i32_1 = arith.constant 0 : i32
    return %c0_i32, %c0_i32_0 : i32, i32
  }
  func.func @transform_2(%arg0: i32) -> (i32, i32) {
    %c0_i32 = arith.constant 0 : i32
    %c0_i32_0 = arith.constant 0 : i32
    %c0_i32_1 = arith.constant 0 : i32
    return %c0_i32, %c0_i32_0 : i32, i32
  }
  func.func @transform_3(%arg0: i32) -> (i32, i32) {
    %c0_i32 = arith.constant 0 : i32
    %c0_i32_0 = arith.constant 0 : i32
    %c0_i32_1 = arith.constant 0 : i32
    return %c0_i32, %c0_i32_0 : i32, i32
  }
  func.func @transform_4(%arg0: i32) -> (i32, i32) {
    %c0_i32 = arith.constant 0 : i32
    %c0_i32_0 = arith.constant 0 : i32
    %c0_i32_1 = arith.constant 0 : i32
    return %c0_i32, %c0_i32_0 : i32, i32
  }
  func.func @transform_5(%arg0: i32) -> (i32, i32) {
    %c0_i32 = arith.constant 0 : i32
    %c0_i32_0 = arith.constant 0 : i32
    %c0_i32_1 = arith.constant 0 : i32
    return %c0_i32, %c0_i32_0 : i32, i32
  }
  func.func @transform_6(%arg0: i32) -> (i32, i32) {
    %c0_i32 = arith.constant 0 : i32
    %c0_i32_0 = arith.constant 0 : i32
    %c0_i32_1 = arith.constant 0 : i32
    return %c0_i32, %c0_i32_0 : i32, i32
  }
  func.func @transform_7(%arg0: i32) -> (i32, i32) {
    %c0_i32 = arith.constant 0 : i32
    %c0_i32_0 = arith.constant 0 : i32
    %c0_i32_1 = arith.constant 0 : i32
    return %c0_i32, %c0_i32_0 : i32, i32
  }
  func.func @transform_8(%arg0: i32) -> (i32, i32) {
    %c0_i32 = arith.constant 0 : i32
    %c0_i32_0 = arith.constant 0 : i32
    %c0_i32_1 = arith.constant 0 : i32
    return %c0_i32, %c0_i32_0 : i32, i32
  }
  func.func @transform_9(%arg0: i32) -> (i32, i32) {
    %c0_i32 = arith.constant 0 : i32
    %c0_i32_0 = arith.constant 0 : i32
    %c0_i32_1 = arith.constant 0 : i32
    return %c0_i32, %c0_i32_0 : i32, i32
  }
  func.func @transform_10(%arg0: i32) -> (i32, i32) {
    %c0_i32 = arith.constant 0 : i32
    %c0_i32_0 = arith.constant 0 : i32
    %c0_i32_1 = arith.constant 0 : i32
    return %c0_i32, %c0_i32_0 : i32, i32
  }
  func.func @transform_11(%arg0: i32) -> (i32, i32) {
    %c0_i32 = arith.constant 0 : i32
    %c0_i32_0 = arith.constant 0 : i32
    %c0_i32_1 = arith.constant 0 : i32
    return %c0_i32, %c0_i32_0 : i32, i32
  }
  func.func @transform_12(%arg0: i32) -> (i32, i32) {
    %c0_i32 = arith.constant 0 : i32
    %c0_i32_0 = arith.constant 0 : i32
    %c0_i32_1 = arith.constant 0 : i32
    return %c0_i32, %c0_i32_0 : i32, i32
  }
  func.func @transform_13(%arg0: i32) -> (i32, i32) {
    %c0_i32 = arith.constant 0 : i32
    %c0_i32_0 = arith.constant 0 : i32
    %c0_i32_1 = arith.constant 0 : i32
    return %c0_i32, %c0_i32_0 : i32, i32
  }
  func.func @transform_14(%arg0: i32) -> (i32, i32) {
    %c0_i32 = arith.constant 0 : i32
    %c0_i32_0 = arith.constant 0 : i32
    %c0_i32_1 = arith.constant 0 : i32
    return %c0_i32, %c0_i32_0 : i32, i32
  }
  func.func @transform_15(%arg0: i32) -> (i32, i32) {
    %c0_i32 = arith.constant 0 : i32
    %c0_i32_0 = arith.constant 0 : i32
    %c0_i32_1 = arith.constant 0 : i32
    return %c0_i32, %c0_i32_0 : i32, i32
  }
  func.func @transform_16(%arg0: i32) -> (i32, i32) {
    %c0_i32 = arith.constant 0 : i32
    %c0_i32_0 = arith.constant 0 : i32
    %c0_i32_1 = arith.constant 0 : i32
    return %c0_i32, %c0_i32_0 : i32, i32
  }
  func.func @transform_17(%arg0: i32) -> (i32, i32) {
    %c0_i32 = arith.constant 0 : i32
    %c0_i32_0 = arith.constant 0 : i32
    return %arg0, %c0_i32 : i32, i32
  }
  func.func @transform_18(%arg0: i32) -> (i32, i32) {
    %c0_i32 = arith.constant 0 : i32
    %c0_i32_0 = arith.constant 0 : i32
    return %arg0, %c0_i32 : i32, i32
  }
}

module attributes {stable_mosaic.version = 14 : i64} {
  func.func @_dec_body(%arg0: i32, %arg1: memref<512x64xf32, #tpu.memory_space<vmem>>, %arg2: memref<512x128xf32, #tpu.memory_space<vmem>>, %arg3: memref<512x3xf32, #tpu.memory_space<vmem>>, %arg4: memref<64x512xbf16, #tpu.memory_space<vmem>>, %arg5: memref<1x512xf32, #tpu.memory_space<vmem>>, %arg6: memref<1x512xf32, #tpu.memory_space<vmem>>, %arg7: memref<1x512xf32, #tpu.memory_space<vmem>>, %arg8: memref<512x512xbf16, #tpu.memory_space<vmem>>, %arg9: memref<1x512xf32, #tpu.memory_space<vmem>>, %arg10: memref<1x512xf32, #tpu.memory_space<vmem>>, %arg11: memref<1x512xf32, #tpu.memory_space<vmem>>, %arg12: memref<512x512xbf16, #tpu.memory_space<vmem>>, %arg13: memref<1x512xf32, #tpu.memory_space<vmem>>, %arg14: memref<1x512xf32, #tpu.memory_space<vmem>>, %arg15: memref<1x512xf32, #tpu.memory_space<vmem>>, %arg16: memref<512x3xbf16, #tpu.memory_space<vmem>>, %arg17: memref<1x3xf32, #tpu.memory_space<vmem>>, %arg18: memref<512x64xf32, #tpu.memory_space<vmem>>, %arg19: memref<512x3xf32, #tpu.memory_space<vmem>>, %arg20: memref<8x128xf32, #tpu.memory_space<vmem>>, %arg21: memref<2xf32, #tpu.memory_space<smem>>) attributes {dimension_semantics = [#tpu.dimension_semantics<arbitrary>], iteration_bounds = array<i64: 128>, scalar_prefetch = 0 : i64, scratch_operands = 1 : i64, tpu.core_type = #tpu.core_type<tc>, window_params = [{transform_indices = @transform_0, window_bounds = array<i64: 512, 64>}, {transform_indices = @transform_1, window_bounds = array<i64: 512, 128>}, {transform_indices = @transform_2, window_bounds = array<i64: 512, 3>}, {pipeline_mode = #tpu.pipeline_mode<synchronous>, transform_indices = @transform_3, window_bounds = array<i64: 64, 512>}, {pipeline_mode = #tpu.pipeline_mode<synchronous>, transform_indices = @transform_4, window_bounds = array<i64: 1, 512>}, {pipeline_mode = #tpu.pipeline_mode<synchronous>, transform_indices = @transform_5, window_bounds = array<i64: 1, 512>}, {pipeline_mode = #tpu.pipeline_mode<synchronous>, transform_indices = @transform_6, window_bounds = array<i64: 1, 512>}, {pipeline_mode = #tpu.pipeline_mode<synchronous>, transform_indices = @transform_7, window_bounds = array<i64: 512, 512>}, {pipeline_mode = #tpu.pipeline_mode<synchronous>, transform_indices = @transform_8, window_bounds = array<i64: 1, 512>}, {pipeline_mode = #tpu.pipeline_mode<synchronous>, transform_indices = @transform_9, window_bounds = array<i64: 1, 512>}, {pipeline_mode = #tpu.pipeline_mode<synchronous>, transform_indices = @transform_10, window_bounds = array<i64: 1, 512>}, {pipeline_mode = #tpu.pipeline_mode<synchronous>, transform_indices = @transform_11, window_bounds = array<i64: 512, 512>}, {pipeline_mode = #tpu.pipeline_mode<synchronous>, transform_indices = @transform_12, window_bounds = array<i64: 1, 512>}, {pipeline_mode = #tpu.pipeline_mode<synchronous>, transform_indices = @transform_13, window_bounds = array<i64: 1, 512>}, {pipeline_mode = #tpu.pipeline_mode<synchronous>, transform_indices = @transform_14, window_bounds = array<i64: 1, 512>}, {pipeline_mode = #tpu.pipeline_mode<synchronous>, transform_indices = @transform_15, window_bounds = array<i64: 512, 3>}, {pipeline_mode = #tpu.pipeline_mode<synchronous>, transform_indices = @transform_16, window_bounds = array<i64: 1, 3>}, {transform_indices = @transform_17, window_bounds = array<i64: 512, 64>}, {transform_indices = @transform_18, window_bounds = array<i64: 512, 3>}, {pipeline_mode = #tpu.pipeline_mode<synchronous>, transform_indices = @transform_19, window_bounds = array<i64: 8, 128>}]} {
    %get3A = arith.constant 0 : index
    %get3A_0 = arith.constant 0 : index
    %get3A_1 = vector.load %arg1[%get3A, %get3A_0] : memref<512x64xf32, #tpu.memory_space<vmem>>, vector<512x64xf32>
    %get3A_2 = arith.constant 0 : index
    %get3A_3 = arith.constant 0 : index
    %get3A_4 = vector.load %arg2[%get3A_2, %get3A_3] : memref<512x128xf32, #tpu.memory_space<vmem>>, vector<512x128xf32>
    %slice3A = vector.extract_strided_slice %get3A_4 {offsets = [0, 0], sizes = [512, 64], strides = [1, 1]} : vector<512x128xf32> to vector<512x64xf32>
    %sub3A = arith.subf %slice3A, %get3A_1 : vector<512x64xf32>
    %add3A = arith.addf %get3A_1, %sub3A : vector<512x64xf32>
    %swap3A = arith.constant 0 : index
    %swap3A_5 = arith.constant 0 : index
    %swap3A_6 = vector.load %arg18[%swap3A, %swap3A_5] : memref<512x64xf32, #tpu.memory_space<vmem>>, vector<512x64xf32>
    tpu.vector_store %arg18[%swap3A, %swap3A_5], %add3A {strides = array<i32>} : memref<512x64xf32, #tpu.memory_space<vmem>>, vector<512x64xf32>,
    %sub3A_7 = arith.subf %slice3A, %get3A_1 : vector<512x64xf32>
    %mul3A = arith.mulf %sub3A_7, %sub3A_7 : vector<512x64xf32>
    %reduce_sum3A = vector.shape_cast %mul3A : vector<512x64xf32> to vector<1x512x64xf32>
    %reduce_sum3A_8 = arith.constant dense<0.000000e+00> : vector<1xf32>
    %reduce_sum3A_9 = vector.multi_reduction <add>, %reduce_sum3A, %reduce_sum3A_8 [1, 2] : vector<1x512x64xf32> to vector<1xf32>
    %reduce_sum3A_10 = vector.shape_cast %reduce_sum3A_9 : vector<1xf32> to vector<1x1x1xf32>
    %reduce_sum3A_11 = vector.extract %reduce_sum3A_10[0, 0, 0] : f32 from vector<1x1x1xf32>
    %convert_element_type3A = arith.truncf %add3A : vector<512x64xf32> to vector<512x64xbf16>
    %get3A_12 = arith.constant 0 : index
    %get3A_13 = arith.constant 0 : index
    %get3A_14 = vector.load %arg4[%get3A_12, %get3A_13] : memref<64x512xbf16, #tpu.memory_space<vmem>>, vector<64x512xbf16>
    %dot_general3A = arith.constant dense<0.000000e+00> : vector<512x512xf32>
    %dot_general3A_15 = tpu.matmul %convert_element_type3A, %get3A_14, %dot_general3A {dimension_numbers = #tpu.dot_dimension_numbers<[1], [0], [0], [1], [0, 0, 1, 1], [], []>, transpose_lhs_hint = false} : vector<512x64xbf16>, vector<64x512xbf16>, vector<512x512xf32> -> vector<512x512xf32>
    %get3A_16 = arith.constant 0 : index
    %get3A_17 = arith.constant 0 : index
    %get3A_18 = vector.load %arg5[%get3A_16, %get3A_17] : memref<1x512xf32, #tpu.memory_space<vmem>>, vector<1x512xf32>
    %add3A_19 = vector.broadcast %get3A_18 : vector<1x512xf32> to vector<512x512xf32>
    %add3A_20 = arith.addf %dot_general3A_15, %add3A_19 : vector<512x512xf32>
    %max3A = arith.constant 0.000000e+00 : f32
    %max3A_21 = vector.broadcast %max3A : f32 to vector<512x512xf32>
    %max3A_22 = arith.maximumf %add3A_20, %max3A_21 : vector<512x512xf32>
    %get3A_23 = arith.constant 0 : index
    %get3A_24 = arith.constant 0 : index
    %get3A_25 = vector.load %arg6[%get3A_23, %get3A_24] : memref<1x512xf32, #tpu.memory_space<vmem>>, vector<1x512xf32>
    %get3A_26 = arith.constant 0 : index
    %get3A_27 = arith.constant 0 : index
    %get3A_28 = vector.load %arg7[%get3A_26, %get3A_27] : memref<1x512xf32, #tpu.memory_space<vmem>>, vector<1x512xf32>
    %slice3A_29 = vector.extract_strided_slice %max3A_22 {offsets = [0, 0], sizes = [512, 256], strides = [1, 1]} : vector<512x512xf32> to vector<512x256xf32>
    %slice3A_30 = vector.extract_strided_slice %slice3A_29 {offsets = [0, 0], sizes = [512, 128], strides = [1, 1]} : vector<512x256xf32> to vector<512x128xf32>
    %slice3A_31 = vector.extract_strided_slice %slice3A_29 {offsets = [0, 128], sizes = [512, 128], strides = [1, 1]} : vector<512x256xf32> to vector<512x128xf32>
    %add3A_32 = arith.addf %slice3A_30, %slice3A_31 : vector<512x128xf32>
    %slice3A_33 = vector.extract_strided_slice %add3A_32 {offsets = [0, 0], sizes = [512, 64], strides = [1, 1]} : vector<512x128xf32> to vector<512x64xf32>
    %slice3A_34 = vector.extract_strided_slice %add3A_32 {offsets = [0, 64], sizes = [512, 64], strides = [1, 1]} : vector<512x128xf32> to vector<512x64xf32>
    %add3A_35 = arith.addf %slice3A_33, %slice3A_34 : vector<512x64xf32>
    %slice3A_36 = vector.extract_strided_slice %add3A_35 {offsets = [0, 0], sizes = [512, 32], strides = [1, 1]} : vector<512x64xf32> to vector<512x32xf32>
    %slice3A_37 = vector.extract_strided_slice %add3A_35 {offsets = [0, 32], sizes = [512, 32], strides = [1, 1]} : vector<512x64xf32> to vector<512x32xf32>
    %add3A_38 = arith.addf %slice3A_36, %slice3A_37 : vector<512x32xf32>
    %slice3A_39 = vector.extract_strided_slice %add3A_38 {offsets = [0, 0], sizes = [512, 16], strides = [1, 1]} : vector<512x32xf32> to vector<512x16xf32>
    %slice3A_40 = vector.extract_strided_slice %add3A_38 {offsets = [0, 16], sizes = [512, 16], strides = [1, 1]} : vector<512x32xf32> to vector<512x16xf32>
    %add3A_41 = arith.addf %slice3A_39, %slice3A_40 : vector<512x16xf32>
    %slice3A_42 = vector.extract_strided_slice %add3A_41 {offsets = [0, 0], sizes = [512, 8], strides = [1, 1]} : vector<512x16xf32> to vector<512x8xf32>
    %slice3A_43 = vector.extract_strided_slice %add3A_41 {offsets = [0, 8], sizes = [512, 8], strides = [1, 1]} : vector<512x16xf32> to vector<512x8xf32>
    %add3A_44 = arith.addf %slice3A_42, %slice3A_43 : vector<512x8xf32>
    %slice3A_45 = vector.extract_strided_slice %add3A_44 {offsets = [0, 0], sizes = [512, 4], strides = [1, 1]} : vector<512x8xf32> to vector<512x4xf32>
    %slice3A_46 = vector.extract_strided_slice %add3A_44 {offsets = [0, 4], sizes = [512, 4], strides = [1, 1]} : vector<512x8xf32> to vector<512x4xf32>
    %add3A_47 = arith.addf %slice3A_45, %slice3A_46 : vector<512x4xf32>
    %slice3A_48 = vector.extract_strided_slice %add3A_47 {offsets = [0, 0], sizes = [512, 2], strides = [1, 1]} : vector<512x4xf32> to vector<512x2xf32>
    %slice3A_49 = vector.extract_strided_slice %add3A_47 {offsets = [0, 2], sizes = [512, 2], strides = [1, 1]} : vector<512x4xf32> to vector<512x2xf32>
    %add3A_50 = arith.addf %slice3A_48, %slice3A_49 : vector<512x2xf32>
    %slice3A_51 = vector.extract_strided_slice %add3A_50 {offsets = [0, 0], sizes = [512, 1], strides = [1, 1]} : vector<512x2xf32> to vector<512x1xf32>
    %slice3A_52 = vector.extract_strided_slice %add3A_50 {offsets = [0, 1], sizes = [512, 1], strides = [1, 1]} : vector<512x2xf32> to vector<512x1xf32>
    %add3A_53 = arith.addf %slice3A_51, %slice3A_52 : vector<512x1xf32>
    %slice3A_54 = vector.extract_strided_slice %max3A_22 {offsets = [0, 256], sizes = [512, 256], strides = [1, 1]} : vector<512x512xf32> to vector<512x256xf32>
    %slice3A_55 = vector.extract_strided_slice %slice3A_54 {offsets = [0, 0], sizes = [512, 128], strides = [1, 1]} : vector<512x256xf32> to vector<512x128xf32>
    %slice3A_56 = vector.extract_strided_slice %slice3A_54 {offsets = [0, 128], sizes = [512, 128], strides = [1, 1]} : vector<512x256xf32> to vector<512x128xf32>
    %add3A_57 = arith.addf %slice3A_55, %slice3A_56 : vector<512x128xf32>
    %slice3A_58 = vector.extract_strided_slice %add3A_57 {offsets = [0, 0], sizes = [512, 64], strides = [1, 1]} : vector<512x128xf32> to vector<512x64xf32>
    %slice3A_59 = vector.extract_strided_slice %add3A_57 {offsets = [0, 64], sizes = [512, 64], strides = [1, 1]} : vector<512x128xf32> to vector<512x64xf32>
    %add3A_60 = arith.addf %slice3A_58, %slice3A_59 : vector<512x64xf32>
    %slice3A_61 = vector.extract_strided_slice %add3A_60 {offsets = [0, 0], sizes = [512, 32], strides = [1, 1]} : vector<512x64xf32> to vector<512x32xf32>
    %slice3A_62 = vector.extract_strided_slice %add3A_60 {offsets = [0, 32], sizes = [512, 32], strides = [1, 1]} : vector<512x64xf32> to vector<512x32xf32>
    %add3A_63 = arith.addf %slice3A_61, %slice3A_62 : vector<512x32xf32>
    %slice3A_64 = vector.extract_strided_slice %add3A_63 {offsets = [0, 0], sizes = [512, 16], strides = [1, 1]} : vector<512x32xf32> to vector<512x16xf32>
    %slice3A_65 = vector.extract_strided_slice %add3A_63 {offsets = [0, 16], sizes = [512, 16], strides = [1, 1]} : vector<512x32xf32> to vector<512x16xf32>
    %add3A_66 = arith.addf %slice3A_64, %slice3A_65 : vector<512x16xf32>
    %slice3A_67 = vector.extract_strided_slice %add3A_66 {offsets = [0, 0], sizes = [512, 8], strides = [1, 1]} : vector<512x16xf32> to vector<512x8xf32>
    %slice3A_68 = vector.extract_strided_slice %add3A_66 {offsets = [0, 8], sizes = [512, 8], strides = [1, 1]} : vector<512x16xf32> to vector<512x8xf32>
    %add3A_69 = arith.addf %slice3A_67, %slice3A_68 : vector<512x8xf32>
    %slice3A_70 = vector.extract_strided_slice %add3A_69 {offsets = [0, 0], sizes = [512, 4], strides = [1, 1]} : vector<512x8xf32> to vector<512x4xf32>
    %slice3A_71 = vector.extract_strided_slice %add3A_69 {offsets = [0, 4], sizes = [512, 4], strides = [1, 1]} : vector<512x8xf32> to vector<512x4xf32>
    %add3A_72 = arith.addf %slice3A_70, %slice3A_71 : vector<512x4xf32>
    %slice3A_73 = vector.extract_strided_slice %add3A_72 {offsets = [0, 0], sizes = [512, 2], strides = [1, 1]} : vector<512x4xf32> to vector<512x2xf32>
    %slice3A_74 = vector.extract_strided_slice %add3A_72 {offsets = [0, 2], sizes = [512, 2], strides = [1, 1]} : vector<512x4xf32> to vector<512x2xf32>
    %add3A_75 = arith.addf %slice3A_73, %slice3A_74 : vector<512x2xf32>
    %slice3A_76 = vector.extract_strided_slice %add3A_75 {offsets = [0, 0], sizes = [512, 1], strides = [1, 1]} : vector<512x2xf32> to vector<512x1xf32>
    %slice3A_77 = vector.extract_strided_slice %add3A_75 {offsets = [0, 1], sizes = [512, 1], strides = [1, 1]} : vector<512x2xf32> to vector<512x1xf32>
    %add3A_78 = arith.addf %slice3A_76, %slice3A_77 : vector<512x1xf32>
    %add3A_79 = arith.addf %add3A_53, %add3A_78 : vector<512x1xf32>
    %mul3A_80 = arith.constant 0.001953125 : f32
    %mul3A_81 = vector.broadcast %mul3A_80 : f32 to vector<512x1xf32>
    %mul3A_82 = arith.mulf %add3A_79, %mul3A_81 : vector<512x1xf32>
    %sub3A_83 = vector.broadcast %mul3A_82 : vector<512x1xf32> to vector<512x512xf32>
    %sub3A_84 = arith.subf %max3A_22, %sub3A_83 : vector<512x512xf32>
    %mul3A_85 = arith.mulf %sub3A_84, %sub3A_84 : vector<512x512xf32>
    %slice3A_86 = vector.extract_strided_slice %mul3A_85 {offsets = [0, 0], sizes = [512, 256], strides = [1, 1]} : vector<512x512xf32> to vector<512x256xf32>
    %slice3A_87 = vector.extract_strided_slice %slice3A_86 {offsets = [0, 0], sizes = [512, 128], strides = [1, 1]} : vector<512x256xf32> to vector<512x128xf32>
    %slice3A_88 = vector.extract_strided_slice %slice3A_86 {offsets = [0, 128], sizes = [512, 128], strides = [1, 1]} : vector<512x256xf32> to vector<512x128xf32>
    %add3A_89 = arith.addf %slice3A_87, %slice3A_88 : vector<512x128xf32>
    %slice3A_90 = vector.extract_strided_slice %add3A_89 {offsets = [0, 0], sizes = [512, 64], strides = [1, 1]} : vector<512x128xf32> to vector<512x64xf32>
    %slice3A_91 = vector.extract_strided_slice %add3A_89 {offsets = [0, 64], sizes = [512, 64], strides = [1, 1]} : vector<512x128xf32> to vector<512x64xf32>
    %add3A_92 = arith.addf %slice3A_90, %slice3A_91 : vector<512x64xf32>
    %slice3A_93 = vector.extract_strided_slice %add3A_92 {offsets = [0, 0], sizes = [512, 32], strides = [1, 1]} : vector<512x64xf32> to vector<512x32xf32>
    %slice3A_94 = vector.extract_strided_slice %add3A_92 {offsets = [0, 32], sizes = [512, 32], strides = [1, 1]} : vector<512x64xf32> to vector<512x32xf32>
    %add3A_95 = arith.addf %slice3A_93, %slice3A_94 : vector<512x32xf32>
    %slice3A_96 = vector.extract_strided_slice %add3A_95 {offsets = [0, 0], sizes = [512, 16], strides = [1, 1]} : vector<512x32xf32> to vector<512x16xf32>
    %slice3A_97 = vector.extract_strided_slice %add3A_95 {offsets = [0, 16], sizes = [512, 16], strides = [1, 1]} : vector<512x32xf32> to vector<512x16xf32>
    %add3A_98 = arith.addf %slice3A_96, %slice3A_97 : vector<512x16xf32>
    %slice3A_99 = vector.extract_strided_slice %add3A_98 {offsets = [0, 0], sizes = [512, 8], strides = [1, 1]} : vector<512x16xf32> to vector<512x8xf32>
    %slice3A_100 = vector.extract_strided_slice %add3A_98 {offsets = [0, 8], sizes = [512, 8], strides = [1, 1]} : vector<512x16xf32> to vector<512x8xf32>
    %add3A_101 = arith.addf %slice3A_99, %slice3A_100 : vector<512x8xf32>
    %slice3A_102 = vector.extract_strided_slice %add3A_101 {offsets = [0, 0], sizes = [512, 4], strides = [1, 1]} : vector<512x8xf32> to vector<512x4xf32>
    %slice3A_103 = vector.extract_strided_slice %add3A_101 {offsets = [0, 4], sizes = [512, 4], strides = [1, 1]} : vector<512x8xf32> to vector<512x4xf32>
    %add3A_104 = arith.addf %slice3A_102, %slice3A_103 : vector<512x4xf32>
    %slice3A_105 = vector.extract_strided_slice %add3A_104 {offsets = [0, 0], sizes = [512, 2], strides = [1, 1]} : vector<512x4xf32> to vector<512x2xf32>
    %slice3A_106 = vector.extract_strided_slice %add3A_104 {offsets = [0, 2], sizes = [512, 2], strides = [1, 1]} : vector<512x4xf32> to vector<512x2xf32>
    %add3A_107 = arith.addf %slice3A_105, %slice3A_106 : vector<512x2xf32>
    %slice3A_108 = vector.extract_strided_slice %add3A_107 {offsets = [0, 0], sizes = [512, 1], strides = [1, 1]} : vector<512x2xf32> to vector<512x1xf32>
    %slice3A_109 = vector.extract_strided_slice %add3A_107 {offsets = [0, 1], sizes = [512, 1], strides = [1, 1]} : vector<512x2xf32> to vector<512x1xf32>
    %add3A_110 = arith.addf %slice3A_108, %slice3A_109 : vector<512x1xf32>
    %slice3A_111 = vector.extract_strided_slice %mul3A_85 {offsets = [0, 256], sizes = [512, 256], strides = [1, 1]} : vector<512x512xf32> to vector<512x256xf32>
    %slice3A_112 = vector.extract_strided_slice %slice3A_111 {offsets = [0, 0], sizes = [512, 128], strides = [1, 1]} : vector<512x256xf32> to vector<512x128xf32>
    %slice3A_113 = vector.extract_strided_slice %slice3A_111 {offsets = [0, 128], sizes = [512, 128], strides = [1, 1]} : vector<512x256xf32> to vector<512x128xf32>
    %add3A_114 = arith.addf %slice3A_112, %slice3A_113 : vector<512x128xf32>
    %slice3A_115 = vector.extract_strided_slice %add3A_114 {offsets = [0, 0], sizes = [512, 64], strides = [1, 1]} : vector<512x128xf32> to vector<512x64xf32>
    %slice3A_116 = vector.extract_strided_slice %add3A_114 {offsets = [0, 64], sizes = [512, 64], strides = [1, 1]} : vector<512x128xf32> to vector<512x64xf32>
    %add3A_117 = arith.addf %slice3A_115, %slice3A_116 : vector<512x64xf32>
    %slice3A_118 = vector.extract_strided_slice %add3A_117 {offsets = [0, 0], sizes = [512, 32], strides = [1, 1]} : vector<512x64xf32> to vector<512x32xf32>
    %slice3A_119 = vector.extract_strided_slice %add3A_117 {offsets = [0, 32], sizes = [512, 32], strides = [1, 1]} : vector<512x64xf32> to vector<512x32xf32>
    %add3A_120 = arith.addf %slice3A_118, %slice3A_119 : vector<512x32xf32>
    %slice3A_121 = vector.extract_strided_slice %add3A_120 {offsets = [0, 0], sizes = [512, 16], strides = [1, 1]} : vector<512x32xf32> to vector<512x16xf32>
    %slice3A_122 = vector.extract_strided_slice %add3A_120 {offsets = [0, 16], sizes = [512, 16], strides = [1, 1]} : vector<512x32xf32> to vector<512x16xf32>
    %add3A_123 = arith.addf %slice3A_121, %slice3A_122 : vector<512x16xf32>
    %slice3A_124 = vector.extract_strided_slice %add3A_123 {offsets = [0, 0], sizes = [512, 8], strides = [1, 1]} : vector<512x16xf32> to vector<512x8xf32>
    %slice3A_125 = vector.extract_strided_slice %add3A_123 {offsets = [0, 8], sizes = [512, 8], strides = [1, 1]} : vector<512x16xf32> to vector<512x8xf32>
    %add3A_126 = arith.addf %slice3A_124, %slice3A_125 : vector<512x8xf32>
    %slice3A_127 = vector.extract_strided_slice %add3A_126 {offsets = [0, 0], sizes = [512, 4], strides = [1, 1]} : vector<512x8xf32> to vector<512x4xf32>
    %slice3A_128 = vector.extract_strided_slice %add3A_126 {offsets = [0, 4], sizes = [512, 4], strides = [1, 1]} : vector<512x8xf32> to vector<512x4xf32>
    %add3A_129 = arith.addf %slice3A_127, %slice3A_128 : vector<512x4xf32>
    %slice3A_130 = vector.extract_strided_slice %add3A_129 {offsets = [0, 0], sizes = [512, 2], strides = [1, 1]} : vector<512x4xf32> to vector<512x2xf32>
    %slice3A_131 = vector.extract_strided_slice %add3A_129 {offsets = [0, 2], sizes = [512, 2], strides = [1, 1]} : vector<512x4xf32> to vector<512x2xf32>
    %add3A_132 = arith.addf %slice3A_130, %slice3A_131 : vector<512x2xf32>
    %slice3A_133 = vector.extract_strided_slice %add3A_132 {offsets = [0, 0], sizes = [512, 1], strides = [1, 1]} : vector<512x2xf32> to vector<512x1xf32>
    %slice3A_134 = vector.extract_strided_slice %add3A_132 {offsets = [0, 1], sizes = [512, 1], strides = [1, 1]} : vector<512x2xf32> to vector<512x1xf32>
    %add3A_135 = arith.addf %slice3A_133, %slice3A_134 : vector<512x1xf32>
    %add3A_136 = arith.addf %add3A_110, %add3A_135 : vector<512x1xf32>
    %mul3A_137 = arith.constant 0.001953125 : f32
    %mul3A_138 = vector.broadcast %mul3A_137 : f32 to vector<512x1xf32>
    %mul3A_139 = arith.mulf %add3A_136, %mul3A_138 : vector<512x1xf32>
    %add3A_140 = arith.constant 9.99999974E-6 : f32
    %add3A_141 = vector.broadcast %add3A_140 : f32 to vector<512x1xf32>
    %add3A_142 = arith.addf %mul3A_139, %add3A_141 : vector<512x1xf32>
    %rsqrt3A = math.rsqrt %add3A_142 : vector<512x1xf32>
    %mul3A_143 = vector.broadcast %rsqrt3A : vector<512x1xf32> to vector<512x512xf32>
    %mul3A_144 = arith.mulf %sub3A_84, %mul3A_143 : vector<512x512xf32>
    %mul3A_145 = vector.broadcast %get3A_25 : vector<1x512xf32> to vector<512x512xf32>
    %mul3A_146 = arith.mulf %mul3A_144, %mul3A_145 : vector<512x512xf32>
    %add3A_147 = vector.broadcast %get3A_28 : vector<1x512xf32> to vector<512x512xf32>
    %add3A_148 = arith.addf %mul3A_146, %add3A_147 : vector<512x512xf32>
    %convert_element_type3A_149 = arith.truncf %add3A_148 : vector<512x512xf32> to vector<512x512xbf16>
    %get3A_150 = arith.constant 0 : index
    %get3A_151 = arith.constant 0 : index
    %get3A_152 = vector.load %arg8[%get3A_150, %get3A_151] : memref<512x512xbf16, #tpu.memory_space<vmem>>, vector<512x512xbf16>
    %dot_general3A_153 = arith.constant dense<0.000000e+00> : vector<512x512xf32>
    %dot_general3A_154 = tpu.matmul %convert_element_type3A_149, %get3A_152, %dot_general3A_153 {dimension_numbers = #tpu.dot_dimension_numbers<[1], [0], [0], [1], [0, 0, 1, 1], [], []>, transpose_lhs_hint = false} : vector<512x512xbf16>, vector<512x512xbf16>, vector<512x512xf32> -> vector<512x512xf32>
    %get3A_155 = arith.constant 0 : index
    %get3A_156 = arith.constant 0 : index
    %get3A_157 = vector.load %arg9[%get3A_155, %get3A_156] : memref<1x512xf32, #tpu.memory_space<vmem>>, vector<1x512xf32>
    %add3A_158 = vector.broadcast %get3A_157 : vector<1x512xf32> to vector<512x512xf32>
    %add3A_159 = arith.addf %dot_general3A_154, %add3A_158 : vector<512x512xf32>
    %max3A_160 = arith.constant 0.000000e+00 : f32
    %max3A_161 = vector.broadcast %max3A_160 : f32 to vector<512x512xf32>
    %max3A_162 = arith.maximumf %add3A_159, %max3A_161 : vector<512x512xf32>
    %get3A_163 = arith.constant 0 : index
    %get3A_164 = arith.constant 0 : index
    %get3A_165 = vector.load %arg10[%get3A_163, %get3A_164] : memref<1x512xf32, #tpu.memory_space<vmem>>, vector<1x512xf32>
    %get3A_166 = arith.constant 0 : index
    %get3A_167 = arith.constant 0 : index
    %get3A_168 = vector.load %arg11[%get3A_166, %get3A_167] : memref<1x512xf32, #tpu.memory_space<vmem>>, vector<1x512xf32>
    %slice3A_169 = vector.extract_strided_slice %max3A_162 {offsets = [0, 0], sizes = [512, 256], strides = [1, 1]} : vector<512x512xf32> to vector<512x256xf32>
    %slice3A_170 = vector.extract_strided_slice %slice3A_169 {offsets = [0, 0], sizes = [512, 128], strides = [1, 1]} : vector<512x256xf32> to vector<512x128xf32>
    %slice3A_171 = vector.extract_strided_slice %slice3A_169 {offsets = [0, 128], sizes = [512, 128], strides = [1, 1]} : vector<512x256xf32> to vector<512x128xf32>
    %add3A_172 = arith.addf %slice3A_170, %slice3A_171 : vector<512x128xf32>
    %slice3A_173 = vector.extract_strided_slice %add3A_172 {offsets = [0, 0], sizes = [512, 64], strides = [1, 1]} : vector<512x128xf32> to vector<512x64xf32>
    %slice3A_174 = vector.extract_strided_slice %add3A_172 {offsets = [0, 64], sizes = [512, 64], strides = [1, 1]} : vector<512x128xf32> to vector<512x64xf32>
    %add3A_175 = arith.addf %slice3A_173, %slice3A_174 : vector<512x64xf32>
    %slice3A_176 = vector.extract_strided_slice %add3A_175 {offsets = [0, 0], sizes = [512, 32], strides = [1, 1]} : vector<512x64xf32> to vector<512x32xf32>
    %slice3A_177 = vector.extract_strided_slice %add3A_175 {offsets = [0, 32], sizes = [512, 32], strides = [1, 1]} : vector<512x64xf32> to vector<512x32xf32>
    %add3A_178 = arith.addf %slice3A_176, %slice3A_177 : vector<512x32xf32>
    %slice3A_179 = vector.extract_strided_slice %add3A_178 {offsets = [0, 0], sizes = [512, 16], strides = [1, 1]} : vector<512x32xf32> to vector<512x16xf32>
    %slice3A_180 = vector.extract_strided_slice %add3A_178 {offsets = [0, 16], sizes = [512, 16], strides = [1, 1]} : vector<512x32xf32> to vector<512x16xf32>
    %add3A_181 = arith.addf %slice3A_179, %slice3A_180 : vector<512x16xf32>
    %slice3A_182 = vector.extract_strided_slice %add3A_181 {offsets = [0, 0], sizes = [512, 8], strides = [1, 1]} : vector<512x16xf32> to vector<512x8xf32>
    %slice3A_183 = vector.extract_strided_slice %add3A_181 {offsets = [0, 8], sizes = [512, 8], strides = [1, 1]} : vector<512x16xf32> to vector<512x8xf32>
    %add3A_184 = arith.addf %slice3A_182, %slice3A_183 : vector<512x8xf32>
    %slice3A_185 = vector.extract_strided_slice %add3A_184 {offsets = [0, 0], sizes = [512, 4], strides = [1, 1]} : vector<512x8xf32> to vector<512x4xf32>
    %slice3A_186 = vector.extract_strided_slice %add3A_184 {offsets = [0, 4], sizes = [512, 4], strides = [1, 1]} : vector<512x8xf32> to vector<512x4xf32>
    %add3A_187 = arith.addf %slice3A_185, %slice3A_186 : vector<512x4xf32>
    %slice3A_188 = vector.extract_strided_slice %add3A_187 {offsets = [0, 0], sizes = [512, 2], strides = [1, 1]} : vector<512x4xf32> to vector<512x2xf32>
    %slice3A_189 = vector.extract_strided_slice %add3A_187 {offsets = [0, 2], sizes = [512, 2], strides = [1, 1]} : vector<512x4xf32> to vector<512x2xf32>
    %add3A_190 = arith.addf %slice3A_188, %slice3A_189 : vector<512x2xf32>
    %slice3A_191 = vector.extract_strided_slice %add3A_190 {offsets = [0, 0], sizes = [512, 1], strides = [1, 1]} : vector<512x2xf32> to vector<512x1xf32>
    %slice3A_192 = vector.extract_strided_slice %add3A_190 {offsets = [0, 1], sizes = [512, 1], strides = [1, 1]} : vector<512x2xf32> to vector<512x1xf32>
    %add3A_193 = arith.addf %slice3A_191, %slice3A_192 : vector<512x1xf32>
    %slice3A_194 = vector.extract_strided_slice %max3A_162 {offsets = [0, 256], sizes = [512, 256], strides = [1, 1]} : vector<512x512xf32> to vector<512x256xf32>
    %slice3A_195 = vector.extract_strided_slice %slice3A_194 {offsets = [0, 0], sizes = [512, 128], strides = [1, 1]} : vector<512x256xf32> to vector<512x128xf32>
    %slice3A_196 = vector.extract_strided_slice %slice3A_194 {offsets = [0, 128], sizes = [512, 128], strides = [1, 1]} : vector<512x256xf32> to vector<512x128xf32>
    %add3A_197 = arith.addf %slice3A_195, %slice3A_196 : vector<512x128xf32>
    %slice3A_198 = vector.extract_strided_slice %add3A_197 {offsets = [0, 0], sizes = [512, 64], strides = [1, 1]} : vector<512x128xf32> to vector<512x64xf32>
    %slice3A_199 = vector.extract_strided_slice %add3A_197 {offsets = [0, 64], sizes = [512, 64], strides = [1, 1]} : vector<512x128xf32> to vector<512x64xf32>
    %add3A_200 = arith.addf %slice3A_198, %slice3A_199 : vector<512x64xf32>
    %slice3A_201 = vector.extract_strided_slice %add3A_200 {offsets = [0, 0], sizes = [512, 32], strides = [1, 1]} : vector<512x64xf32> to vector<512x32xf32>
    %slice3A_202 = vector.extract_strided_slice %add3A_200 {offsets = [0, 32], sizes = [512, 32], strides = [1, 1]} : vector<512x64xf32> to vector<512x32xf32>
    %add3A_203 = arith.addf %slice3A_201, %slice3A_202 : vector<512x32xf32>
    %slice3A_204 = vector.extract_strided_slice %add3A_203 {offsets = [0, 0], sizes = [512, 16], strides = [1, 1]} : vector<512x32xf32> to vector<512x16xf32>
    %slice3A_205 = vector.extract_strided_slice %add3A_203 {offsets = [0, 16], sizes = [512, 16], strides = [1, 1]} : vector<512x32xf32> to vector<512x16xf32>
    %add3A_206 = arith.addf %slice3A_204, %slice3A_205 : vector<512x16xf32>
    %slice3A_207 = vector.extract_strided_slice %add3A_206 {offsets = [0, 0], sizes = [512, 8], strides = [1, 1]} : vector<512x16xf32> to vector<512x8xf32>
    %slice3A_208 = vector.extract_strided_slice %add3A_206 {offsets = [0, 8], sizes = [512, 8], strides = [1, 1]} : vector<512x16xf32> to vector<512x8xf32>
    %add3A_209 = arith.addf %slice3A_207, %slice3A_208 : vector<512x8xf32>
    %slice3A_210 = vector.extract_strided_slice %add3A_209 {offsets = [0, 0], sizes = [512, 4], strides = [1, 1]} : vector<512x8xf32> to vector<512x4xf32>
    %slice3A_211 = vector.extract_strided_slice %add3A_209 {offsets = [0, 4], sizes = [512, 4], strides = [1, 1]} : vector<512x8xf32> to vector<512x4xf32>
    %add3A_212 = arith.addf %slice3A_210, %slice3A_211 : vector<512x4xf32>
    %slice3A_213 = vector.extract_strided_slice %add3A_212 {offsets = [0, 0], sizes = [512, 2], strides = [1, 1]} : vector<512x4xf32> to vector<512x2xf32>
    %slice3A_214 = vector.extract_strided_slice %add3A_212 {offsets = [0, 2], sizes = [512, 2], strides = [1, 1]} : vector<512x4xf32> to vector<512x2xf32>
    %add3A_215 = arith.addf %slice3A_213, %slice3A_214 : vector<512x2xf32>
    %slice3A_216 = vector.extract_strided_slice %add3A_215 {offsets = [0, 0], sizes = [512, 1], strides = [1, 1]} : vector<512x2xf32> to vector<512x1xf32>
    %slice3A_217 = vector.extract_strided_slice %add3A_215 {offsets = [0, 1], sizes = [512, 1], strides = [1, 1]} : vector<512x2xf32> to vector<512x1xf32>
    %add3A_218 = arith.addf %slice3A_216, %slice3A_217 : vector<512x1xf32>
    %add3A_219 = arith.addf %add3A_193, %add3A_218 : vector<512x1xf32>
    %mul3A_220 = arith.constant 0.001953125 : f32
    %mul3A_221 = vector.broadcast %mul3A_220 : f32 to vector<512x1xf32>
    %mul3A_222 = arith.mulf %add3A_219, %mul3A_221 : vector<512x1xf32>
    %sub3A_223 = vector.broadcast %mul3A_222 : vector<512x1xf32> to vector<512x512xf32>
    %sub3A_224 = arith.subf %max3A_162, %sub3A_223 : vector<512x512xf32>
    %mul3A_225 = arith.mulf %sub3A_224, %sub3A_224 : vector<512x512xf32>
    %slice3A_226 = vector.extract_strided_slice %mul3A_225 {offsets = [0, 0], sizes = [512, 256], strides = [1, 1]} : vector<512x512xf32> to vector<512x256xf32>
    %slice3A_227 = vector.extract_strided_slice %slice3A_226 {offsets = [0, 0], sizes = [512, 128], strides = [1, 1]} : vector<512x256xf32> to vector<512x128xf32>
    %slice3A_228 = vector.extract_strided_slice %slice3A_226 {offsets = [0, 128], sizes = [512, 128], strides = [1, 1]} : vector<512x256xf32> to vector<512x128xf32>
    %add3A_229 = arith.addf %slice3A_227, %slice3A_228 : vector<512x128xf32>
    %slice3A_230 = vector.extract_strided_slice %add3A_229 {offsets = [0, 0], sizes = [512, 64], strides = [1, 1]} : vector<512x128xf32> to vector<512x64xf32>
    %slice3A_231 = vector.extract_strided_slice %add3A_229 {offsets = [0, 64], sizes = [512, 64], strides = [1, 1]} : vector<512x128xf32> to vector<512x64xf32>
    %add3A_232 = arith.addf %slice3A_230, %slice3A_231 : vector<512x64xf32>
    %slice3A_233 = vector.extract_strided_slice %add3A_232 {offsets = [0, 0], sizes = [512, 32], strides = [1, 1]} : vector<512x64xf32> to vector<512x32xf32>
    %slice3A_234 = vector.extract_strided_slice %add3A_232 {offsets = [0, 32], sizes = [512, 32], strides = [1, 1]} : vector<512x64xf32> to vector<512x32xf32>
    %add3A_235 = arith.addf %slice3A_233, %slice3A_234 : vector<512x32xf32>
    %slice3A_236 = vector.extract_strided_slice %add3A_235 {offsets = [0, 0], sizes = [512, 16], strides = [1, 1]} : vector<512x32xf32> to vector<512x16xf32>
    %slice3A_237 = vector.extract_strided_slice %add3A_235 {offsets = [0, 16], sizes = [512, 16], strides = [1, 1]} : vector<512x32xf32> to vector<512x16xf32>
    %add3A_238 = arith.addf %slice3A_236, %slice3A_237 : vector<512x16xf32>
    %slice3A_239 = vector.extract_strided_slice %add3A_238 {offsets = [0, 0], sizes = [512, 8], strides = [1, 1]} : vector<512x16xf32> to vector<512x8xf32>
    %slice3A_240 = vector.extract_strided_slice %add3A_238 {offsets = [0, 8], sizes = [512, 8], strides = [1, 1]} : vector<512x16xf32> to vector<512x8xf32>
    %add3A_241 = arith.addf %slice3A_239, %slice3A_240 : vector<512x8xf32>
    %slice3A_242 = vector.extract_strided_slice %add3A_241 {offsets = [0, 0], sizes = [512, 4], strides = [1, 1]} : vector<512x8xf32> to vector<512x4xf32>
    %slice3A_243 = vector.extract_strided_slice %add3A_241 {offsets = [0, 4], sizes = [512, 4], strides = [1, 1]} : vector<512x8xf32> to vector<512x4xf32>
    %add3A_244 = arith.addf %slice3A_242, %slice3A_243 : vector<512x4xf32>
    %slice3A_245 = vector.extract_strided_slice %add3A_244 {offsets = [0, 0], sizes = [512, 2], strides = [1, 1]} : vector<512x4xf32> to vector<512x2xf32>
    %slice3A_246 = vector.extract_strided_slice %add3A_244 {offsets = [0, 2], sizes = [512, 2], strides = [1, 1]} : vector<512x4xf32> to vector<512x2xf32>
    %add3A_247 = arith.addf %slice3A_245, %slice3A_246 : vector<512x2xf32>
    %slice3A_248 = vector.extract_strided_slice %add3A_247 {offsets = [0, 0], sizes = [512, 1], strides = [1, 1]} : vector<512x2xf32> to vector<512x1xf32>
    %slice3A_249 = vector.extract_strided_slice %add3A_247 {offsets = [0, 1], sizes = [512, 1], strides = [1, 1]} : vector<512x2xf32> to vector<512x1xf32>
    %add3A_250 = arith.addf %slice3A_248, %slice3A_249 : vector<512x1xf32>
    %slice3A_251 = vector.extract_strided_slice %mul3A_225 {offsets = [0, 256], sizes = [512, 256], strides = [1, 1]} : vector<512x512xf32> to vector<512x256xf32>
    %slice3A_252 = vector.extract_strided_slice %slice3A_251 {offsets = [0, 0], sizes = [512, 128], strides = [1, 1]} : vector<512x256xf32> to vector<512x128xf32>
    %slice3A_253 = vector.extract_strided_slice %slice3A_251 {offsets = [0, 128], sizes = [512, 128], strides = [1, 1]} : vector<512x256xf32> to vector<512x128xf32>
    %add3A_254 = arith.addf %slice3A_252, %slice3A_253 : vector<512x128xf32>
    %slice3A_255 = vector.extract_strided_slice %add3A_254 {offsets = [0, 0], sizes = [512, 64], strides = [1, 1]} : vector<512x128xf32> to vector<512x64xf32>
    %slice3A_256 = vector.extract_strided_slice %add3A_254 {offsets = [0, 64], sizes = [512, 64], strides = [1, 1]} : vector<512x128xf32> to vector<512x64xf32>
    %add3A_257 = arith.addf %slice3A_255, %slice3A_256 : vector<512x64xf32>
    %slice3A_258 = vector.extract_strided_slice %add3A_257 {offsets = [0, 0], sizes = [512, 32], strides = [1, 1]} : vector<512x64xf32> to vector<512x32xf32>
    %slice3A_259 = vector.extract_strided_slice %add3A_257 {offsets = [0, 32], sizes = [512, 32], strides = [1, 1]} : vector<512x64xf32> to vector<512x32xf32>
    %add3A_260 = arith.addf %slice3A_258, %slice3A_259 : vector<512x32xf32>
    %slice3A_261 = vector.extract_strided_slice %add3A_260 {offsets = [0, 0], sizes = [512, 16], strides = [1, 1]} : vector<512x32xf32> to vector<512x16xf32>
    %slice3A_262 = vector.extract_strided_slice %add3A_260 {offsets = [0, 16], sizes = [512, 16], strides = [1, 1]} : vector<512x32xf32> to vector<512x16xf32>
    %add3A_263 = arith.addf %slice3A_261, %slice3A_262 : vector<512x16xf32>
    %slice3A_264 = vector.extract_strided_slice %add3A_263 {offsets = [0, 0], sizes = [512, 8], strides = [1, 1]} : vector<512x16xf32> to vector<512x8xf32>
    %slice3A_265 = vector.extract_strided_slice %add3A_263 {offsets = [0, 8], sizes = [512, 8], strides = [1, 1]} : vector<512x16xf32> to vector<512x8xf32>
    %add3A_266 = arith.addf %slice3A_264, %slice3A_265 : vector<512x8xf32>
    %slice3A_267 = vector.extract_strided_slice %add3A_266 {offsets = [0, 0], sizes = [512, 4], strides = [1, 1]} : vector<512x8xf32> to vector<512x4xf32>
    %slice3A_268 = vector.extract_strided_slice %add3A_266 {offsets = [0, 4], sizes = [512, 4], strides = [1, 1]} : vector<512x8xf32> to vector<512x4xf32>
    %add3A_269 = arith.addf %slice3A_267, %slice3A_268 : vector<512x4xf32>
    %slice3A_270 = vector.extract_strided_slice %add3A_269 {offsets = [0, 0], sizes = [512, 2], strides = [1, 1]} : vector<512x4xf32> to vector<512x2xf32>
    %slice3A_271 = vector.extract_strided_slice %add3A_269 {offsets = [0, 2], sizes = [512, 2], strides = [1, 1]} : vector<512x4xf32> to vector<512x2xf32>
    %add3A_272 = arith.addf %slice3A_270, %slice3A_271 : vector<512x2xf32>
    %slice3A_273 = vector.extract_strided_slice %add3A_272 {offsets = [0, 0], sizes = [512, 1], strides = [1, 1]} : vector<512x2xf32> to vector<512x1xf32>
    %slice3A_274 = vector.extract_strided_slice %add3A_272 {offsets = [0, 1], sizes = [512, 1], strides = [1, 1]} : vector<512x2xf32> to vector<512x1xf32>
    %add3A_275 = arith.addf %slice3A_273, %slice3A_274 : vector<512x1xf32>
    %add3A_276 = arith.addf %add3A_250, %add3A_275 : vector<512x1xf32>
    %mul3A_277 = arith.constant 0.001953125 : f32
    %mul3A_278 = vector.broadcast %mul3A_277 : f32 to vector<512x1xf32>
    %mul3A_279 = arith.mulf %add3A_276, %mul3A_278 : vector<512x1xf32>
    %add3A_280 = arith.constant 9.99999974E-6 : f32
    %add3A_281 = vector.broadcast %add3A_280 : f32 to vector<512x1xf32>
    %add3A_282 = arith.addf %mul3A_279, %add3A_281 : vector<512x1xf32>
    %rsqrt3A_283 = math.rsqrt %add3A_282 : vector<512x1xf32>
    %mul3A_284 = vector.broadcast %rsqrt3A_283 : vector<512x1xf32> to vector<512x512xf32>
    %mul3A_285 = arith.mulf %sub3A_224, %mul3A_284 : vector<512x512xf32>
    %mul3A_286 = vector.broadcast %get3A_165 : vector<1x512xf32> to vector<512x512xf32>
    %mul3A_287 = arith.mulf %mul3A_285, %mul3A_286 : vector<512x512xf32>
    %add3A_288 = vector.broadcast %get3A_168 : vector<1x512xf32> to vector<512x512xf32>
    %add3A_289 = arith.addf %mul3A_287, %add3A_288 : vector<512x512xf32>
    %convert_element_type3A_290 = arith.truncf %add3A_289 : vector<512x512xf32> to vector<512x512xbf16>
    %get3A_291 = arith.constant 0 : index
    %get3A_292 = arith.constant 0 : index
    %get3A_293 = vector.load %arg12[%get3A_291, %get3A_292] : memref<512x512xbf16, #tpu.memory_space<vmem>>, vector<512x512xbf16>
    %dot_general3A_294 = arith.constant dense<0.000000e+00> : vector<512x512xf32>
    %dot_general3A_295 = tpu.matmul %convert_element_type3A_290, %get3A_293, %dot_general3A_294 {dimension_numbers = #tpu.dot_dimension_numbers<[1], [0], [0], [1], [0, 0, 1, 1], [], []>, transpose_lhs_hint = false} : vector<512x512xbf16>, vector<512x512xbf16>, vector<512x512xf32> -> vector<512x512xf32>
    %get3A_296 = arith.constant 0 : index
    %get3A_297 = arith.constant 0 : index
    %get3A_298 = vector.load %arg13[%get3A_296, %get3A_297] : memref<1x512xf32, #tpu.memory_space<vmem>>, vector<1x512xf32>
    %add3A_299 = vector.broadcast %get3A_298 : vector<1x512xf32> to vector<512x512xf32>
    %add3A_300 = arith.addf %dot_general3A_295, %add3A_299 : vector<512x512xf32>
    %max3A_301 = arith.constant 0.000000e+00 : f32
    %max3A_302 = vector.broadcast %max3A_301 : f32 to vector<512x512xf32>
    %max3A_303 = arith.maximumf %add3A_300, %max3A_302 : vector<512x512xf32>
    %get3A_304 = arith.constant 0 : index
    %get3A_305 = arith.constant 0 : index
    %get3A_306 = vector.load %arg14[%get3A_304, %get3A_305] : memref<1x512xf32, #tpu.memory_space<vmem>>, vector<1x512xf32>
    %get3A_307 = arith.constant 0 : index
    %get3A_308 = arith.constant 0 : index
    %get3A_309 = vector.load %arg15[%get3A_307, %get3A_308] : memref<1x512xf32, #tpu.memory_space<vmem>>, vector<1x512xf32>
    %slice3A_310 = vector.extract_strided_slice %max3A_303 {offsets = [0, 0], sizes = [512, 256], strides = [1, 1]} : vector<512x512xf32> to vector<512x256xf32>
    %slice3A_311 = vector.extract_strided_slice %slice3A_310 {offsets = [0, 0], sizes = [512, 128], strides = [1, 1]} : vector<512x256xf32> to vector<512x128xf32>
    %slice3A_312 = vector.extract_strided_slice %slice3A_310 {offsets = [0, 128], sizes = [512, 128], strides = [1, 1]} : vector<512x256xf32> to vector<512x128xf32>
    %add3A_313 = arith.addf %slice3A_311, %slice3A_312 : vector<512x128xf32>
    %slice3A_314 = vector.extract_strided_slice %add3A_313 {offsets = [0, 0], sizes = [512, 64], strides = [1, 1]} : vector<512x128xf32> to vector<512x64xf32>
    %slice3A_315 = vector.extract_strided_slice %add3A_313 {offsets = [0, 64], sizes = [512, 64], strides = [1, 1]} : vector<512x128xf32> to vector<512x64xf32>
    %add3A_316 = arith.addf %slice3A_314, %slice3A_315 : vector<512x64xf32>
    %slice3A_317 = vector.extract_strided_slice %add3A_316 {offsets = [0, 0], sizes = [512, 32], strides = [1, 1]} : vector<512x64xf32> to vector<512x32xf32>
    %slice3A_318 = vector.extract_strided_slice %add3A_316 {offsets = [0, 32], sizes = [512, 32], strides = [1, 1]} : vector<512x64xf32> to vector<512x32xf32>
    %add3A_319 = arith.addf %slice3A_317, %slice3A_318 : vector<512x32xf32>
    %slice3A_320 = vector.extract_strided_slice %add3A_319 {offsets = [0, 0], sizes = [512, 16], strides = [1, 1]} : vector<512x32xf32> to vector<512x16xf32>
    %slice3A_321 = vector.extract_strided_slice %add3A_319 {offsets = [0, 16], sizes = [512, 16], strides = [1, 1]} : vector<512x32xf32> to vector<512x16xf32>
    %add3A_322 = arith.addf %slice3A_320, %slice3A_321 : vector<512x16xf32>
    %slice3A_323 = vector.extract_strided_slice %add3A_322 {offsets = [0, 0], sizes = [512, 8], strides = [1, 1]} : vector<512x16xf32> to vector<512x8xf32>
    %slice3A_324 = vector.extract_strided_slice %add3A_322 {offsets = [0, 8], sizes = [512, 8], strides = [1, 1]} : vector<512x16xf32> to vector<512x8xf32>
    %add3A_325 = arith.addf %slice3A_323, %slice3A_324 : vector<512x8xf32>
    %slice3A_326 = vector.extract_strided_slice %add3A_325 {offsets = [0, 0], sizes = [512, 4], strides = [1, 1]} : vector<512x8xf32> to vector<512x4xf32>
    %slice3A_327 = vector.extract_strided_slice %add3A_325 {offsets = [0, 4], sizes = [512, 4], strides = [1, 1]} : vector<512x8xf32> to vector<512x4xf32>
    %add3A_328 = arith.addf %slice3A_326, %slice3A_327 : vector<512x4xf32>
    %slice3A_329 = vector.extract_strided_slice %add3A_328 {offsets = [0, 0], sizes = [512, 2], strides = [1, 1]} : vector<512x4xf32> to vector<512x2xf32>
    %slice3A_330 = vector.extract_strided_slice %add3A_328 {offsets = [0, 2], sizes = [512, 2], strides = [1, 1]} : vector<512x4xf32> to vector<512x2xf32>
    %add3A_331 = arith.addf %slice3A_329, %slice3A_330 : vector<512x2xf32>
    %slice3A_332 = vector.extract_strided_slice %add3A_331 {offsets = [0, 0], sizes = [512, 1], strides = [1, 1]} : vector<512x2xf32> to vector<512x1xf32>
    %slice3A_333 = vector.extract_strided_slice %add3A_331 {offsets = [0, 1], sizes = [512, 1], strides = [1, 1]} : vector<512x2xf32> to vector<512x1xf32>
    %add3A_334 = arith.addf %slice3A_332, %slice3A_333 : vector<512x1xf32>
    %slice3A_335 = vector.extract_strided_slice %max3A_303 {offsets = [0, 256], sizes = [512, 256], strides = [1, 1]} : vector<512x512xf32> to vector<512x256xf32>
    %slice3A_336 = vector.extract_strided_slice %slice3A_335 {offsets = [0, 0], sizes = [512, 128], strides = [1, 1]} : vector<512x256xf32> to vector<512x128xf32>
    %slice3A_337 = vector.extract_strided_slice %slice3A_335 {offsets = [0, 128], sizes = [512, 128], strides = [1, 1]} : vector<512x256xf32> to vector<512x128xf32>
    %add3A_338 = arith.addf %slice3A_336, %slice3A_337 : vector<512x128xf32>
    %slice3A_339 = vector.extract_strided_slice %add3A_338 {offsets = [0, 0], sizes = [512, 64], strides = [1, 1]} : vector<512x128xf32> to vector<512x64xf32>
    %slice3A_340 = vector.extract_strided_slice %add3A_338 {offsets = [0, 64], sizes = [512, 64], strides = [1, 1]} : vector<512x128xf32> to vector<512x64xf32>
    %add3A_341 = arith.addf %slice3A_339, %slice3A_340 : vector<512x64xf32>
    %slice3A_342 = vector.extract_strided_slice %add3A_341 {offsets = [0, 0], sizes = [512, 32], strides = [1, 1]} : vector<512x64xf32> to vector<512x32xf32>
    %slice3A_343 = vector.extract_strided_slice %add3A_341 {offsets = [0, 32], sizes = [512, 32], strides = [1, 1]} : vector<512x64xf32> to vector<512x32xf32>
    %add3A_344 = arith.addf %slice3A_342, %slice3A_343 : vector<512x32xf32>
    %slice3A_345 = vector.extract_strided_slice %add3A_344 {offsets = [0, 0], sizes = [512, 16], strides = [1, 1]} : vector<512x32xf32> to vector<512x16xf32>
    %slice3A_346 = vector.extract_strided_slice %add3A_344 {offsets = [0, 16], sizes = [512, 16], strides = [1, 1]} : vector<512x32xf32> to vector<512x16xf32>
    %add3A_347 = arith.addf %slice3A_345, %slice3A_346 : vector<512x16xf32>
    %slice3A_348 = vector.extract_strided_slice %add3A_347 {offsets = [0, 0], sizes = [512, 8], strides = [1, 1]} : vector<512x16xf32> to vector<512x8xf32>
    %slice3A_349 = vector.extract_strided_slice %add3A_347 {offsets = [0, 8], sizes = [512, 8], strides = [1, 1]} : vector<512x16xf32> to vector<512x8xf32>
    %add3A_350 = arith.addf %slice3A_348, %slice3A_349 : vector<512x8xf32>
    %slice3A_351 = vector.extract_strided_slice %add3A_350 {offsets = [0, 0], sizes = [512, 4], strides = [1, 1]} : vector<512x8xf32> to vector<512x4xf32>
    %slice3A_352 = vector.extract_strided_slice %add3A_350 {offsets = [0, 4], sizes = [512, 4], strides = [1, 1]} : vector<512x8xf32> to vector<512x4xf32>
    %add3A_353 = arith.addf %slice3A_351, %slice3A_352 : vector<512x4xf32>
    %slice3A_354 = vector.extract_strided_slice %add3A_353 {offsets = [0, 0], sizes = [512, 2], strides = [1, 1]} : vector<512x4xf32> to vector<512x2xf32>
    %slice3A_355 = vector.extract_strided_slice %add3A_353 {offsets = [0, 2], sizes = [512, 2], strides = [1, 1]} : vector<512x4xf32> to vector<512x2xf32>
    %add3A_356 = arith.addf %slice3A_354, %slice3A_355 : vector<512x2xf32>
    %slice3A_357 = vector.extract_strided_slice %add3A_356 {offsets = [0, 0], sizes = [512, 1], strides = [1, 1]} : vector<512x2xf32> to vector<512x1xf32>
    %slice3A_358 = vector.extract_strided_slice %add3A_356 {offsets = [0, 1], sizes = [512, 1], strides = [1, 1]} : vector<512x2xf32> to vector<512x1xf32>
    %add3A_359 = arith.addf %slice3A_357, %slice3A_358 : vector<512x1xf32>
    %add3A_360 = arith.addf %add3A_334, %add3A_359 : vector<512x1xf32>
    %mul3A_361 = arith.constant 0.001953125 : f32
    %mul3A_362 = vector.broadcast %mul3A_361 : f32 to vector<512x1xf32>
    %mul3A_363 = arith.mulf %add3A_360, %mul3A_362 : vector<512x1xf32>
    %sub3A_364 = vector.broadcast %mul3A_363 : vector<512x1xf32> to vector<512x512xf32>
    %sub3A_365 = arith.subf %max3A_303, %sub3A_364 : vector<512x512xf32>
    %mul3A_366 = arith.mulf %sub3A_365, %sub3A_365 : vector<512x512xf32>
    %slice3A_367 = vector.extract_strided_slice %mul3A_366 {offsets = [0, 0], sizes = [512, 256], strides = [1, 1]} : vector<512x512xf32> to vector<512x256xf32>
    %slice3A_368 = vector.extract_strided_slice %slice3A_367 {offsets = [0, 0], sizes = [512, 128], strides = [1, 1]} : vector<512x256xf32> to vector<512x128xf32>
    %slice3A_369 = vector.extract_strided_slice %slice3A_367 {offsets = [0, 128], sizes = [512, 128], strides = [1, 1]} : vector<512x256xf32> to vector<512x128xf32>
    %add3A_370 = arith.addf %slice3A_368, %slice3A_369 : vector<512x128xf32>
    %slice3A_371 = vector.extract_strided_slice %add3A_370 {offsets = [0, 0], sizes = [512, 64], strides = [1, 1]} : vector<512x128xf32> to vector<512x64xf32>
    %slice3A_372 = vector.extract_strided_slice %add3A_370 {offsets = [0, 64], sizes = [512, 64], strides = [1, 1]} : vector<512x128xf32> to vector<512x64xf32>
    %add3A_373 = arith.addf %slice3A_371, %slice3A_372 : vector<512x64xf32>
    %slice3A_374 = vector.extract_strided_slice %add3A_373 {offsets = [0, 0], sizes = [512, 32], strides = [1, 1]} : vector<512x64xf32> to vector<512x32xf32>
    %slice3A_375 = vector.extract_strided_slice %add3A_373 {offsets = [0, 32], sizes = [512, 32], strides = [1, 1]} : vector<512x64xf32> to vector<512x32xf32>
    %add3A_376 = arith.addf %slice3A_374, %slice3A_375 : vector<512x32xf32>
    %slice3A_377 = vector.extract_strided_slice %add3A_376 {offsets = [0, 0], sizes = [512, 16], strides = [1, 1]} : vector<512x32xf32> to vector<512x16xf32>
    %slice3A_378 = vector.extract_strided_slice %add3A_376 {offsets = [0, 16], sizes = [512, 16], strides = [1, 1]} : vector<512x32xf32> to vector<512x16xf32>
    %add3A_379 = arith.addf %slice3A_377, %slice3A_378 : vector<512x16xf32>
    %slice3A_380 = vector.extract_strided_slice %add3A_379 {offsets = [0, 0], sizes = [512, 8], strides = [1, 1]} : vector<512x16xf32> to vector<512x8xf32>
    %slice3A_381 = vector.extract_strided_slice %add3A_379 {offsets = [0, 8], sizes = [512, 8], strides = [1, 1]} : vector<512x16xf32> to vector<512x8xf32>
    %add3A_382 = arith.addf %slice3A_380, %slice3A_381 : vector<512x8xf32>
    %slice3A_383 = vector.extract_strided_slice %add3A_382 {offsets = [0, 0], sizes = [512, 4], strides = [1, 1]} : vector<512x8xf32> to vector<512x4xf32>
    %slice3A_384 = vector.extract_strided_slice %add3A_382 {offsets = [0, 4], sizes = [512, 4], strides = [1, 1]} : vector<512x8xf32> to vector<512x4xf32>
    %add3A_385 = arith.addf %slice3A_383, %slice3A_384 : vector<512x4xf32>
    %slice3A_386 = vector.extract_strided_slice %add3A_385 {offsets = [0, 0], sizes = [512, 2], strides = [1, 1]} : vector<512x4xf32> to vector<512x2xf32>
    %slice3A_387 = vector.extract_strided_slice %add3A_385 {offsets = [0, 2], sizes = [512, 2], strides = [1, 1]} : vector<512x4xf32> to vector<512x2xf32>
    %add3A_388 = arith.addf %slice3A_386, %slice3A_387 : vector<512x2xf32>
    %slice3A_389 = vector.extract_strided_slice %add3A_388 {offsets = [0, 0], sizes = [512, 1], strides = [1, 1]} : vector<512x2xf32> to vector<512x1xf32>
    %slice3A_390 = vector.extract_strided_slice %add3A_388 {offsets = [0, 1], sizes = [512, 1], strides = [1, 1]} : vector<512x2xf32> to vector<512x1xf32>
    %add3A_391 = arith.addf %slice3A_389, %slice3A_390 : vector<512x1xf32>
    %slice3A_392 = vector.extract_strided_slice %mul3A_366 {offsets = [0, 256], sizes = [512, 256], strides = [1, 1]} : vector<512x512xf32> to vector<512x256xf32>
    %slice3A_393 = vector.extract_strided_slice %slice3A_392 {offsets = [0, 0], sizes = [512, 128], strides = [1, 1]} : vector<512x256xf32> to vector<512x128xf32>
    %slice3A_394 = vector.extract_strided_slice %slice3A_392 {offsets = [0, 128], sizes = [512, 128], strides = [1, 1]} : vector<512x256xf32> to vector<512x128xf32>
    %add3A_395 = arith.addf %slice3A_393, %slice3A_394 : vector<512x128xf32>
    %slice3A_396 = vector.extract_strided_slice %add3A_395 {offsets = [0, 0], sizes = [512, 64], strides = [1, 1]} : vector<512x128xf32> to vector<512x64xf32>
    %slice3A_397 = vector.extract_strided_slice %add3A_395 {offsets = [0, 64], sizes = [512, 64], strides = [1, 1]} : vector<512x128xf32> to vector<512x64xf32>
    %add3A_398 = arith.addf %slice3A_396, %slice3A_397 : vector<512x64xf32>
    %slice3A_399 = vector.extract_strided_slice %add3A_398 {offsets = [0, 0], sizes = [512, 32], strides = [1, 1]} : vector<512x64xf32> to vector<512x32xf32>
    %slice3A_400 = vector.extract_strided_slice %add3A_398 {offsets = [0, 32], sizes = [512, 32], strides = [1, 1]} : vector<512x64xf32> to vector<512x32xf32>
    %add3A_401 = arith.addf %slice3A_399, %slice3A_400 : vector<512x32xf32>
    %slice3A_402 = vector.extract_strided_slice %add3A_401 {offsets = [0, 0], sizes = [512, 16], strides = [1, 1]} : vector<512x32xf32> to vector<512x16xf32>
    %slice3A_403 = vector.extract_strided_slice %add3A_401 {offsets = [0, 16], sizes = [512, 16], strides = [1, 1]} : vector<512x32xf32> to vector<512x16xf32>
    %add3A_404 = arith.addf %slice3A_402, %slice3A_403 : vector<512x16xf32>
    %slice3A_405 = vector.extract_strided_slice %add3A_404 {offsets = [0, 0], sizes = [512, 8], strides = [1, 1]} : vector<512x16xf32> to vector<512x8xf32>
    %slice3A_406 = vector.extract_strided_slice %add3A_404 {offsets = [0, 8], sizes = [512, 8], strides = [1, 1]} : vector<512x16xf32> to vector<512x8xf32>
    %add3A_407 = arith.addf %slice3A_405, %slice3A_406 : vector<512x8xf32>
    %slice3A_408 = vector.extract_strided_slice %add3A_407 {offsets = [0, 0], sizes = [512, 4], strides = [1, 1]} : vector<512x8xf32> to vector<512x4xf32>
    %slice3A_409 = vector.extract_strided_slice %add3A_407 {offsets = [0, 4], sizes = [512, 4], strides = [1, 1]} : vector<512x8xf32> to vector<512x4xf32>
    %add3A_410 = arith.addf %slice3A_408, %slice3A_409 : vector<512x4xf32>
    %slice3A_411 = vector.extract_strided_slice %add3A_410 {offsets = [0, 0], sizes = [512, 2], strides = [1, 1]} : vector<512x4xf32> to vector<512x2xf32>
    %slice3A_412 = vector.extract_strided_slice %add3A_410 {offsets = [0, 2], sizes = [512, 2], strides = [1, 1]} : vector<512x4xf32> to vector<512x2xf32>
    %add3A_413 = arith.addf %slice3A_411, %slice3A_412 : vector<512x2xf32>
    %slice3A_414 = vector.extract_strided_slice %add3A_413 {offsets = [0, 0], sizes = [512, 1], strides = [1, 1]} : vector<512x2xf32> to vector<512x1xf32>
    %slice3A_415 = vector.extract_strided_slice %add3A_413 {offsets = [0, 1], sizes = [512, 1], strides = [1, 1]} : vector<512x2xf32> to vector<512x1xf32>
    %add3A_416 = arith.addf %slice3A_414, %slice3A_415 : vector<512x1xf32>
    %add3A_417 = arith.addf %add3A_391, %add3A_416 : vector<512x1xf32>
    %mul3A_418 = arith.constant 0.001953125 : f32
    %mul3A_419 = vector.broadcast %mul3A_418 : f32 to vector<512x1xf32>
    %mul3A_420 = arith.mulf %add3A_417, %mul3A_419 : vector<512x1xf32>
    %add3A_421 = arith.constant 9.99999974E-6 : f32
    %add3A_422 = vector.broadcast %add3A_421 : f32 to vector<512x1xf32>
    %add3A_423 = arith.addf %mul3A_420, %add3A_422 : vector<512x1xf32>
    %rsqrt3A_424 = math.rsqrt %add3A_423 : vector<512x1xf32>
    %mul3A_425 = vector.broadcast %rsqrt3A_424 : vector<512x1xf32> to vector<512x512xf32>
    %mul3A_426 = arith.mulf %sub3A_365, %mul3A_425 : vector<512x512xf32>
    %mul3A_427 = vector.broadcast %get3A_306 : vector<1x512xf32> to vector<512x512xf32>
    %mul3A_428 = arith.mulf %mul3A_426, %mul3A_427 : vector<512x512xf32>
    %add3A_429 = vector.broadcast %get3A_309 : vector<1x512xf32> to vector<512x512xf32>
    %add3A_430 = arith.addf %mul3A_428, %add3A_429 : vector<512x512xf32>
    %convert_element_type3A_431 = arith.truncf %add3A_430 : vector<512x512xf32> to vector<512x512xbf16>
    %get3A_432 = arith.constant 0 : index
    %get3A_433 = arith.constant 0 : index
    %get3A_434 = vector.load %arg16[%get3A_432, %get3A_433] : memref<512x3xbf16, #tpu.memory_space<vmem>>, vector<512x3xbf16>
    %dot_general3A_435 = arith.constant dense<0.000000e+00> : vector<512x3xf32>
    %dot_general3A_436 = tpu.matmul %convert_element_type3A_431, %get3A_434, %dot_general3A_435 {dimension_numbers = #tpu.dot_dimension_numbers<[1], [0], [0], [1], [0, 0, 1, 1], [], []>, transpose_lhs_hint = false} : vector<512x512xbf16>, vector<512x3xbf16>, vector<512x3xf32> -> vector<512x3xf32>
    %get3A_437 = arith.constant 0 : index
    %get3A_438 = arith.constant 0 : index
    %get3A_439 = vector.load %arg17[%get3A_437, %get3A_438] : memref<1x3xf32, #tpu.memory_space<vmem>>, vector<1x3xf32>
    %add3A_440 = vector.broadcast %get3A_439 : vector<1x3xf32> to vector<512x3xf32>
    %add3A_441 = arith.addf %dot_general3A_436, %add3A_440 : vector<512x3xf32>
    %swap3A_442 = arith.constant 0 : index
    %swap3A_443 = arith.constant 0 : index
    %swap3A_444 = vector.load %arg19[%swap3A_442, %swap3A_443] : memref<512x3xf32, #tpu.memory_space<vmem>>, vector<512x3xf32>
    tpu.vector_store %arg19[%swap3A_442, %swap3A_443], %add3A_441 {strides = array<i32>} : memref<512x3xf32, #tpu.memory_space<vmem>>, vector<512x3xf32>,
    %get3A_445 = arith.constant 0 : index
    %get3A_446 = arith.constant 0 : index
    %get3A_447 = vector.load %arg3[%get3A_445, %get3A_446] : memref<512x3xf32, #tpu.memory_space<vmem>>, vector<512x3xf32>
    %sub3A_448 = arith.subf %add3A_441, %get3A_447 : vector<512x3xf32>
    %mul3A_449 = arith.mulf %sub3A_448, %sub3A_448 : vector<512x3xf32>
    %reduce_sum3A_450 = vector.shape_cast %mul3A_449 : vector<512x3xf32> to vector<1x512x3xf32>
    %reduce_sum3A_451 = arith.constant dense<0.000000e+00> : vector<1xf32>
    %reduce_sum3A_452 = vector.multi_reduction <add>, %reduce_sum3A_450, %reduce_sum3A_451 [1, 2] : vector<1x512x3xf32> to vector<1xf32>
    %reduce_sum3A_453 = vector.shape_cast %reduce_sum3A_452 : vector<1xf32> to vector<1x1x1xf32>
    %reduce_sum3A_454 = vector.extract %reduce_sum3A_453[0, 0, 0] : f32 from vector<1x1x1xf32>
    %eq3A = arith.constant 0 : i32
    %eq3A_455 = arith.cmpi eq, %arg0, %eq3A : i32
    %convert_element_type3A_456 = arith.extui %eq3A_455 : i1 to i32
    %cond3A = arith.constant 0 : i32
    %cond3A_457 = arith.cmpi ne, %convert_element_type3A_456, %cond3A : i32
    scf.if %cond3A_457 {
      %swap3A_473 = arith.constant 0.000000e+00 : f32
      %swap3A_474 = arith.constant 0 : index
      %swap3A_475 = memref.load %arg21[%swap3A_474] : memref<2xf32, #tpu.memory_space<smem>>
      memref.store %swap3A_473, %arg21[%swap3A_474] : memref<2xf32, #tpu.memory_space<smem>>
      %swap3A_476 = arith.constant 0.000000e+00 : f32
      %swap3A_477 = arith.constant 1 : index
      %swap3A_478 = memref.load %arg21[%swap3A_477] : memref<2xf32, #tpu.memory_space<smem>>
      memref.store %swap3A_476, %arg21[%swap3A_477] : memref<2xf32, #tpu.memory_space<smem>>
    } else {
    }
    %get3A_458 = arith.constant 0 : index
    %get3A_459 = memref.load %arg21[%get3A_458] : memref<2xf32, #tpu.memory_space<smem>>
    %add3A_460 = arith.addf %get3A_459, %reduce_sum3A_11 : f32
    %swap3A_461 = arith.constant 0 : index
    %swap3A_462 = memref.load %arg21[%swap3A_461] : memref<2xf32, #tpu.memory_space<smem>>
    memref.store %add3A_460, %arg21[%swap3A_461] : memref<2xf32, #tpu.memory_space<smem>>
    %get3A_463 = arith.constant 1 : index
    %get3A_464 = memref.load %arg21[%get3A_463] : memref<2xf32, #tpu.memory_space<smem>>
    %add3A_465 = arith.addf %get3A_464, %reduce_sum3A_454 : f32
    %swap3A_466 = arith.constant 1 : index
    %swap3A_467 = memref.load %arg21[%swap3A_466] : memref<2xf32, #tpu.memory_space<smem>>
    memref.store %add3A_465, %arg21[%swap3A_466] : memref<2xf32, #tpu.memory_space<smem>>
    %eq3A_468 = arith.constant 127 : i32
    %eq3A_469 = arith.cmpi eq, %arg0, %eq3A_468 : i32
    %convert_element_type3A_470 = arith.extui %eq3A_469 : i1 to i32
    %cond3A_471 = arith.constant 0 : i32
    %cond3A_472 = arith.cmpi ne, %convert_element_type3A_470, %cond3A_471 : i32
    scf.if %cond3A_472 {
      %iota3A = tpu.iota {dimensions = array<i32: 0>} : vector<8x128xi32>
      %iota3A_473 = tpu.iota {dimensions = array<i32: 1>} : vector<8x128xi32>
      %eq3A_474 = arith.constant 0 : i32
      %eq3A_475 = vector.broadcast %eq3A_474 : i32 to vector<8x128xi32>
      %eq3A_476 = arith.cmpi eq, %iota3A, %eq3A_475 : vector<8x128xi32>
      %eq3A_477 = arith.constant 0 : i32
      %eq3A_478 = vector.broadcast %eq3A_477 : i32 to vector<8x128xi32>
      %eq3A_479 = arith.cmpi eq, %iota3A_473, %eq3A_478 : vector<8x128xi32>
      %and3A = arith.andi %eq3A_476, %eq3A_479 : vector<8x128xi1>
      %get3A_480 = arith.constant 0 : index
      %get3A_481 = memref.load %arg21[%get3A_480] : memref<2xf32, #tpu.memory_space<smem>>
      %jit3A = arith.constant 0.000000e+00 : f32
      %broadcast_in_dim3A = vector.broadcast %get3A_481 : f32 to vector<8x128xf32>
      %broadcast_in_dim3A_482 = vector.broadcast %jit3A : f32 to vector<8x128xf32>
      %select_n3A = arith.select %and3A, %broadcast_in_dim3A, %broadcast_in_dim3A_482 : vector<8x128xi1>, vector<8x128xf32>
      %eq3A_483 = arith.constant 0 : i32
      %eq3A_484 = vector.broadcast %eq3A_483 : i32 to vector<8x128xi32>
      %eq3A_485 = arith.cmpi eq, %iota3A, %eq3A_484 : vector<8x128xi32>
      %eq3A_486 = arith.constant 1 : i32
      %eq3A_487 = vector.broadcast %eq3A_486 : i32 to vector<8x128xi32>
      %eq3A_488 = arith.cmpi eq, %iota3A_473, %eq3A_487 : vector<8x128xi32>
      %and3A_489 = arith.andi %eq3A_485, %eq3A_488 : vector<8x128xi1>
      %get3A_490 = arith.constant 1 : index
      %get3A_491 = memref.load %arg21[%get3A_490] : memref<2xf32, #tpu.memory_space<smem>>
      %broadcast_in_dim3A_492 = vector.broadcast %get3A_491 : f32 to vector<8x128xf32>
      %select_n3A_493 = arith.select %and3A_489, %broadcast_in_dim3A_492, %select_n3A : vector<8x128xi1>, vector<8x128xf32>
      %swap3A_494 = arith.constant 0 : index
      %swap3A_495 = arith.constant 0 : index
      %swap3A_496 = vector.load %arg20[%swap3A_494, %swap3A_495] : memref<8x128xf32, #tpu.memory_space<vmem>>, vector<8x128xf32>
      tpu.vector_store %arg20[%swap3A_494, %swap3A_495], %select_n3A_493 {strides = array<i32>} : memref<8x128xf32, #tpu.memory_space<vmem>>, vector<8x128xf32>,
    } else {
    }
    return
  }
  func.func @transform_0(%arg0: i32) -> (i32, i32) {
    %c0_i32 = arith.constant 0 : i32
    %c0_i32_0 = arith.constant 0 : i32
    return %arg0, %c0_i32 : i32, i32
  }
  func.func @transform_1(%arg0: i32) -> (i32, i32) {
    %c0_i32 = arith.constant 0 : i32
    %c0_i32_0 = arith.constant 0 : i32
    return %arg0, %c0_i32 : i32, i32
  }
  func.func @transform_2(%arg0: i32) -> (i32, i32) {
    %c0_i32 = arith.constant 0 : i32
    %c0_i32_0 = arith.constant 0 : i32
    return %arg0, %c0_i32 : i32, i32
  }
  func.func @transform_3(%arg0: i32) -> (i32, i32) {
    %c0_i32 = arith.constant 0 : i32
    %c0_i32_0 = arith.constant 0 : i32
    %c0_i32_1 = arith.constant 0 : i32
    return %c0_i32, %c0_i32_0 : i32, i32
  }
  func.func @transform_4(%arg0: i32) -> (i32, i32) {
    %c0_i32 = arith.constant 0 : i32
    %c0_i32_0 = arith.constant 0 : i32
    %c0_i32_1 = arith.constant 0 : i32
    return %c0_i32, %c0_i32_0 : i32, i32
  }
  func.func @transform_5(%arg0: i32) -> (i32, i32) {
    %c0_i32 = arith.constant 0 : i32
    %c0_i32_0 = arith.constant 0 : i32
    %c0_i32_1 = arith.constant 0 : i32
    return %c0_i32, %c0_i32_0 : i32, i32
  }
  func.func @transform_6(%arg0: i32) -> (i32, i32) {
    %c0_i32 = arith.constant 0 : i32
    %c0_i32_0 = arith.constant 0 : i32
    %c0_i32_1 = arith.constant 0 : i32
    return %c0_i32, %c0_i32_0 : i32, i32
  }
  func.func @transform_7(%arg0: i32) -> (i32, i32) {
    %c0_i32 = arith.constant 0 : i32
    %c0_i32_0 = arith.constant 0 : i32
    %c0_i32_1 = arith.constant 0 : i32
    return %c0_i32, %c0_i32_0 : i32, i32
  }
  func.func @transform_8(%arg0: i32) -> (i32, i32) {
    %c0_i32 = arith.constant 0 : i32
    %c0_i32_0 = arith.constant 0 : i32
    %c0_i32_1 = arith.constant 0 : i32
    return %c0_i32, %c0_i32_0 : i32, i32
  }
  func.func @transform_9(%arg0: i32) -> (i32, i32) {
    %c0_i32 = arith.constant 0 : i32
    %c0_i32_0 = arith.constant 0 : i32
    %c0_i32_1 = arith.constant 0 : i32
    return %c0_i32, %c0_i32_0 : i32, i32
  }
  func.func @transform_10(%arg0: i32) -> (i32, i32) {
    %c0_i32 = arith.constant 0 : i32
    %c0_i32_0 = arith.constant 0 : i32
    %c0_i32_1 = arith.constant 0 : i32
    return %c0_i32, %c0_i32_0 : i32, i32
  }
  func.func @transform_11(%arg0: i32) -> (i32, i32) {
    %c0_i32 = arith.constant 0 : i32
    %c0_i32_0 = arith.constant 0 : i32
    %c0_i32_1 = arith.constant 0 : i32
    return %c0_i32, %c0_i32_0 : i32, i32
  }
  func.func @transform_12(%arg0: i32) -> (i32, i32) {
    %c0_i32 = arith.constant 0 : i32
    %c0_i32_0 = arith.constant 0 : i32
    %c0_i32_1 = arith.constant 0 : i32
    return %c0_i32, %c0_i32_0 : i32, i32
  }
  func.func @transform_13(%arg0: i32) -> (i32, i32) {
    %c0_i32 = arith.constant 0 : i32
    %c0_i32_0 = arith.constant 0 : i32
    %c0_i32_1 = arith.constant 0 : i32
    return %c0_i32, %c0_i32_0 : i32, i32
  }
  func.func @transform_14(%arg0: i32) -> (i32, i32) {
    %c0_i32 = arith.constant 0 : i32
    %c0_i32_0 = arith.constant 0 : i32
    %c0_i32_1 = arith.constant 0 : i32
    return %c0_i32, %c0_i32_0 : i32, i32
  }
  func.func @transform_15(%arg0: i32) -> (i32, i32) {
    %c0_i32 = arith.constant 0 : i32
    %c0_i32_0 = arith.constant 0 : i32
    %c0_i32_1 = arith.constant 0 : i32
    return %c0_i32, %c0_i32_0 : i32, i32
  }
  func.func @transform_16(%arg0: i32) -> (i32, i32) {
    %c0_i32 = arith.constant 0 : i32
    %c0_i32_0 = arith.constant 0 : i32
    %c0_i32_1 = arith.constant 0 : i32
    return %c0_i32, %c0_i32_0 : i32, i32
  }
  func.func @transform_17(%arg0: i32) -> (i32, i32) {
    %c0_i32 = arith.constant 0 : i32
    %c0_i32_0 = arith.constant 0 : i32
    return %arg0, %c0_i32 : i32, i32
  }
  func.func @transform_18(%arg0: i32) -> (i32, i32) {
    %c0_i32 = arith.constant 0 : i32
    %c0_i32_0 = arith.constant 0 : i32
    return %arg0, %c0_i32 : i32, i32
  }
  func.func @transform_19(%arg0: i32) -> (i32, i32) {
    %c0_i32 = arith.constant 0 : i32
    %c0_i32_0 = arith.constant 0 : i32
    %c0_i32_1 = arith.constant 0 : i32
    return %c0_i32, %c0_i32_0 : i32, i32
  }
}

</mosaic_0001>

<sc_bundles>
// kernel: kernel.5.cloned.1.call-start
scs
__scs_entry_jumppad:
0x0: {  	(pc) =	sbr.rel $0x88, $3  }
0x1: {  	(tag) =	ssettag $0x0;
	lr =	simm.s32 $0x1  }
0x2: {  	[smem:$0x3F83] =	sst lr;
	_ =	strace $0xD0000000  }
0x3: {  	_ = 	snop  }
0x4: {  	_ = 	snop  }
0x5: {  	_ = 	snop  }
0x6: {  	_ = 	snop  }
0x7: {  	_ = 	snop  }
__scs_overlays_trampoline_lowered:
0x8: {  	[smem:$0x3F92] =	sst s0  }
0x9: {  	[smem:$0x3F93] =	sst s1  }
0xa: {  	[smem:$0x3F94] =	sst s2  }
0xb: {  	[smem:$0x3F95] =	sst s3  }
0xc: {  	[smem:$0x3F96] =	sst s4  }
0xd: {  	[smem:$0x3F97] =	sst s5  }
0xe: {  	[smem:$0x3F98] =	sst s6  }
0xf: {  	[smem:$0x3F99] =	sst s7  }
0x10: {  	[smem:$0x3F9A] =	sst s8  }
0x11: {  	[smem:$0x3F9B] =	sst s9;
	s0 =	simm.s32 @!p0 $0x0  }
0x12: {  	s1 =	sld [smem:$0x3F81];
	s0 =	simm.s32 @p0 $0x1  }
0x13: {  	[smem:$0x3F9C] =	sst s0;
	s0 =	simm.s32 @!p1 $0x0  }
0x14: {  	s2 =	sld [smem:$0x3F80];
	s0 =	simm.s32 @p1 $0x1  }
0x15: {  	[smem:$0x3F9D] =	sst s0;
	s0 =	simm.s32 @!p2 $0x0  }
0x16: {  	s3 =	sld [smem:$0x3FDB];
	s0 =	simm.s32 @p2 $0x1  }
0x17: {  	s4 =	simm.s32 $0x1BF5;
	[smem:$0x3F9F] =	sst s0  }
0x18: {  	s0 =	sld [smem:$0x3F82];
	_ =	swait.ge [sflag:s4], $0x0  }
0x19: {  	s7 =	sld [smem:$0x3F83]  }
0x1a: {  	s8 =	sadd.s32 $0xFFFFE003, lr  }
0x1b: {  	s9 =	sadd.s32 $0xFFFFFEF7, lr;
	s5 =	simm.s32 $0xFFFFFFFF;
	p2 =	slt.u32 s8, $0xFFFFF086  }
0x1c: {  	p1 =	slt.u32 s9, $0xF7A;
	s5 =	simm.s32 @!p2 $0x0  }
0x1d: {  	s5 =	simm.s32 @p1 $0x1;
	p0 =	seq.s32 s7, s2  }
0x1e: {  	s7 =	smul.u32 @!p0 $0xF7A, s2;
	p2 =	seq.s32 @!p0 s5, $0x0  }
0x1f: {  	s9 =	smul.u32 $0xF7A, s1;
	s8 =	simm.s32 @!p0 $0x1BF5;
	p2 =	por !p2, p0  }
0x20: {  	[sflag:s8] =	ssyncset.s32 @!p0 $0xFFFFF086;
	s6 =	sadd.s32 @!p0 s3, s7;
	s7 =	simm.s32 @!p0 $0x108  }
0x21: {  	s3 =	sadd.s32 s3, s9;
	s6 =	sadd.s32 @!p0 $0x88, s6;
	s7 =	simm.s32 @p2 $0x1082  }
0x22: {  	[simem:s7], [sflag:s8] =	dma.local @!p0 [hbm:s6], $0xF7A  }
0x23: {  	s9 =	sor.u32 $0xD0000000, s2;
	s6 =	simm.s32 $0x108;
	_ =	swait.ge @!p0 [sflag:s8], $0x0  }
0x24: {  	s3 =	sadd.s32 $0x88, s3;
	s6 =	simm.s32 @!p1 $0x1082;
	[sflag:s4] =	ssyncset.s32 $0xFFFFF086  }
0x25: {  	[simem:s6], [sflag:s4] =	dma.local [hbm:s3], $0xF7A  }
0x26: {  	[smem:$0x3F83] =	sst s1;
	(tag) =	ssettag s2;
	_ =	strace s9  }
0x27: {  	s1 =	sld [smem:$0x3F93]  }
0x28: {  	s2 =	sld [smem:$0x3F94]  }
0x29: {  	s4 =	sld [smem:$0x3F96]  }
0x2a: {  	p0 =	seq.s32 s5, $0x0;
	s5 =	sld [smem:$0x3F97]  }
0x2b: {  	s6 =	sld [smem:$0x3F98]  }
0x2c: {  	s7 =	sld [smem:$0x3F99]  }
0x2d: {  	s3 =	simm.s32 $0x108;
	s8 =	sld [smem:$0x3F9A]  }
0x2e: {  	s3 =	simm.s32 @!p0 $0x1082;
	s9 =	sld [smem:$0x3F9B]  }
0x2f: {  	lr =	sadd.s32 s0, s3;
	s0 =	sld [smem:$0x3F92]  }
0x30: {  	s3 =	sld [smem:$0x3F95]  }
0x31: {  	[smem:$0x3F9E] =	sst s10  }
0x32: {  	s10 =	sld [smem:$0x3F9C];
	_ =	sdelay $0x3  }
0x33: {  	p0 =	seq.s32 s10, $0x1;
	s10 =	sld [smem:$0x3F9E];
	_ =	sdelay $0x3  }
0x34: {  	[smem:$0x3F9E] =	sst s10  }
0x35: {  	s10 =	sld [smem:$0x3F9D];
	_ =	sdelay $0x3  }
0x36: {  	p1 =	seq.s32 s10, $0x1;
	s10 =	sld [smem:$0x3F9E];
	_ =	sdelay $0x3  }
0x37: {  	[smem:$0x3F9E] =	sst s10  }
0x38: {  	s10 =	sld [smem:$0x3F9F]  }
0x39: {  	_ = 	snop;
	(pc) =	sbr.ind lr, $3  }
0x3a: {  	_ = 	snop  }
0x3b: {  	_ = 	snop  }
0x3c: {  	p2 =	seq.s32 s10, $0x1;
	s10 =	sld [smem:$0x3F9E]  }
0x3d: {  	_ =	shalt  }
0x3e: {  	_ =	shalt  }
0x3f: {  	_ =	shalt  }
0x40: {  	_ =	shalt  }
0x41: {  	_ =	shalt  }
0x42: {  	_ =	shalt  }
0x43: {  	_ =	shalt  }
0x44: {  	_ =	shalt  }
0x45: {  	_ =	shalt  }
0x46: {  	_ =	shalt  }
0x47: {  	_ =	shalt  }
0x48: {  	_ =	shalt  }
0x49: {  	_ =	shalt  }
0x4a: {  	_ =	shalt  }
0x4b: {  	_ =	shalt  }
0x4c: {  	_ =	shalt  }
0x4d: {  	_ =	shalt  }
0x4e: {  	_ =	shalt  }
0x4f: {  	_ =	shalt  }
0x50: {  	_ =	shalt  }
0x51: {  	_ =	shalt  }
0x52: {  	_ =	shalt  }
0x53: {  	_ =	shalt  }
0x54: {  	_ =	shalt  }
0x55: {  	_ =	shalt  }
0x56: {  	_ =	shalt  }
0x57: {  	_ =	shalt  }
0x58: {  	_ =	shalt  }
0x59: {  	_ =	shalt  }
0x5a: {  	_ =	shalt  }
0x5b: {  	_ =	shalt  }
0x5c: {  	_ =	shalt  }
0x5d: {  	_ =	shalt  }
0x5e: {  	_ =	shalt  }
0x5f: {  	_ =	shalt  }
0x60: {  	_ =	shalt  }
0x61: {  	_ =	shalt  }
0x62: {  	_ =	shalt  }
0x63: {  	_ =	shalt  }
0x64: {  	_ =	shalt  }
0x65: {  	_ =	shalt  }
0x66: {  	_ =	shalt  }
0x67: {  	_ =	shalt  }
0x68: {  	_ =	shalt  }
0x69: {  	_ =	shalt  }
0x6a: {  	_ =	shalt  }
0x6b: {  	_ =	shalt  }
0x6c: {  	_ =	shalt  }
0x6d: {  	_ =	shalt  }
0x6e: {  	_ =	shalt  }
0x6f: {  	_ =	shalt  }
0x70: {  	_ =	shalt  }
0x71: {  	_ =	shalt  }
0x72: {  	_ =	shalt  }
0x73: {  	_ =	shalt  }
0x74: {  	_ =	shalt  }
0x75: {  	_ =	shalt  }
0x76: {  	_ =	shalt  }
0x77: {  	_ =	shalt  }
0x78: {  	_ =	shalt  }
0x79: {  	_ =	shalt  }
0x7a: {  	_ =	shalt  }
0x7b: {  	_ =	shalt  }
0x7c: {  	_ =	shalt  }
0x7d: {  	_ =	shalt  }
0x7e: {  	_ =	shalt  }
0x7f: {  	_ =	shalt  }
0x80: {  	_ =	shalt  }
0x81: {  	_ =	shalt  }
0x82: {  	_ =	shalt  }
0x83: {  	_ =	shalt  }
0x84: {  	_ =	shalt  }
0x85: {  	_ =	shalt  }
0x86: {  	_ =	shalt  }
0x87: {  	_ =	shalt  }
.Lfunc_end0:
.L_simem_size_0:
called_computation_lowered:
.L_overlay_start_0:
0x88: {  	s2 =	sld [smem:$0x3FD9]  }
0x89: {  	s3 =	sld [smem:$0x3FFE];
	_ =	sdelay $0x1  }
0x8a: {  	s1 =	srdreg.scid  }
0x8b: {  	s0 =	sand.u32 $0x1, s1  }
0x8c: {  	s14 =	sshll.u32 s0, $0xA;
	s2 =	sadd.s32 s3, s2  }
0x8d: {  	s2 =	sadd.s32 s2, s14  }
0x8e: {  	[smem:$0x3FAA] =	sst s2  }
0x8f: {  	_ = 	snop  }
0x90: {  	s2 =	sld [smem:$0x3FD0];
	_ =	sdelay $0x2  }
0x91: {  	s15 =	simm.s32 $0xA;
	s4 =	simm.s32 $0x10  }
0x92: {  	[smem:s4], [sflag:s15] =	dma.local [hbm:s2], $0x1  }
0x93: {  	_ =	swait.eq [sflag:s15], $0x1  }
0x94: {  	[sflag:s15] =	ssyncset.done $0x0  }
0x95: {  	s16 =	sld [smem:$0x10];
	[sflag:s15] =	ssyncadd.s32 $0xFFFFFFFF  }
0x96: {  	s17 =	sld [smem:$0x11];
	(tm) =	ssettm $0x1  }
0x97: {  	s18 =	sld [smem:$0x3FFB];
	_ =	sdelay $0x3  }
0x98: {  	_ =	strace s18  }
0x99: {  	s4 =	sld [smem:$0x3FFC];
	_ =	sdelay $0x3  }
0x9a: {  	_ =	strace s4  }
0x9b: {  	s4 =	sld [smem:$0x3FFD];
	_ =	sdelay $0x3  }
0x9c: {  	_ =	strace s4  }
0x9d: {  	_ =	strace $0x8FFFFFFF  }
0x9e: {  	s19 =	sld [smem:$0x3FDB];
	_ =	sdelay $0x1  }
0x9f: {  	s5 =	simm.s32 $_scs_section_size  }
0xa0: {  	s6 =	simm.s32 $_size__tile_overlayer_lowered;
	s7 =	simm.s32 $_tile_overlayer_lowered  }
0xa1: {  	s22 =	simm.s32 $0x1BFF;
	s21 =	sshll.u32 s7, $0x1;
	s4 =	sadd.s32 s5, s19  }
0xa2: {  	s8 =	simm.s32 $0x0;
	s20 =	sshll.u32 s6, $0x1;
	s6 =	sadd.s32 s21, s4  }
0xa3: {  	[timem:s8], [sflag:s22] =	dma.local [hbm:s6], s20  }
0xa4: {  	_ =	swait.ge [sflag:s22], s20  }
0xa5: {  	s5 =	ssub.s32 $0x0, s20;
	[sflag:s22] =	ssyncset.done $0x0  }
0xa6: {  	[sflag:s22] =	ssyncadd.s32 s5;
	_ =	sdelay $0x1  }
0xa7: {  	s23 =	simm.s32 $0x1B8B  }
0xa8: {  	_ =	swait.ge [sflag:s23], $0x1  }
0xa9: {  	[sflag:s23] =	ssyncset.done $0x0  }
0xaa: {  	s25 =	simm.s32 $0x1B8E;
	s24 =	sld [smem:$0x3FFE];
	[sflag:s23] =	ssyncadd.s32 $0xFFFFFFFF  }
0xab: {  	s26 =	simm.s32 $execute0_lowered;
	[smem:$0x3FD2] =	sst s25  }
0xac: {  	s6 =	sshll.u32 s26, $0x1;
	_ =	strace $0x80000046;
	[dreg:$0x1] =	wrdreg $0xFFFFFFFF  }
0xad: {  	s28 =	simm.s32 $_size_execute0_lowered;
	s4 =	sadd.s32 s4, s6;
	[dreg:$0x0] =	wrdreg $0x0  }
0xae: {  	s6 =	sshll.u32 s28, $0x1;
	[dreg:$0x2] =	wrdreg s4  }
0xaf: {  	[dreg:$0x3] =	wrdreg s6  }
0xb0: {  	[dreg:$0x4] =	wrdreg $0xC0  }
0xb1: {  	_ =	task [dreg:s8], $0x5FFFF  }
0xb2: {  	[dreg:$0x1] =	wrdreg $0xFFFFFFFF  }
0xb3: {  	[dreg:$0x0] =	wrdreg $0x60  }
0xb4: {  	[dreg:$0x2] =	wrdreg s17  }
0xb5: {  	[dreg:$0x3] =	wrdreg s16  }
0xb6: {  	[dreg:$0x4] =	wrdreg s24  }
0xb7: {  	[dreg:$0x5] =	wrdreg $0x9  }
0xb8: {  	_ =	task.clear_ibuf [dreg:s8], $0x6FFFF;
	_ =	strace $0x90000046  }
0xb9: {  	s29 =	simm.s32 $0x9;
	_ =	strace $0x80000048  }
0xba: {  	_ =	swait.ge [sflag:s29], $0x1  }
0xbb: {  	[sflag:s29] =	ssyncadd.s32 $0xFFFFFFFF  }
0xbc: {  	_ =	strace $0x90000048  }
0xbd: {  	_ =	sfence  }
0xbe: {  	s30 =	sld [smem:$0x0];
	_ =	sdelay $0x2  }
0xbf: {  	s31 =	sshll.u32 s1, $0xD;
	s1 =	sshrl.u32 s1, $0x2  }
0xc0: {  	s3 =	sand.u32 $0x4000, s31;
	s1 =	sadd.s32 s1, s30  }
0xc1: {  	s0 =	sor.u32 s3, s0;
	s1 =	sshll.u32 s1, $0x11  }
0xc2: {  	s0 =	sor.u32 s1, s0  }
0xc3: {  	s0 =	sadd.s32 $0x8F2B, s0  }
0xc4: {  	[sflag:s0] =	ssyncadd.remote.s32 $0x1  }
0xc5: {  	_ =	sfence.sel $0xFFFF  }
0xc6: {  	[dreg:$0x0] =	wrdreg $0xFFFFFFFF;
	(pc) =	sbr.abs _section_cstart, $3  }
0xc7: {  	[dreg:$0x1] =	wrdreg $0xFFFFFFFF  }
0xc8: {  	_ =	task.clear_ibuf [dreg:s8], $0x2FFFF;
	_ =	strace $0x9FFFFFFF  }
0xc9: {  	(tm) =	ssettm $0x7FFFFFFF  }
tec
execute0_lowered:
.L_overlay_start_1:
0x0: {  	(tag) =	ssettag $0x1  }
0x1: {  	s1 =	srdreg.scid  }
0x2: {  	s2 =	rddreg [dreg:$0x0];
	s0 =	stileid.u32;
	s1 =	sand.u32 $0x1, s1  }
0x3: {  	s4 =	rddreg [dreg:$0x1];
	s6 =	sshll.u32 s0, $0xC;
	s7 =	sshll.u32 s1, $0xB  }
0x4: {  	s5 =	rddreg [dreg:$0x2];
	s6 =	sor.u32 s7, s6  }
0x5: {  	s3 =	simm.s32 $0x0;
	s7 =	sshll.u32 s6, $0x4;
	s6 =	sshrl.u32 s6, $0x3  }
0x6: {  	[smem:$0x7FF] =	sst s3;
	s31 =	sadd.s32 s7, s5;
	s4 =	sadd.s32 s4, s6  }
0x7: {  	_ =	strace $0x80000047;
	[dreg:$0x4] =	wrdreg s4;
	s17 =	sadd.s32 $0x103A00, s31  }
0x8: {  	s18 =	sadd.s32 $0x104200, s31;
	[dreg:$0x5] =	wrdreg s17  }
0x9: {  	s19 =	sadd.s32 $0x104A00, s31;
	[dreg:$0x6] =	wrdreg s18  }
0xa: {  	s20 =	sadd.s32 $0x105200, s31;
	[dreg:$0x7] =	wrdreg s19  }
0xb: {  	s21 =	sadd.s32 $0x105A00, s31;
	[dreg:$0x8] =	wrdreg s20  }
0xc: {  	s22 =	sadd.s32 $0x106200, s31;
	[dreg:$0x9] =	wrdreg s21  }
0xd: {  	s23 =	sadd.s32 $0x106A00, s31;
	[dreg:$0xa] =	wrdreg s22  }
0xe: {  	[dreg:$0xb] =	wrdreg s23  }
0xf: {  	s24 =	sadd.s32 $0x107200, s31;
	s25 =	rddreg [dreg:$0x4]  }
0x10: {  	s26 =	sadd.s32 $0x107A00, s31;
	[dreg:$0xc] =	wrdreg s24  }
0x11: {  	s4 =	simm.s32 $0x3;
	[dreg:$0xd] =	wrdreg s26  }
0x12: {  	[tilespmem:s3], [sflag:$0x3] =	stream.linear.gather [hbm4b:s25+s3], $0x800, $0x38;
	[tilespmem:$0x8800] =	vst v63  }
0x13: {  	_ =	swait.ge [sflag:s4], $0x800  }
0x14: {  	[sflag:s4] =	ssyncset.done $0x0  }
0x15: {  	s5 =	simm.s32 $0x80;
	s6 =	simm.s32 $0x800;
	[sflag:s4] =	ssyncadd.s32 $0xFFFFF800  }
0x16: {  	[tilespmem:s6], [sflag:$0x1] =	stream.indirect.gather [hbm4b:s2+s5], $0x80, s3, s5, $0xb8;
	[tilespmem:$0x8800] =	vst v63  }
0x17: {  	s8 =	simm.s32 $0x1;
	s7 =	simm.s32 $0x4800  }
0x18: {  	[tilespmem:s7], [sflag:$0x2] =	stream.indirect.gather [hbm4b:s2+s5], $0x80, s5, s5, $0xb8;
	[tilespmem:$0x8800] =	vst v63  }
0x19: {  	_ =	swait.ge [sflag:s8], $0x4000  }
0x1a: {  	[sflag:s8] =	ssyncset.done $0x0  }
0x1b: {  	s9 =	rddreg [dreg:$0x5];
	[sflag:s8] =	ssyncadd.s32 $0xFFFFC000  }
0x1c: {  	[hbm4b:s9+s3] =	stream.linear.scatter [tilespmem:s6], [sflag:$0x3], $0x4000, $0x38;
	[tilespmem:$0x8800] =	vst v63  }
0x1d: {  	_ =	swait.ge [sflag:s4], $0x4000  }
0x1e: {  	[sflag:s4] =	ssyncset.done $0x0  }
0x1f: {  	s10 =	simm.s32 $0x2;
	s9 =	simm.s32 $0x100;
	[sflag:s4] =	ssyncadd.s32 $0xFFFFC000  }
0x20: {  	[tilespmem:s6], [sflag:$0x1] =	stream.indirect.gather [hbm4b:s2+s5], $0x80, s9, s5, $0xb8;
	[tilespmem:$0x8800] =	vst v63  }
0x21: {  	_ =	swait.ge [sflag:s10], $0x4000  }
0x22: {  	[sflag:s10] =	ssyncset.done $0x0  }
0x23: {  	s11 =	rddreg [dreg:$0x6];
	[sflag:s10] =	ssyncadd.s32 $0xFFFFC000  }
0x24: {  	[hbm4b:s11+s3] =	stream.linear.scatter [tilespmem:s7], [sflag:$0x3], $0x4000, $0x38;
	[tilespmem:$0x8800] =	vst v63  }
0x25: {  	_ =	swait.ge [sflag:s4], $0x4000  }
0x26: {  	[sflag:s4] =	ssyncset.done $0x0  }
0x27: {  	s11 =	simm.s32 $0x180;
	[sflag:s4] =	ssyncadd.s32 $0xFFFFC000  }
0x28: {  	[tilespmem:s7], [sflag:$0x2] =	stream.indirect.gather [hbm4b:s2+s5], $0x80, s11, s5, $0xb8;
	[tilespmem:$0x8800] =	vst v63  }
0x29: {  	_ =	swait.ge [sflag:s8], $0x4000  }
0x2a: {  	[sflag:s8] =	ssyncset.done $0x0  }
0x2b: {  	s12 =	rddreg [dreg:$0x7];
	[sflag:s8] =	ssyncadd.s32 $0xFFFFC000  }
0x2c: {  	[hbm4b:s12+s3] =	stream.linear.scatter [tilespmem:s6], [sflag:$0x3], $0x4000, $0x38;
	[tilespmem:$0x8800] =	vst v63  }
0x2d: {  	_ =	swait.ge [sflag:s4], $0x4000  }
0x2e: {  	[sflag:s4] =	ssyncset.done $0x0  }
0x2f: {  	s12 =	simm.s32 $0x200;
	[sflag:s4] =	ssyncadd.s32 $0xFFFFC000  }
0x30: {  	[tilespmem:s6], [sflag:$0x1] =	stream.indirect.gather [hbm4b:s2+s5], $0x80, s12, s5, $0xb8;
	[tilespmem:$0x8800] =	vst v63  }
0x31: {  	_ =	swait.ge [sflag:s10], $0x4000  }
0x32: {  	[sflag:s10] =	ssyncset.done $0x0  }
0x33: {  	s13 =	rddreg [dreg:$0x8];
	[sflag:s10] =	ssyncadd.s32 $0xFFFFC000  }
0x34: {  	[hbm4b:s13+s3] =	stream.linear.scatter [tilespmem:s7], [sflag:$0x3], $0x4000, $0x38;
	[tilespmem:$0x8800] =	vst v63  }
0x35: {  	_ =	swait.ge [sflag:s4], $0x4000  }
0x36: {  	[sflag:s4] =	ssyncset.done $0x0  }
0x37: {  	s13 =	simm.s32 $0x280;
	[sflag:s4] =	ssyncadd.s32 $0xFFFFC000  }
0x38: {  	[tilespmem:s7], [sflag:$0x2] =	stream.indirect.gather [hbm4b:s2+s5], $0x80, s13, s5, $0xb8;
	[tilespmem:$0x8800] =	vst v63  }
0x39: {  	_ =	swait.ge [sflag:s8], $0x4000  }
0x3a: {  	[sflag:s8] =	ssyncset.done $0x0  }
0x3b: {  	s14 =	rddreg [dreg:$0x9];
	[sflag:s8] =	ssyncadd.s32 $0xFFFFC000  }
0x3c: {  	[hbm4b:s14+s3] =	stream.linear.scatter [tilespmem:s6], [sflag:$0x3], $0x4000, $0x38;
	[tilespmem:$0x8800] =	vst v63  }
0x3d: {  	_ =	swait.ge [sflag:s4], $0x4000  }
0x3e: {  	[sflag:s4] =	ssyncset.done $0x0  }
0x3f: {  	s14 =	simm.s32 $0x300;
	[sflag:s4] =	ssyncadd.s32 $0xFFFFC000  }
0x40: {  	[tilespmem:s6], [sflag:$0x1] =	stream.indirect.gather [hbm4b:s2+s5], $0x80, s14, s5, $0xb8;
	[tilespmem:$0x8800] =	vst v63  }
0x41: {  	_ =	swait.ge [sflag:s10], $0x4000  }
0x42: {  	[sflag:s10] =	ssyncset.done $0x0  }
0x43: {  	s15 =	rddreg [dreg:$0xa];
	[sflag:s10] =	ssyncadd.s32 $0xFFFFC000  }
0x44: {  	[hbm4b:s15+s3] =	stream.linear.scatter [tilespmem:s7], [sflag:$0x3], $0x4000, $0x38;
	[tilespmem:$0x8800] =	vst v63  }
0x45: {  	_ =	swait.ge [sflag:s4], $0x4000  }
0x46: {  	[sflag:s4] =	ssyncset.done $0x0  }
0x47: {  	s15 =	simm.s32 $0x380;
	[sflag:s4] =	ssyncadd.s32 $0xFFFFC000  }
0x48: {  	[tilespmem:s7], [sflag:$0x2] =	stream.indirect.gather [hbm4b:s2+s5], $0x80, s15, s5, $0xb8;
	[tilespmem:$0x8800] =	vst v63  }
0x49: {  	_ =	swait.ge [sflag:s8], $0x4000  }
0x4a: {  	[sflag:s8] =	ssyncset.done $0x0  }
0x4b: {  	s16 =	rddreg [dreg:$0xb];
	[sflag:s8] =	ssyncadd.s32 $0xFFFFC000  }
0x4c: {  	[hbm4b:s16+s3] =	stream.linear.scatter [tilespmem:s6], [sflag:$0x3], $0x4000, $0x38;
	[tilespmem:$0x8800] =	vst v63  }
0x4d: {  	_ =	swait.ge [sflag:s4], $0x4000  }
0x4e: {  	[sflag:s4] =	ssyncset.done $0x0  }
0x4f: {  	s16 =	simm.s32 $0x400;
	[sflag:s4] =	ssyncadd.s32 $0xFFFFC000  }
0x50: {  	[tilespmem:s6], [sflag:$0x1] =	stream.indirect.gather [hbm4b:s2+s5], $0x80, s16, s5, $0xb8;
	[tilespmem:$0x8800] =	vst v63  }
0x51: {  	_ =	swait.ge [sflag:s10], $0x4000  }
0x52: {  	[sflag:s10] =	ssyncset.done $0x0  }
0x53: {  	s17 =	rddreg [dreg:$0xc];
	[sflag:s10] =	ssyncadd.s32 $0xFFFFC000  }
0x54: {  	[hbm4b:s17+s3] =	stream.linear.scatter [tilespmem:s7], [sflag:$0x3], $0x4000, $0x38;
	[tilespmem:$0x8800] =	vst v63  }
0x55: {  	_ =	swait.ge [sflag:s4], $0x4000  }
0x56: {  	[sflag:s4] =	ssyncset.done $0x0  }
0x57: {  	s17 =	simm.s32 $0x480;
	[sflag:s4] =	ssyncadd.s32 $0xFFFFC000  }
0x58: {  	[tilespmem:s7], [sflag:$0x2] =	stream.indirect.gather [hbm4b:s2+s5], $0x80, s17, s5, $0xb8;
	[tilespmem:$0x8800] =	vst v63  }
0x59: {  	_ =	swait.ge [sflag:s8], $0x4000  }
0x5a: {  	[sflag:s8] =	ssyncset.done $0x0  }
0x5b: {  	s18 =	rddreg [dreg:$0xd];
	[sflag:s8] =	ssyncadd.s32 $0xFFFFC000  }
0x5c: {  	[hbm4b:s18+s3] =	stream.linear.scatter [tilespmem:s6], [sflag:$0x3], $0x4000, $0x38;
	[tilespmem:$0x8800] =	vst v63  }
0x5d: {  	_ =	swait.ge [sflag:s4], $0x4000  }
0x5e: {  	[sflag:s4] =	ssyncset.done $0x0  }
0x5f: {  	s18 =	simm.s32 $0x500;
	[sflag:s4] =	ssyncadd.s32 $0xFFFFC000  }
0x60: {  	[tilespmem:s6], [sflag:$0x1] =	stream.indirect.gather [hbm4b:s2+s5], $0x80, s18, s5, $0xb8;
	[tilespmem:$0x8800] =	vst v63  }
0x61: {  	_ =	swait.ge [sflag:s10], $0x4000  }
0x62: {  	[sflag:s10] =	ssyncset.done $0x0  }
0x63: {  	s19 =	sadd.s32 $0x108200, s31;
	[sflag:s10] =	ssyncadd.s32 $0xFFFFC000  }
0x64: {  	[hbm4b:s19+s3] =	stream.linear.scatter [tilespmem:s7], [sflag:$0x3], $0x4000, $0x38;
	[tilespmem:$0x8800] =	vst v63  }
0x65: {  	_ =	swait.ge [sflag:s4], $0x4000  }
0x66: {  	[sflag:s4] =	ssyncset.done $0x0  }
0x67: {  	s20 =	simm.s32 $0x580;
	[sflag:s4] =	ssyncadd.s32 $0xFFFFC000  }
0x68: {  	[tilespmem:s7], [sflag:$0x2] =	stream.indirect.gather [hbm4b:s2+s5], $0x80, s20, s5, $0xb8;
	[tilespmem:$0x8800] =	vst v63  }
0x69: {  	_ =	swait.ge [sflag:s8], $0x4000  }
0x6a: {  	[sflag:s8] =	ssyncset.done $0x0  }
0x6b: {  	s21 =	sadd.s32 $0x108A00, s31;
	[sflag:s8] =	ssyncadd.s32 $0xFFFFC000  }
0x6c: {  	[hbm4b:s21+s3] =	stream.linear.scatter [tilespmem:s6], [sflag:$0x3], $0x4000, $0x38;
	[tilespmem:$0x8800] =	vst v63  }
0x6d: {  	_ =	swait.ge [sflag:s4], $0x4000  }
0x6e: {  	[sflag:s4] =	ssyncset.done $0x0  }
0x6f: {  	s22 =	simm.s32 $0x600;
	[sflag:s4] =	ssyncadd.s32 $0xFFFFC000  }
0x70: {  	[tilespmem:s6], [sflag:$0x1] =	stream.indirect.gather [hbm4b:s2+s5], $0x80, s22, s5, $0xb8;
	[tilespmem:$0x8800] =	vst v63  }
0x71: {  	_ =	swait.ge [sflag:s10], $0x4000  }
0x72: {  	[sflag:s10] =	ssyncset.done $0x0  }
0x73: {  	s23 =	sadd.s32 $0x109200, s31;
	[sflag:s10] =	ssyncadd.s32 $0xFFFFC000  }
0x74: {  	[hbm4b:s23+s3] =	stream.linear.scatter [tilespmem:s7], [sflag:$0x3], $0x4000, $0x38;
	[tilespmem:$0x8800] =	vst v63  }
0x75: {  	_ =	swait.ge [sflag:s4], $0x4000  }
0x76: {  	[sflag:s4] =	ssyncset.done $0x0  }
0x77: {  	s24 =	simm.s32 $0x680;
	[sflag:s4] =	ssyncadd.s32 $0xFFFFC000  }
0x78: {  	[tilespmem:s7], [sflag:$0x2] =	stream.indirect.gather [hbm4b:s2+s5], $0x80, s24, s5, $0xb8;
	[tilespmem:$0x8800] =	vst v63  }
0x79: {  	_ =	swait.ge [sflag:s8], $0x4000  }
0x7a: {  	[sflag:s8] =	ssyncset.done $0x0  }
0x7b: {  	s25 =	sadd.s32 $0x109A00, s31;
	[sflag:s8] =	ssyncadd.s32 $0xFFFFC000  }
0x7c: {  	[hbm4b:s25+s3] =	stream.linear.scatter [tilespmem:s6], [sflag:$0x3], $0x4000, $0x38;
	[tilespmem:$0x8800] =	vst v63  }
0x7d: {  	_ =	swait.ge [sflag:s4], $0x4000  }
0x7e: {  	[sflag:s4] =	ssyncset.done $0x0  }
0x7f: {  	s26 =	simm.s32 $0x700;
	[sflag:s4] =	ssyncadd.s32 $0xFFFFC000  }
0x80: {  	[tilespmem:s6], [sflag:$0x1] =	stream.indirect.gather [hbm4b:s2+s5], $0x80, s26, s5, $0xb8;
	[tilespmem:$0x8800] =	vst v63  }
0x81: {  	_ =	swait.ge [sflag:s10], $0x4000  }
0x82: {  	[sflag:s10] =	ssyncset.done $0x0  }
0x83: {  	s28 =	sadd.s32 $0x10A200, s31;
	[sflag:s10] =	ssyncadd.s32 $0xFFFFC000  }
0x84: {  	[hbm4b:s28+s3] =	stream.linear.scatter [tilespmem:s7], [sflag:$0x3], $0x4000, $0x38;
	[tilespmem:$0x8800] =	vst v63  }
0x85: {  	_ =	swait.ge [sflag:s4], $0x4000  }
0x86: {  	[sflag:s4] =	ssyncset.done $0x0  }
0x87: {  	s29 =	simm.s32 $0x780;
	[sflag:s4] =	ssyncadd.s32 $0xFFFFC000  }
0x88: {  	[tilespmem:s7], [sflag:$0x2] =	stream.indirect.gather [hbm4b:s2+s5], $0x80, s29, s5, $0xb8;
	[tilespmem:$0x8800] =	vst v63  }
0x89: {  	_ =	swait.ge [sflag:s8], $0x4000  }
0x8a: {  	s1 =	ssub.s32 $0x2, s1;
	[sflag:s8] =	ssyncset.done $0x0  }
0x8b: {  	s0 =	sshrl.u32 s1, $0x1;
	s30 =	sadd.s32 $0x10AA00, s31;
	[sflag:s8] =	ssyncadd.s32 $0xFFFFC000  }
0x8c: {  	[hbm4b:s30+s3] =	stream.linear.scatter [tilespmem:s6], [sflag:$0x3], $0x4000, $0x38;
	[tilespmem:$0x8800] =	vst v63  }
0x8d: {  	s0 =	ssub.s32 s1, s0;
	_ =	swait.ge [sflag:s4], $0x4000  }
0x8e: {  	s0 =	smax.u32 s0, $0x1;
	[sflag:s4] =	ssyncset.done $0x0  }
0x8f: {  	p0 =	sne.s32 s0, $0x1;
	[sflag:s4] =	ssyncadd.s32 $0xFFFFC000  }
.Ltmp0:
0x90: {  	_ =	swait.ge [sflag:s10], $0x4000;
	(pc) =	sbr.rel @!p0 .LBB2_2-.Ltmp0, $4  }
0x91: {  	[sflag:s10] =	ssyncset.done $0x0  }
0x92: {  	s31 =	sadd.s32 $0x10B200, s31;
	[sflag:s10] =	ssyncadd.s32 $0xFFFFC000  }
0x93: {  	[hbm4b:s31+s3] =	stream.linear.scatter [tilespmem:s7], [sflag:$0x3], $0x4000, $0x38;
	[tilespmem:$0x8800] =	vst v63  }
0x94: {  	s1 =	sadd.s32 $0xFFFFFFFF, s0;
	_ =	swait.ge [sflag:s4], $0x4000  }
.LBB2_1:
0x95: {  	[sflag:s4] =	ssyncset.done $0x0  }
0x96: {  	s0 =	rddreg [dreg:$0x4];
	[sflag:s4] =	ssyncadd.s32 $0xFFFFC000  }
0x97: {  	[tilespmem:s3], [sflag:$0x3] =	stream.linear.gather [hbm4b:s0+s3], $0x800, $0x38;
	[tilespmem:$0x8800] =	vst v63  }
0x98: {  	_ =	swait.ge [sflag:s4], $0x800  }
0x99: {  	[sflag:s4] =	ssyncset.done $0x0  }
0x9a: {  	[sflag:s4] =	ssyncadd.s32 $0xFFFFF800  }
0x9b: {  	[tilespmem:s6], [sflag:$0x1] =	stream.indirect.gather [hbm4b:s2+s5], $0x80, s3, s5, $0xb8;
	[tilespmem:$0x8800] =	vst v63  }
0x9c: {  	_ = 	snop  }
0x9d: {  	[tilespmem:s7], [sflag:$0x2] =	stream.indirect.gather [hbm4b:s2+s5], $0x80, s5, s5, $0xb8;
	[tilespmem:$0x8800] =	vst v63  }
0x9e: {  	_ =	swait.ge [sflag:s8], $0x4000  }
0x9f: {  	[sflag:s8] =	ssyncset.done $0x0  }
0xa0: {  	s0 =	rddreg [dreg:$0x5];
	[sflag:s8] =	ssyncadd.s32 $0xFFFFC000  }
0xa1: {  	[hbm4b:s0+s3] =	stream.linear.scatter [tilespmem:s6], [sflag:$0x3], $0x4000, $0x38;
	[tilespmem:$0x8800] =	vst v63  }
0xa2: {  	_ =	swait.ge [sflag:s4], $0x4000  }
0xa3: {  	[sflag:s4] =	ssyncset.done $0x0  }
0xa4: {  	[sflag:s4] =	ssyncadd.s32 $0xFFFFC000  }
0xa5: {  	[tilespmem:s6], [sflag:$0x1] =	stream.indirect.gather [hbm4b:s2+s5], $0x80, s9, s5, $0xb8;
	[tilespmem:$0x8800] =	vst v63  }
0xa6: {  	_ =	swait.ge [sflag:s10], $0x4000  }
0xa7: {  	[sflag:s10] =	ssyncset.done $0x0  }
0xa8: {  	s0 =	rddreg [dreg:$0x6];
	[sflag:s10] =	ssyncadd.s32 $0xFFFFC000  }
0xa9: {  	[hbm4b:s0+s3] =	stream.linear.scatter [tilespmem:s7], [sflag:$0x3], $0x4000, $0x38;
	[tilespmem:$0x8800] =	vst v63  }
0xaa: {  	_ =	swait.ge [sflag:s4], $0x4000  }
0xab: {  	[sflag:s4] =	ssyncset.done $0x0  }
0xac: {  	[sflag:s4] =	ssyncadd.s32 $0xFFFFC000  }
0xad: {  	[tilespmem:s7], [sflag:$0x2] =	stream.indirect.gather [hbm4b:s2+s5], $0x80, s11, s5, $0xb8;
	[tilespmem:$0x8800] =	vst v63  }
0xae: {  	_ =	swait.ge [sflag:s8], $0x4000  }
0xaf: {  	[sflag:s8] =	ssyncset.done $0x0  }
0xb0: {  	s0 =	rddreg [dreg:$0x7];
	[sflag:s8] =	ssyncadd.s32 $0xFFFFC000  }
0xb1: {  	[hbm4b:s0+s3] =	stream.linear.scatter [tilespmem:s6], [sflag:$0x3], $0x4000, $0x38;
	[tilespmem:$0x8800] =	vst v63  }
0xb2: {  	_ =	swait.ge [sflag:s4], $0x4000  }
0xb3: {  	[sflag:s4] =	ssyncset.done $0x0  }
0xb4: {  	[sflag:s4] =	ssyncadd.s32 $0xFFFFC000  }
0xb5: {  	[tilespmem:s6], [sflag:$0x1] =	stream.indirect.gather [hbm4b:s2+s5], $0x80, s12, s5, $0xb8;
	[tilespmem:$0x8800] =	vst v63  }
0xb6: {  	_ =	swait.ge [sflag:s10], $0x4000  }
0xb7: {  	[sflag:s10] =	ssyncset.done $0x0  }
0xb8: {  	s0 =	rddreg [dreg:$0x8];
	[sflag:s10] =	ssyncadd.s32 $0xFFFFC000  }
0xb9: {  	[hbm4b:s0+s3] =	stream.linear.scatter [tilespmem:s7], [sflag:$0x3], $0x4000, $0x38;
	[tilespmem:$0x8800] =	vst v63  }
0xba: {  	_ =	swait.ge [sflag:s4], $0x4000  }
0xbb: {  	[sflag:s4] =	ssyncset.done $0x0  }
0xbc: {  	[sflag:s4] =	ssyncadd.s32 $0xFFFFC000  }
0xbd: {  	[tilespmem:s7], [sflag:$0x2] =	stream.indirect.gather [hbm4b:s2+s5], $0x80, s13, s5, $0xb8;
	[tilespmem:$0x8800] =	vst v63  }
0xbe: {  	_ =	swait.ge [sflag:s8], $0x4000  }
0xbf: {  	[sflag:s8] =	ssyncset.done $0x0  }
0xc0: {  	s0 =	rddreg [dreg:$0x9];
	[sflag:s8] =	ssyncadd.s32 $0xFFFFC000  }
0xc1: {  	[hbm4b:s0+s3] =	stream.linear.scatter [tilespmem:s6], [sflag:$0x3], $0x4000, $0x38;
	[tilespmem:$0x8800] =	vst v63  }
0xc2: {  	_ =	swait.ge [sflag:s4], $0x4000  }
0xc3: {  	[sflag:s4] =	ssyncset.done $0x0  }
0xc4: {  	[sflag:s4] =	ssyncadd.s32 $0xFFFFC000  }
0xc5: {  	[tilespmem:s6], [sflag:$0x1] =	stream.indirect.gather [hbm4b:s2+s5], $0x80, s14, s5, $0xb8;
	[tilespmem:$0x8800] =	vst v63  }
0xc6: {  	_ =	swait.ge [sflag:s10], $0x4000  }
0xc7: {  	[sflag:s10] =	ssyncset.done $0x0  }
0xc8: {  	s0 =	rddreg [dreg:$0xa];
	[sflag:s10] =	ssyncadd.s32 $0xFFFFC000  }
0xc9: {  	[hbm4b:s0+s3] =	stream.linear.scatter [tilespmem:s7], [sflag:$0x3], $0x4000, $0x38;
	[tilespmem:$0x8800] =	vst v63  }
0xca: {  	_ =	swait.ge [sflag:s4], $0x4000  }
0xcb: {  	[sflag:s4] =	ssyncset.done $0x0  }
0xcc: {  	[sflag:s4] =	ssyncadd.s32 $0xFFFFC000  }
0xcd: {  	[tilespmem:s7], [sflag:$0x2] =	stream.indirect.gather [hbm4b:s2+s5], $0x80, s15, s5, $0xb8;
	[tilespmem:$0x8800] =	vst v63  }
0xce: {  	_ =	swait.ge [sflag:s8], $0x4000  }
0xcf: {  	[sflag:s8] =	ssyncset.done $0x0  }
0xd0: {  	s0 =	rddreg [dreg:$0xb];
	[sflag:s8] =	ssyncadd.s32 $0xFFFFC000  }
0xd1: {  	[hbm4b:s0+s3] =	stream.linear.scatter [tilespmem:s6], [sflag:$0x3], $0x4000, $0x38;
	[tilespmem:$0x8800] =	vst v63  }
0xd2: {  	_ =	swait.ge [sflag:s4], $0x4000  }
0xd3: {  	[sflag:s4] =	ssyncset.done $0x0  }
0xd4: {  	[sflag:s4] =	ssyncadd.s32 $0xFFFFC000  }
0xd5: {  	[tilespmem:s6], [sflag:$0x1] =	stream.indirect.gather [hbm4b:s2+s5], $0x80, s16, s5, $0xb8;
	[tilespmem:$0x8800] =	vst v63  }
0xd6: {  	_ =	swait.ge [sflag:s10], $0x4000  }
0xd7: {  	[sflag:s10] =	ssyncset.done $0x0  }
0xd8: {  	s0 =	rddreg [dreg:$0xc];
	[sflag:s10] =	ssyncadd.s32 $0xFFFFC000  }
0xd9: {  	[hbm4b:s0+s3] =	stream.linear.scatter [tilespmem:s7], [sflag:$0x3], $0x4000, $0x38;
	[tilespmem:$0x8800] =	vst v63  }
0xda: {  	_ =	swait.ge [sflag:s4], $0x4000  }
0xdb: {  	[sflag:s4] =	ssyncset.done $0x0  }
0xdc: {  	[sflag:s4] =	ssyncadd.s32 $0xFFFFC000  }
0xdd: {  	[tilespmem:s7], [sflag:$0x2] =	stream.indirect.gather [hbm4b:s2+s5], $0x80, s17, s5, $0xb8;
	[tilespmem:$0x8800] =	vst v63  }
0xde: {  	_ =	swait.ge [sflag:s8], $0x4000  }
0xdf: {  	[sflag:s8] =	ssyncset.done $0x0  }
0xe0: {  	s0 =	rddreg [dreg:$0xd];
	[sflag:s8] =	ssyncadd.s32 $0xFFFFC000  }
0xe1: {  	[hbm4b:s0+s3] =	stream.linear.scatter [tilespmem:s6], [sflag:$0x3], $0x4000, $0x38;
	[tilespmem:$0x8800] =	vst v63  }
0xe2: {  	_ =	swait.ge [sflag:s4], $0x4000  }
0xe3: {  	[sflag:s4] =	ssyncset.done $0x0  }
0xe4: {  	[sflag:s4] =	ssyncadd.s32 $0xFFFFC000  }
0xe5: {  	[tilespmem:s6], [sflag:$0x1] =	stream.indirect.gather [hbm4b:s2+s5], $0x80, s18, s5, $0xb8;
	[tilespmem:$0x8800] =	vst v63  }
0xe6: {  	_ =	swait.ge [sflag:s10], $0x4000  }
0xe7: {  	[sflag:s10] =	ssyncset.done $0x0  }
0xe8: {  	[sflag:s10] =	ssyncadd.s32 $0xFFFFC000  }
0xe9: {  	[hbm4b:s19+s3] =	stream.linear.scatter [tilespmem:s7], [sflag:$0x3], $0x4000, $0x38;
	[tilespmem:$0x8800] =	vst v63  }
0xea: {  	_ =	swait.ge [sflag:s4], $0x4000  }
0xeb: {  	[sflag:s4] =	ssyncset.done $0x0  }
0xec: {  	[sflag:s4] =	ssyncadd.s32 $0xFFFFC000  }
0xed: {  	[tilespmem:s7], [sflag:$0x2] =	stream.indirect.gather [hbm4b:s2+s5], $0x80, s20, s5, $0xb8;
	[tilespmem:$0x8800] =	vst v63  }
0xee: {  	_ =	swait.ge [sflag:s8], $0x4000  }
0xef: {  	[sflag:s8] =	ssyncset.done $0x0  }
0xf0: {  	[sflag:s8] =	ssyncadd.s32 $0xFFFFC000  }
0xf1: {  	[hbm4b:s21+s3] =	stream.linear.scatter [tilespmem:s6], [sflag:$0x3], $0x4000, $0x38;
	[tilespmem:$0x8800] =	vst v63  }
0xf2: {  	_ =	swait.ge [sflag:s4], $0x4000  }
0xf3: {  	[sflag:s4] =	ssyncset.done $0x0  }
0xf4: {  	[sflag:s4] =	ssyncadd.s32 $0xFFFFC000  }
0xf5: {  	[tilespmem:s6], [sflag:$0x1] =	stream.indirect.gather [hbm4b:s2+s5], $0x80, s22, s5, $0xb8;
	[tilespmem:$0x8800] =	vst v63  }
0xf6: {  	_ =	swait.ge [sflag:s10], $0x4000  }
0xf7: {  	[sflag:s10] =	ssyncset.done $0x0  }
0xf8: {  	[sflag:s10] =	ssyncadd.s32 $0xFFFFC000  }
0xf9: {  	[hbm4b:s23+s3] =	stream.linear.scatter [tilespmem:s7], [sflag:$0x3], $0x4000, $0x38;
	[tilespmem:$0x8800] =	vst v63  }
0xfa: {  	_ =	swait.ge [sflag:s4], $0x4000  }
0xfb: {  	[sflag:s4] =	ssyncset.done $0x0  }
0xfc: {  	[sflag:s4] =	ssyncadd.s32 $0xFFFFC000  }
0xfd: {  	[tilespmem:s7], [sflag:$0x2] =	stream.indirect.gather [hbm4b:s2+s5], $0x80, s24, s5, $0xb8;
	[tilespmem:$0x8800] =	vst v63  }
0xfe: {  	_ =	swait.ge [sflag:s8], $0x4000  }
0xff: {  	[sflag:s8] =	ssyncset.done $0x0  }
0x100: {  	[sflag:s8] =	ssyncadd.s32 $0xFFFFC000  }
0x101: {  	[hbm4b:s25+s3] =	stream.linear.scatter [tilespmem:s6], [sflag:$0x3], $0x4000, $0x38;
	[tilespmem:$0x8800] =	vst v63  }
0x102: {  	_ =	swait.ge [sflag:s4], $0x4000  }
0x103: {  	[sflag:s4] =	ssyncset.done $0x0  }
0x104: {  	[sflag:s4] =	ssyncadd.s32 $0xFFFFC000  }
0x105: {  	[tilespmem:s6], [sflag:$0x1] =	stream.indirect.gather [hbm4b:s2+s5], $0x80, s26, s5, $0xb8;
	[tilespmem:$0x8800] =	vst v63  }
0x106: {  	_ =	swait.ge [sflag:s10], $0x4000  }
0x107: {  	[sflag:s10] =	ssyncset.done $0x0  }
0x108: {  	[sflag:s10] =	ssyncadd.s32 $0xFFFFC000  }
0x109: {  	[hbm4b:s28+s3] =	stream.linear.scatter [tilespmem:s7], [sflag:$0x3], $0x4000, $0x38;
	[tilespmem:$0x8800] =	vst v63  }
0x10a: {  	_ =	swait.ge [sflag:s4], $0x4000  }
0x10b: {  	[sflag:s4] =	ssyncset.done $0x0  }
0x10c: {  	[sflag:s4] =	ssyncadd.s32 $0xFFFFC000  }
0x10d: {  	[tilespmem:s7], [sflag:$0x2] =	stream.indirect.gather [hbm4b:s2+s5], $0x80, s29, s5, $0xb8;
	[tilespmem:$0x8800] =	vst v63  }
0x10e: {  	_ =	swait.ge [sflag:s8], $0x4000  }
0x10f: {  	[sflag:s8] =	ssyncset.done $0x0  }
0x110: {  	[sflag:s8] =	ssyncadd.s32 $0xFFFFC000  }
0x111: {  	[hbm4b:s30+s3] =	stream.linear.scatter [tilespmem:s6], [sflag:$0x3], $0x4000, $0x38;
	[tilespmem:$0x8800] =	vst v63  }
0x112: {  	_ =	swait.ge [sflag:s4], $0x4000  }
0x113: {  	[sflag:s4] =	ssyncset.done $0x0  }
0x114: {  	p0 =	sne.s32 s1, $0x1;
	[sflag:s4] =	ssyncadd.s32 $0xFFFFC000  }
.Ltmp1:
0x115: {  	_ =	swait.ge [sflag:s10], $0x4000;
	(pc) =	sbr.rel @p0 .LBB2_1-.Ltmp1, $4  }
0x116: {  	[sflag:s10] =	ssyncset.done $0x0  }
0x117: {  	[sflag:s10] =	ssyncadd.s32 $0xFFFFC000  }
0x118: {  	[hbm4b:s31+s3] =	stream.linear.scatter [tilespmem:s7], [sflag:$0x3], $0x4000, $0x38;
	[tilespmem:$0x8800] =	vst v63  }
0x119: {  	s1 =	sadd.s32 $0xFFFFFFFF, s1;
	_ =	swait.ge [sflag:s4], $0x4000  }
.LBB2_2:
0x11a: {  	[sflag:s4] =	ssyncset.done $0x0  }
0x11b: {  	[sflag:s4] =	ssyncadd.s32 $0xFFFFC000  }
0x11c: {  	_ =	sfence.sel $0x180000  }
0x11d: {  	[bflag:$0x0] =	sbarrier.arrive $0xFFFF  }
0x11e: {  	_ =	strace $0x90000047  }
0x11f: {  	s0 =	stileid.u32;
	[bflag:$0x2] =	sbarrier.arrive $0xFFFF  }
0x120: {  	p0 =	sne.s32 s0, $0x0;
	s0 =	rddreg [dreg:$0x3]  }
0x121: {  	s0 =	sadd.s32 @!p0 $0x100000, s0  }
0x122: {  	[sflag:s0] =	ssyncadd.tile.s32 @!p0 $0x1;
	_ =	shalt  }
.Lfunc_end2:
_tile_overlayer_lowered:
.L_overlay_start_2:
0x123: {  	(tag) =	ssettag $0x2  }
0x124: {  	s0 =	rddreg [dreg:$0x0];
	s2 =	stileid.u32  }
0x125: {  	s1 =	rddreg [dreg:$0x1];
	p0 =	sne.s32 s2, $0x0  }
0x126: {  	s3 =	rddreg [dreg:$0x2];
	[bflag:$0x3] =	sbarrier.arrive $0xFFFF;
	s2 =	simm.s32 @!p0 $0x1C03  }
0x127: {  	[timem:s3], [sflag:s2] =	dma.local @!p0 [hbm:s0], s1  }
0x128: {  	s0 =	simm.s32 @!p0 $0x3  }
0x129: {  	_ =	swait.ge @!p0 [sflag:s0], s1  }
0x12a: {  	s1 =	ssub.s32 @!p0 $0x0, s1;
	[sflag:s0] =	ssyncset.done @!p0 $0x0  }
0x12b: {  	[sflag:s0] =	ssyncadd.s32 @!p0 s1  }
0x12c: {  	[bflag:$0x3] =	sbarrier.arrive $0xFFFF  }
0x12d: {  	_ =	shalt  }

</sc_bundles>
